<compile_context>
chip_gen: v7x
topology: tpu7x:2x2x1
jax: 0.10.2.dev20260603
libtpu: 0.0.44.dev20260713+nightly
codegen_flags: <defaults>
</compile_context>

<pallas_src>
import functools

import jax
import jax.numpy as jnp
from jax import lax
from jax.experimental import pallas as pl
from jax.experimental.pallas import tpu as pltpu
from jax.experimental.pallas import tpu_sc as plsc

BN = 8192
NQ = 2048
K = 16
H = 8
DH = 64
D = 512
AB = 512
QB = 256
CB = 128
NW = 32
ROWS = BN * K
RPW = ROWS // NW
CHUNK = 64
FW = 128


def _prep_body(x_ref, p_ref, g_ref, Wqkv_ref, Wgeo_ref, bgeo_ref, Wpos_ref,
               q_ref, kv_ref, f_ref):
    x = x_ref[...]
    qkv = jnp.dot(x, Wqkv_ref[...], preferred_element_type=jnp.float32)
    q_ref[...] = qkv[:, :D]
    kb = qkv[:, D:2 * D].astype(jnp.bfloat16).astype(jnp.float32)
    vb = qkv[:, 2 * D:].astype(jnp.bfloat16).astype(jnp.float32)
    ki = lax.bitcast_convert_type(kb, jnp.int32)
    vi = lax.bitcast_convert_type(vb, jnp.int32)
    kv_ref[...] = jnp.bitwise_or(lax.shift_right_logical(ki, 16), vi)
    a = jnp.dot(p_ref[...], Wpos_ref[...], preferred_element_type=jnp.float32)
    geo = g_ref[...]
    gw = jnp.dot(geo, Wgeo_ref[...], preferred_element_type=jnp.float32) + bgeo_ref[...]
    n3 = geo[:, :3]
    nrm = jnp.sqrt(jnp.sum(n3 * n3, axis=-1, keepdims=True))
    gn = n3 / jnp.maximum(nrm, 1e-8)
    pad = jnp.zeros((AB, FW - 75), jnp.float32)
    f_ref[...] = jnp.concatenate([a, gn, gw, pad], axis=-1)


def _topk_body(pq_ref, pT_ref, idx_ref):
    b = pl.program_id(0)
    i = pl.program_id(1)
    pq = pq_ref[0]
    sq = jnp.zeros((QB, NQ), jnp.float32)
    for c in range(3):
        dc = pq[:, c:c + 1] - pT_ref[0, c:c + 1, :]
        sq = sq + dc * dc
    iota = lax.broadcasted_iota(jnp.int32, (1, NQ), 1)
    rows = i * QB + lax.broadcasted_iota(jnp.int32, (QB,), 0)
    sq = jnp.where(iota == rows[:, None], jnp.inf, sq)
    cols = [rows]
    for _ in range(K - 1):
        m = jnp.min(sq, axis=-1, keepdims=True)
        eq = sq == m
        am = jnp.min(jnp.where(eq, iota, NQ), axis=-1)
        cols.append(am)
        sq = jnp.where(eq, jnp.inf, sq)
    idx = jnp.stack(cols, axis=-1) + b * NQ
    idx_ref[0] = idx.astype(jnp.int32)


def _attn_body(q_ref, fq_ref, kvg_ref, fg_ref, Wp_ref, bpos_ref, bproj_ref,
               seg_ref, exp_ref, tile_ref, sumk_ref, o_ref):
    scale = float(D) ** -0.5
    R = CB * K
    q = q_ref[...]
    fq = fq_ref[...]
    kv = kvg_ref[...]
    k_rows = lax.bitcast_convert_type(lax.shift_left(kv, 16), jnp.float32)
    v_rows = lax.bitcast_convert_type(
        jnp.bitwise_and(kv, jnp.int32(-65536)), jnp.float32)
    fg = fg_ref[...]

    q_rep = jnp.broadcast_to(q[:, None, :], (CB, K, D)).reshape(R, D)
    fq_rep = jnp.broadcast_to(fq[:, None, :], (CB, K, FW)).reshape(R, FW)

    pos = jax.nn.relu(fq_rep[:, 0:64] - fg[:, 0:64] + bpos_ref[...])
    pos_rep = jnp.dot(pos.astype(jnp.bfloat16), tile_ref[...],
                      preferred_element_type=jnp.float32)

    cos = jnp.sum(fq_rep[:, 64:67] * fg[:, 64:67], axis=-1, keepdims=True)

    m = scale * k_rows + 0.5 * pos_rep
    dots = jnp.dot((q_rep * m).astype(jnp.bfloat16), seg_ref[...],
                   preferred_element_type=jnp.float32)
    dots = dots + 0.3 * cos * fq_rep[:, 67:75]

    d3 = dots.reshape(CB, K, H)
    mx = jnp.max(d3, axis=1, keepdims=True)
    e = jnp.exp(d3 - mx)
    attn = (e / jnp.sum(e, axis=1, keepdims=True)).reshape(R, H)

    attn_rep = jnp.dot(attn, exp_ref[...], preferred_element_type=jnp.float32)
    of = attn_rep * (v_rows + pos_rep)
    out = jnp.dot(sumk_ref[...], of.astype(jnp.bfloat16),
                  preferred_element_type=jnp.float32)
    o_ref[...] = (jnp.dot(out.astype(jnp.bfloat16),
                          Wp_ref[...].astype(jnp.bfloat16),
                          preferred_element_type=jnp.float32)
                  + bproj_ref[...])


def _make_sc_gather(rows):
    rpw = rows // NW
    mesh = plsc.VectorSubcoreMesh(core_axis_name="c", subcore_axis_name="s")

    @functools.partial(
        pl.kernel, mesh=mesh,
        out_type=(jax.ShapeDtypeStruct((rows, D), jnp.int32),
                  jax.ShapeDtypeStruct((rows, FW), jnp.float32)),
        scratch_types=[
            pltpu.VMEM((rpw,), jnp.int32),
            pltpu.VMEM((CHUNK, D), jnp.int32),
            pltpu.VMEM((CHUNK, D), jnp.int32),
            pltpu.VMEM((CHUNK, FW), jnp.float32),
            pltpu.VMEM((CHUNK, FW), jnp.float32),
            pltpu.SemaphoreType.DMA,
            pltpu.SemaphoreType.DMA,
        ],
    )
    def sc_gather(kv_hbm, f_hbm, idx_hbm, kv_out, f_out,
                  idx_all, kv0, kv1, f0, f1, s0, s1):
        wid = lax.axis_index("s") * 2 + lax.axis_index("c")
        base = wid * rpw
        pltpu.sync_copy(idx_hbm.at[pl.ds(base, rpw)], idx_all)

        def body(p, carry):
            l0 = 2 * p * CHUNK
            l1 = l0 + CHUNK
            ck0 = pltpu.async_copy(kv_hbm.at[idx_all.at[pl.ds(l0, CHUNK)]], kv0, s0)
            cf0 = pltpu.async_copy(f_hbm.at[idx_all.at[pl.ds(l0, CHUNK)]], f0, s0)
            ck1 = pltpu.async_copy(kv_hbm.at[idx_all.at[pl.ds(l1, CHUNK)]], kv1, s1)
            cf1 = pltpu.async_copy(f_hbm.at[idx_all.at[pl.ds(l1, CHUNK)]], f1, s1)
            ck0.wait()
            cf0.wait()
            pltpu.sync_copy(kv0, kv_out.at[pl.ds(base + l0, CHUNK)])
            pltpu.sync_copy(f0, f_out.at[pl.ds(base + l0, CHUNK)])
            ck1.wait()
            cf1.wait()
            pltpu.sync_copy(kv1, kv_out.at[pl.ds(base + l1, CHUNK)])
            pltpu.sync_copy(f1, f_out.at[pl.ds(base + l1, CHUNK)])
            return carry

        lax.fori_loop(0, rpw // (2 * CHUNK), body, 0)

    return sc_gather


_sc_gather_built = {}


def _sc_gather(kv_tab, f_tab, idx_flat):
    rows = idx_flat.shape[0]
    if rows not in _sc_gather_built:
        _sc_gather_built[rows] = _make_sc_gather(rows)
    return _sc_gather_built[rows](kv_tab, f_tab, idx_flat)


def _prep_call(x2, p2, g2, W_qkv, W_geo, b_geo, W_pos):
    grid = (BN // AB,)
    return pl.pallas_call(
        _prep_body,
        grid=grid,
        in_specs=[
            pl.BlockSpec((AB, D), lambda i: (i, 0)),
            pl.BlockSpec((AB, 3), lambda i: (i, 0)),
            pl.BlockSpec((AB, 4), lambda i: (i, 0)),
            pl.BlockSpec((D, 3 * D), lambda i: (0, 0)),
            pl.BlockSpec((4, H), lambda i: (0, 0)),
            pl.BlockSpec((1, H), lambda i: (0, 0)),
            pl.BlockSpec((3, DH), lambda i: (0, 0)),
        ],
        out_specs=[
            pl.BlockSpec((AB, D), lambda i: (i, 0)),
            pl.BlockSpec((AB, D), lambda i: (i, 0)),
            pl.BlockSpec((AB, FW), lambda i: (i, 0)),
        ],
        out_shape=[
            jax.ShapeDtypeStruct((BN, D), jnp.float32),
            jax.ShapeDtypeStruct((BN, D), jnp.int32),
            jax.ShapeDtypeStruct((BN, FW), jnp.float32),
        ],
    )(x2, p2, g2, W_qkv, W_geo, b_geo.reshape(1, H), W_pos)


def _topk_call(points, pT):
    nb = points.shape[0]
    grid = (nb, NQ // QB)
    return pl.pallas_call(
        _topk_body,
        grid=grid,
        in_specs=[
            pl.BlockSpec((1, QB, 3), lambda b, i: (b, i, 0)),
            pl.BlockSpec((1, 3, NQ), lambda b, i: (b, 0, 0)),
        ],
        out_specs=pl.BlockSpec((1, QB, K), lambda b, i: (b, i, 0)),
        out_shape=jax.ShapeDtypeStruct((nb, NQ, K), jnp.int32),
    )(points, pT)


def _attn_consts():
    lane_head = jnp.arange(D, dtype=jnp.int32) // DH
    seg = (lane_head[:, None] == jnp.arange(H, dtype=jnp.int32)[None, :]
           ).astype(jnp.bfloat16)
    expm = seg.T.astype(jnp.float32)
    lane = jnp.arange(D, dtype=jnp.int32) % DH
    tile = (jnp.arange(DH, dtype=jnp.int32)[:, None] == lane[None, :]
            ).astype(jnp.bfloat16)
    row_q = jnp.arange(CB * K, dtype=jnp.int32) // K
    sumk = (jnp.arange(CB, dtype=jnp.int32)[:, None] == row_q[None, :]
            ).astype(jnp.bfloat16)
    return seg, expm, tile, sumk


def _attn_call(q_tab, f_tab, kv_g, f_g, W_proj, b_pos, b_proj, consts, boff):
    rows = kv_g.shape[0]
    nq_rows = rows // K
    grid = (nq_rows // CB,)
    seg, expm, tile, sumk = consts
    return pl.pallas_call(
        _attn_body,
        grid=grid,
        in_specs=[
            pl.BlockSpec((CB, D), lambda i, _b=boff: (_b + i, 0)),
            pl.BlockSpec((CB, FW), lambda i, _b=boff: (_b + i, 0)),
            pl.BlockSpec((CB * K, D), lambda i: (i, 0)),
            pl.BlockSpec((CB * K, FW), lambda i: (i, 0)),
            pl.BlockSpec((D, D), lambda i: (0, 0)),
            pl.BlockSpec((1, DH), lambda i: (0, 0)),
            pl.BlockSpec((1, D), lambda i: (0, 0)),
            pl.BlockSpec((D, H), lambda i: (0, 0)),
            pl.BlockSpec((H, D), lambda i: (0, 0)),
            pl.BlockSpec((DH, D), lambda i: (0, 0)),
            pl.BlockSpec((CB, CB * K), lambda i: (0, 0)),
        ],
        out_specs=pl.BlockSpec((CB, D), lambda i: (i, 0)),
        out_shape=jax.ShapeDtypeStruct((nq_rows, D), jnp.float32),
    )(q_tab, f_tab, kv_g, f_g, W_proj, b_pos, b_proj, seg, expm, tile, sumk)


def kernel(x, points, geo_features, W_qkv, W_geo, b_geo, W_pos, b_pos, W_proj, b_proj):
    b, n, d = x.shape
    x2 = x.reshape(BN, D)
    p2 = points.reshape(BN, 3)
    g2 = geo_features.reshape(BN, 4)
    q_tab, kv_tab, f_tab = _prep_call(x2, p2, g2, W_qkv, W_geo, b_geo, W_pos)
    pT = points.transpose(0, 2, 1)
    consts = _attn_consts()
    bp = b_pos.reshape(1, DH)
    bpr = b_proj.reshape(1, D)
    outs = []
    for bb in range(b):
        idx_b = _topk_call(points[bb:bb + 1], pT[bb:bb + 1])
        idx_flat = idx_b.reshape(n * K) + jnp.int32(bb * NQ)
        kv_g, f_g = _sc_gather(kv_tab, f_tab, idx_flat)
        outs.append(_attn_call(q_tab, f_tab, kv_g, f_g, W_proj, bp, bpr,
                               consts, boff=bb * (NQ // CB)))
    return jnp.concatenate(outs, axis=0).reshape(b, n, d)

# --- scband reference (transcript-rebuilt; emitter-appended) ---
"""Pipeline reference for scband-geometric-attention-86431921865223 (READ-ONLY COPY).

The authoritative reference and input builder live on the scoring server;
editing this copy changes nothing except your own understanding.
"""

import jax, jax.numpy as jnp
import numpy as np

B, N, D, H, K = 4, 2048, 512, 8, 16
DH = D // H


def setup_inputs(seed: int = 0) -> dict:
    key = jax.random.key(seed)
    ks = jax.random.split(key, 8)
    s = 0.02
    x = jax.random.normal(ks[0], (B, N, D), jnp.float32)
    points = jax.random.normal(ks[1], (B, N, 3), jnp.float32)
    geo_features = jax.random.normal(ks[2], (B, N, 4), jnp.float32)
    W_qkv = jax.random.normal(ks[3], (D, 3 * D), jnp.float32) * s
    W_geo = jax.random.normal(ks[4], (4, H), jnp.float32) * s
    b_geo = jnp.zeros((H,), jnp.float32)
    W_pos = jax.random.normal(ks[5], (3, DH), jnp.float32) * s
    b_pos = jnp.zeros((DH,), jnp.float32)
    W_proj = jax.random.normal(ks[6], (D, D), jnp.float32) * s
    b_proj = jnp.zeros((D,), jnp.float32)
    return {"x": x, "points": points, "geo_features": geo_features,
            "W_qkv": W_qkv, "W_geo": W_geo, "b_geo": b_geo,
            "W_pos": W_pos, "b_pos": b_pos, "W_proj": W_proj, "b_proj": b_proj}


def reference(x, points, geo_features, W_qkv, W_geo, b_geo, W_pos, b_pos, W_proj, b_proj):
    b, n, d = x.shape
    h = W_geo.shape[1]
    dh = d // h
    scale = d ** (-0.5)
    qkv = x @ W_qkv
    q, k, v = jnp.split(qkv, 3, axis=-1)
    split_heads = lambda t: t.reshape(b, n, h, dh).transpose(0, 2, 1, 3)
    q, k, v = split_heads(q), split_heads(k), split_heads(v)
    # pairwise distances (cdist) and kNN
    diff = points[:, :, None, :] - points[:, None, :, :]           # [B,N,N,3]
    sq = jnp.sum(diff * diff, axis=-1)
    dists = jnp.sqrt(jnp.maximum(sq, 0.0))
    _, knn_idx = jax.lax.top_k(-jax.lax.stop_gradient(dists), K)   # [B,N,K] smallest dists
    # geometric weights per head
    geo_weights = geo_features @ W_geo + b_geo                     # [B,N,H]
    geo_weights = geo_weights.transpose(0, 2, 1)[..., None]        # [B,H,N,1]
    # relative positions of k nearest neighbors
    rel_pos = jnp.take_along_axis(diff, knn_idx[:, :, :, None], axis=2)   # [B,N,K,3]
    pos_enc = jax.nn.relu(rel_pos @ W_pos + b_pos)                 # [B,N,K,dh]
    pos_enc_h = jnp.broadcast_to(pos_enc[:, None], (b, h, n, K, dh))
    # gather neighbor keys / values
    idx5 = knn_idx[:, None, :, :, None]                            # [B,1,N,K,1]
    k_g = jnp.take_along_axis(k[:, :, None, :, :], idx5, axis=3)   # [B,H,N,K,dh]
    v_g = jnp.take_along_axis(v[:, :, None, :, :], idx5, axis=3)   # [B,H,N,K,dh]
    dots = jnp.einsum('bhid,bhijd->bhij', q, k_g) * scale
    dots = dots + jnp.einsum('bhid,bhijd->bhij', q, pos_enc_h) * 0.5
    # neighbor geometric features + cosine similarity of normals
    knn_geo = jnp.take_along_axis(geo_features[:, None, :, :], knn_idx[:, :, :, None], axis=2)  # [B,N,K,4]
    na = geo_features[:, :, None, :3]                              # [B,N,1,3]
    nb = knn_geo[..., :3]                                          # [B,N,K,3]
    eps = 1e-8
    cos = jnp.sum(na * nb, axis=-1) / (jnp.maximum(jnp.linalg.norm(na, axis=-1), eps) * jnp.maximum(jnp.linalg.norm(nb, axis=-1), eps))
    normal_sim = cos[:, None]                                      # [B,1,N,K]
    dots = dots + 0.3 * normal_sim * geo_weights
    attn = jax.nn.softmax(dots, axis=-1)
    # dropout is identity in eval mode
    out = jnp.einsum('bhij,bhijd->bhid', attn, v_g + pos_enc_h)    # [B,H,N,dh]
    out = out.transpose(0, 2, 1, 3).reshape(b, n, d)
    return out @ W_proj + b_proj

if __name__ == "__main__":
    import jax
    _d = setup_inputs()
    print(jax.jit(kernel)(*tuple(_d.values())))

</pallas_src>

<mosaic_0001>
#map = affine_map<(d0, d1) -> (0, 0)>
#map1 = affine_map<(d0, d1) -> (0)>
module attributes {stable_mosaic.version = 14 : i64} {
  func.func @sc_gather(%arg0: i32, %arg1: i32, %arg2: memref<8192x512xi32, #tpu.memory_space<hbm>>, %arg3: memref<8192x128xf32, #tpu.memory_space<hbm>>, %arg4: memref<32768xi32, #tpu.memory_space<hbm>>, %arg5: memref<32768x512xi32, #tpu.memory_space<hbm>>, %arg6: memref<32768x128xf32, #tpu.memory_space<hbm>>, %arg7: memref<1024xi32, #tpu.memory_space<vmem>>, %arg8: memref<64x512xi32, #tpu.memory_space<vmem>>, %arg9: memref<64x512xi32, #tpu.memory_space<vmem>>, %arg10: memref<64x128xf32, #tpu.memory_space<vmem>>, %arg11: memref<64x128xf32, #tpu.memory_space<vmem>>, %arg12: memref<!tpu.dma_semaphore, #tpu.memory_space<semaphore_mem>>, %arg13: memref<!tpu.dma_semaphore, #tpu.memory_space<semaphore_mem>>) attributes {dimension_semantics = [#tpu.dimension_semantics<core_parallel>, #tpu.dimension_semantics<subcore_parallel>], iteration_bounds = array<i64: 2, 16>, scalar_prefetch = 0 : i64, scratch_operands = 7 : i64, tpu.core_type = #tpu.core_type<sc_vector_subcore>, window_params = [{transform_indices = #map}, {transform_indices = #map}, {transform_indices = #map1}, {transform_indices = #map}, {transform_indices = #map}]} {
    %mul3A = arith.constant 2 : i32
    %mul3A_0 = arith.muli %arg1, %mul3A : i32
    %add3A = arith.addi %mul3A_0, %arg0 : i32
    %mul3A_1 = arith.constant 1024 : i32
    %mul3A_2 = arith.muli %add3A, %mul3A_1 : i32
    "tpu.region"() ({
      %run_scoped3A = tpu.sem_alloc : memref<!tpu.dma_semaphore, #tpu.memory_space<semaphore_mem>>
      %dma_start3A = tpu.memref_slice %arg4[%mul3A_2] : memref<32768xi32, #tpu.memory_space<hbm>> -> memref<1024xi32, #tpu.memory_space<hbm>>
      %dma_start3A_8 = tpu.memref_slice %arg4[%mul3A_2] : memref<32768xi32, #tpu.memory_space<hbm>> -> memref<1024xi32, #tpu.memory_space<hbm>>
      tpu.enqueue_dma source(%dma_start3A_8 : memref<1024xi32, #tpu.memory_space<hbm>>) target(%arg7 : memref<1024xi32, #tpu.memory_space<vmem>>) target_semaphore(%run_scoped3A : memref<!tpu.dma_semaphore, #tpu.memory_space<semaphore_mem>>)
      %dma_wait3A = tpu.memref_slice %arg4[%mul3A_2] : memref<32768xi32, #tpu.memory_space<hbm>> -> memref<1024xi32, #tpu.memory_space<hbm>>
      %dma_wait3A_9 = tpu.memref_slice %arg4[%mul3A_2] : memref<32768xi32, #tpu.memory_space<hbm>> -> memref<1024xi32, #tpu.memory_space<hbm>>
      tpu.wait_dma2 semaphore(%run_scoped3A : memref<!tpu.dma_semaphore, #tpu.memory_space<semaphore_mem>>) src(%dma_wait3A_9 : memref<1024xi32, #tpu.memory_space<hbm>>) dst(%arg7 : memref<1024xi32, #tpu.memory_space<vmem>>)
      tpu.yield
    }) : () -> ()
    %scan3A = arith.constant 0 : i32
    %scan3A_3 = arith.constant 0 : i32
    %scan3A_4 = arith.constant 8 : i32
    %scan3A_5 = arith.addi %scan3A_3, %scan3A_4 : i32
    %scan3A_6 = arith.constant 1 : i32
    scf.for %scan3A_8 = %scan3A_3 to %scan3A_5 step %scan3A_6  : i32 {
      %mul3A_9 = arith.constant 2 : i32
      %mul3A_10 = arith.muli %mul3A_9, %scan3A_8 : i32
      %mul3A_11 = arith.constant 64 : i32
      %mul3A_12 = arith.muli %mul3A_10, %mul3A_11 : i32
      %add3A_13 = arith.constant 64 : i32
      %add3A_14 = arith.addi %mul3A_12, %add3A_13 : i32
      %dma_start3A = tpu.memref_slice %arg7[%mul3A_12] : memref<1024xi32, #tpu.memory_space<vmem>> -> memref<64xi32, #tpu.memory_space<vmem>>
      %dma_start3A_15 = arith.constant 0 : i32
      %dma_start3A_16 = arith.constant 0 : i32
      %dma_start3A_17 = tpu.memref_slice %arg2[%dma_start3A_15, %dma_start3A_16] : memref<8192x512xi32, #tpu.memory_space<hbm>> -> memref<8192x512xi32, #tpu.memory_space<hbm>>
      tpu.enqueue_indirect_dma source(%dma_start3A_17 : memref<8192x512xi32, #tpu.memory_space<hbm>>) target(%arg8 : memref<64x512xi32, #tpu.memory_space<vmem>>) offsets(%dma_start3A : memref<64xi32, #tpu.memory_space<vmem>>) semaphore(%arg12 : memref<!tpu.dma_semaphore, #tpu.memory_space<semaphore_mem>>)
      %dma_start3A_18 = tpu.memref_slice %arg7[%mul3A_12] : memref<1024xi32, #tpu.memory_space<vmem>> -> memref<64xi32, #tpu.memory_space<vmem>>
      %dma_start3A_19 = arith.constant 0 : i32
      %dma_start3A_20 = arith.constant 0 : i32
      %dma_start3A_21 = tpu.memref_slice %arg3[%dma_start3A_19, %dma_start3A_20] : memref<8192x128xf32, #tpu.memory_space<hbm>> -> memref<8192x128xf32, #tpu.memory_space<hbm>>
      tpu.enqueue_indirect_dma source(%dma_start3A_21 : memref<8192x128xf32, #tpu.memory_space<hbm>>) target(%arg10 : memref<64x128xf32, #tpu.memory_space<vmem>>) offsets(%dma_start3A_18 : memref<64xi32, #tpu.memory_space<vmem>>) semaphore(%arg12 : memref<!tpu.dma_semaphore, #tpu.memory_space<semaphore_mem>>)
      %dma_start3A_22 = tpu.memref_slice %arg7[%add3A_14] : memref<1024xi32, #tpu.memory_space<vmem>> -> memref<64xi32, #tpu.memory_space<vmem>>
      %dma_start3A_23 = arith.constant 0 : i32
      %dma_start3A_24 = arith.constant 0 : i32
      %dma_start3A_25 = tpu.memref_slice %arg2[%dma_start3A_23, %dma_start3A_24] : memref<8192x512xi32, #tpu.memory_space<hbm>> -> memref<8192x512xi32, #tpu.memory_space<hbm>>
      tpu.enqueue_indirect_dma source(%dma_start3A_25 : memref<8192x512xi32, #tpu.memory_space<hbm>>) target(%arg9 : memref<64x512xi32, #tpu.memory_space<vmem>>) offsets(%dma_start3A_22 : memref<64xi32, #tpu.memory_space<vmem>>) semaphore(%arg13 : memref<!tpu.dma_semaphore, #tpu.memory_space<semaphore_mem>>)
      %dma_start3A_26 = tpu.memref_slice %arg7[%add3A_14] : memref<1024xi32, #tpu.memory_space<vmem>> -> memref<64xi32, #tpu.memory_space<vmem>>
      %dma_start3A_27 = arith.constant 0 : i32
      %dma_start3A_28 = arith.constant 0 : i32
      %dma_start3A_29 = tpu.memref_slice %arg3[%dma_start3A_27, %dma_start3A_28] : memref<8192x128xf32, #tpu.memory_space<hbm>> -> memref<8192x128xf32, #tpu.memory_space<hbm>>
      tpu.enqueue_indirect_dma source(%dma_start3A_29 : memref<8192x128xf32, #tpu.memory_space<hbm>>) target(%arg11 : memref<64x128xf32, #tpu.memory_space<vmem>>) offsets(%dma_start3A_26 : memref<64xi32, #tpu.memory_space<vmem>>) semaphore(%arg13 : memref<!tpu.dma_semaphore, #tpu.memory_space<semaphore_mem>>)
      %dma_wait3A = tpu.memref_slice %arg7[%mul3A_12] : memref<1024xi32, #tpu.memory_space<vmem>> -> memref<64xi32, #tpu.memory_space<vmem>>
      %dma_wait3A_30 = arith.constant 0 : i32
      %dma_wait3A_31 = arith.constant 0 : i32
      %dma_wait3A_32 = tpu.memref_slice %arg2[%dma_wait3A_30, %dma_wait3A_31] : memref<8192x512xi32, #tpu.memory_space<hbm>> -> memref<8192x512xi32, #tpu.memory_space<hbm>>
      tpu.wait_indirect_dma semaphore(%arg12 : memref<!tpu.dma_semaphore, #tpu.memory_space<semaphore_mem>>) src(%dma_wait3A_32 : memref<8192x512xi32, #tpu.memory_space<hbm>>) dst(%arg8 : memref<64x512xi32, #tpu.memory_space<vmem>>)
      %dma_wait3A_33 = tpu.memref_slice %arg7[%mul3A_12] : memref<1024xi32, #tpu.memory_space<vmem>> -> memref<64xi32, #tpu.memory_space<vmem>>
      %dma_wait3A_34 = arith.constant 0 : i32
      %dma_wait3A_35 = arith.constant 0 : i32
      %dma_wait3A_36 = tpu.memref_slice %arg3[%dma_wait3A_34, %dma_wait3A_35] : memref<8192x128xf32, #tpu.memory_space<hbm>> -> memref<8192x128xf32, #tpu.memory_space<hbm>>
      tpu.wait_indirect_dma semaphore(%arg12 : memref<!tpu.dma_semaphore, #tpu.memory_space<semaphore_mem>>) src(%dma_wait3A_36 : memref<8192x128xf32, #tpu.memory_space<hbm>>) dst(%arg10 : memref<64x128xf32, #tpu.memory_space<vmem>>)
      %add3A_37 = arith.addi %mul3A_2, %mul3A_12 : i32
      "tpu.region"() ({
        %run_scoped3A = tpu.sem_alloc : memref<!tpu.dma_semaphore, #tpu.memory_space<semaphore_mem>>
        %dma_start3A_49 = arith.constant 0 : i32
        %dma_start3A_50 = tpu.memref_slice %arg5[%add3A_37, %dma_start3A_49] : memref<32768x512xi32, #tpu.memory_space<hbm>> -> memref<64x512xi32, #tpu.memory_space<hbm>>
        %dma_start3A_51 = arith.constant 0 : i32
        %dma_start3A_52 = tpu.memref_slice %arg5[%add3A_37, %dma_start3A_51] : memref<32768x512xi32, #tpu.memory_space<hbm>> -> memref<64x512xi32, #tpu.memory_space<hbm>>
        tpu.enqueue_dma source(%arg8 : memref<64x512xi32, #tpu.memory_space<vmem>>) target(%dma_start3A_52 : memref<64x512xi32, #tpu.memory_space<hbm>>) target_semaphore(%run_scoped3A : memref<!tpu.dma_semaphore, #tpu.memory_space<semaphore_mem>>)
        %dma_wait3A_53 = arith.constant 0 : i32
        %dma_wait3A_54 = tpu.memref_slice %arg5[%add3A_37, %dma_wait3A_53] : memref<32768x512xi32, #tpu.memory_space<hbm>> -> memref<64x512xi32, #tpu.memory_space<hbm>>
        %dma_wait3A_55 = arith.constant 0 : i32
        %dma_wait3A_56 = tpu.memref_slice %arg5[%add3A_37, %dma_wait3A_55] : memref<32768x512xi32, #tpu.memory_space<hbm>> -> memref<64x512xi32, #tpu.memory_space<hbm>>
        tpu.wait_dma2 semaphore(%run_scoped3A : memref<!tpu.dma_semaphore, #tpu.memory_space<semaphore_mem>>) src(%arg8 : memref<64x512xi32, #tpu.memory_space<vmem>>) dst(%dma_wait3A_56 : memref<64x512xi32, #tpu.memory_space<hbm>>)
        tpu.yield
      }) : () -> ()
      %add3A_38 = arith.addi %mul3A_2, %mul3A_12 : i32
      "tpu.region"() ({
        %run_scoped3A = tpu.sem_alloc : memref<!tpu.dma_semaphore, #tpu.memory_space<semaphore_mem>>
        %dma_start3A_49 = arith.constant 0 : i32
        %dma_start3A_50 = tpu.memref_slice %arg6[%add3A_38, %dma_start3A_49] : memref<32768x128xf32, #tpu.memory_space<hbm>> -> memref<64x128xf32, #tpu.memory_space<hbm>>
        %dma_start3A_51 = arith.constant 0 : i32
        %dma_start3A_52 = tpu.memref_slice %arg6[%add3A_38, %dma_start3A_51] : memref<32768x128xf32, #tpu.memory_space<hbm>> -> memref<64x128xf32, #tpu.memory_space<hbm>>
        tpu.enqueue_dma source(%arg10 : memref<64x128xf32, #tpu.memory_space<vmem>>) target(%dma_start3A_52 : memref<64x128xf32, #tpu.memory_space<hbm>>) target_semaphore(%run_scoped3A : memref<!tpu.dma_semaphore, #tpu.memory_space<semaphore_mem>>)
        %dma_wait3A_53 = arith.constant 0 : i32
        %dma_wait3A_54 = tpu.memref_slice %arg6[%add3A_38, %dma_wait3A_53] : memref<32768x128xf32, #tpu.memory_space<hbm>> -> memref<64x128xf32, #tpu.memory_space<hbm>>
        %dma_wait3A_55 = arith.constant 0 : i32
        %dma_wait3A_56 = tpu.memref_slice %arg6[%add3A_38, %dma_wait3A_55] : memref<32768x128xf32, #tpu.memory_space<hbm>> -> memref<64x128xf32, #tpu.memory_space<hbm>>
        tpu.wait_dma2 semaphore(%run_scoped3A : memref<!tpu.dma_semaphore, #tpu.memory_space<semaphore_mem>>) src(%arg10 : memref<64x128xf32, #tpu.memory_space<vmem>>) dst(%dma_wait3A_56 : memref<64x128xf32, #tpu.memory_space<hbm>>)
        tpu.yield
      }) : () -> ()
      %dma_wait3A_39 = tpu.memref_slice %arg7[%add3A_14] : memref<1024xi32, #tpu.memory_space<vmem>> -> memref<64xi32, #tpu.memory_space<vmem>>
      %dma_wait3A_40 = arith.constant 0 : i32
      %dma_wait3A_41 = arith.constant 0 : i32
      %dma_wait3A_42 = tpu.memref_slice %arg2[%dma_wait3A_40, %dma_wait3A_41] : memref<8192x512xi32, #tpu.memory_space<hbm>> -> memref<8192x512xi32, #tpu.memory_space<hbm>>
      tpu.wait_indirect_dma semaphore(%arg13 : memref<!tpu.dma_semaphore, #tpu.memory_space<semaphore_mem>>) src(%dma_wait3A_42 : memref<8192x512xi32, #tpu.memory_space<hbm>>) dst(%arg9 : memref<64x512xi32, #tpu.memory_space<vmem>>)
      %dma_wait3A_43 = tpu.memref_slice %arg7[%add3A_14] : memref<1024xi32, #tpu.memory_space<vmem>> -> memref<64xi32, #tpu.memory_space<vmem>>
      %dma_wait3A_44 = arith.constant 0 : i32
      %dma_wait3A_45 = arith.constant 0 : i32
      %dma_wait3A_46 = tpu.memref_slice %arg3[%dma_wait3A_44, %dma_wait3A_45] : memref<8192x128xf32, #tpu.memory_space<hbm>> -> memref<8192x128xf32, #tpu.memory_space<hbm>>
      tpu.wait_indirect_dma semaphore(%arg13 : memref<!tpu.dma_semaphore, #tpu.memory_space<semaphore_mem>>) src(%dma_wait3A_46 : memref<8192x128xf32, #tpu.memory_space<hbm>>) dst(%arg11 : memref<64x128xf32, #tpu.memory_space<vmem>>)
      %add3A_47 = arith.addi %mul3A_2, %add3A_14 : i32
      "tpu.region"() ({
        %run_scoped3A = tpu.sem_alloc : memref<!tpu.dma_semaphore, #tpu.memory_space<semaphore_mem>>
        %dma_start3A_49 = arith.constant 0 : i32
        %dma_start3A_50 = tpu.memref_slice %arg5[%add3A_47, %dma_start3A_49] : memref<32768x512xi32, #tpu.memory_space<hbm>> -> memref<64x512xi32, #tpu.memory_space<hbm>>
        %dma_start3A_51 = arith.constant 0 : i32
        %dma_start3A_52 = tpu.memref_slice %arg5[%add3A_47, %dma_start3A_51] : memref<32768x512xi32, #tpu.memory_space<hbm>> -> memref<64x512xi32, #tpu.memory_space<hbm>>
        tpu.enqueue_dma source(%arg9 : memref<64x512xi32, #tpu.memory_space<vmem>>) target(%dma_start3A_52 : memref<64x512xi32, #tpu.memory_space<hbm>>) target_semaphore(%run_scoped3A : memref<!tpu.dma_semaphore, #tpu.memory_space<semaphore_mem>>)
        %dma_wait3A_53 = arith.constant 0 : i32
        %dma_wait3A_54 = tpu.memref_slice %arg5[%add3A_47, %dma_wait3A_53] : memref<32768x512xi32, #tpu.memory_space<hbm>> -> memref<64x512xi32, #tpu.memory_space<hbm>>
        %dma_wait3A_55 = arith.constant 0 : i32
        %dma_wait3A_56 = tpu.memref_slice %arg5[%add3A_47, %dma_wait3A_55] : memref<32768x512xi32, #tpu.memory_space<hbm>> -> memref<64x512xi32, #tpu.memory_space<hbm>>
        tpu.wait_dma2 semaphore(%run_scoped3A : memref<!tpu.dma_semaphore, #tpu.memory_space<semaphore_mem>>) src(%arg9 : memref<64x512xi32, #tpu.memory_space<vmem>>) dst(%dma_wait3A_56 : memref<64x512xi32, #tpu.memory_space<hbm>>)
        tpu.yield
      }) : () -> ()
      %add3A_48 = arith.addi %mul3A_2, %add3A_14 : i32
      "tpu.region"() ({
        %run_scoped3A = tpu.sem_alloc : memref<!tpu.dma_semaphore, #tpu.memory_space<semaphore_mem>>
        %dma_start3A_49 = arith.constant 0 : i32
        %dma_start3A_50 = tpu.memref_slice %arg6[%add3A_48, %dma_start3A_49] : memref<32768x128xf32, #tpu.memory_space<hbm>> -> memref<64x128xf32, #tpu.memory_space<hbm>>
        %dma_start3A_51 = arith.constant 0 : i32
        %dma_start3A_52 = tpu.memref_slice %arg6[%add3A_48, %dma_start3A_51] : memref<32768x128xf32, #tpu.memory_space<hbm>> -> memref<64x128xf32, #tpu.memory_space<hbm>>
        tpu.enqueue_dma source(%arg11 : memref<64x128xf32, #tpu.memory_space<vmem>>) target(%dma_start3A_52 : memref<64x128xf32, #tpu.memory_space<hbm>>) target_semaphore(%run_scoped3A : memref<!tpu.dma_semaphore, #tpu.memory_space<semaphore_mem>>)
        %dma_wait3A_53 = arith.constant 0 : i32
        %dma_wait3A_54 = tpu.memref_slice %arg6[%add3A_48, %dma_wait3A_53] : memref<32768x128xf32, #tpu.memory_space<hbm>> -> memref<64x128xf32, #tpu.memory_space<hbm>>
        %dma_wait3A_55 = arith.constant 0 : i32
        %dma_wait3A_56 = tpu.memref_slice %arg6[%add3A_48, %dma_wait3A_55] : memref<32768x128xf32, #tpu.memory_space<hbm>> -> memref<64x128xf32, #tpu.memory_space<hbm>>
        tpu.wait_dma2 semaphore(%run_scoped3A : memref<!tpu.dma_semaphore, #tpu.memory_space<semaphore_mem>>) src(%arg11 : memref<64x128xf32, #tpu.memory_space<vmem>>) dst(%dma_wait3A_56 : memref<64x128xf32, #tpu.memory_space<hbm>>)
        tpu.yield
      }) : () -> ()
    }
    %scan3A_7 = arith.constant 8 : i32
    return
  }
}

#map = affine_map<(d0, d1) -> (0, 0)>
#map1 = affine_map<(d0, d1) -> (0)>
module attributes {stable_mosaic.version = 14 : i64} {
  func.func @sc_gather(%arg0: i32, %arg1: i32, %arg2: memref<8192x512xi32, #tpu.memory_space<hbm>>, %arg3: memref<8192x128xf32, #tpu.memory_space<hbm>>, %arg4: memref<32768xi32, #tpu.memory_space<hbm>>, %arg5: memref<32768x512xi32, #tpu.memory_space<hbm>>, %arg6: memref<32768x128xf32, #tpu.memory_space<hbm>>, %arg7: memref<1024xi32, #tpu.memory_space<vmem>>, %arg8: memref<64x512xi32, #tpu.memory_space<vmem>>, %arg9: memref<64x512xi32, #tpu.memory_space<vmem>>, %arg10: memref<64x128xf32, #tpu.memory_space<vmem>>, %arg11: memref<64x128xf32, #tpu.memory_space<vmem>>, %arg12: memref<!tpu.dma_semaphore, #tpu.memory_space<semaphore_mem>>, %arg13: memref<!tpu.dma_semaphore, #tpu.memory_space<semaphore_mem>>) attributes {dimension_semantics = [#tpu.dimension_semantics<core_parallel>, #tpu.dimension_semantics<subcore_parallel>], iteration_bounds = array<i64: 2, 16>, scalar_prefetch = 0 : i64, scratch_operands = 7 : i64, tpu.core_type = #tpu.core_type<sc_vector_subcore>, window_params = [{transform_indices = #map}, {transform_indices = #map}, {transform_indices = #map1}, {transform_indices = #map}, {transform_indices = #map}]} {
    %mul3A = arith.constant 2 : i32
    %mul3A_0 = arith.muli %arg1, %mul3A : i32
    %add3A = arith.addi %mul3A_0, %arg0 : i32
    %mul3A_1 = arith.constant 1024 : i32
    %mul3A_2 = arith.muli %add3A, %mul3A_1 : i32
    "tpu.region"() ({
      %run_scoped3A = tpu.sem_alloc : memref<!tpu.dma_semaphore, #tpu.memory_space<semaphore_mem>>
      %dma_start3A = tpu.memref_slice %arg4[%mul3A_2] : memref<32768xi32, #tpu.memory_space<hbm>> -> memref<1024xi32, #tpu.memory_space<hbm>>
      %dma_start3A_8 = tpu.memref_slice %arg4[%mul3A_2] : memref<32768xi32, #tpu.memory_space<hbm>> -> memref<1024xi32, #tpu.memory_space<hbm>>
      tpu.enqueue_dma source(%dma_start3A_8 : memref<1024xi32, #tpu.memory_space<hbm>>) target(%arg7 : memref<1024xi32, #tpu.memory_space<vmem>>) target_semaphore(%run_scoped3A : memref<!tpu.dma_semaphore, #tpu.memory_space<semaphore_mem>>)
      %dma_wait3A = tpu.memref_slice %arg4[%mul3A_2] : memref<32768xi32, #tpu.memory_space<hbm>> -> memref<1024xi32, #tpu.memory_space<hbm>>
      %dma_wait3A_9 = tpu.memref_slice %arg4[%mul3A_2] : memref<32768xi32, #tpu.memory_space<hbm>> -> memref<1024xi32, #tpu.memory_space<hbm>>
      tpu.wait_dma2 semaphore(%run_scoped3A : memref<!tpu.dma_semaphore, #tpu.memory_space<semaphore_mem>>) src(%dma_wait3A_9 : memref<1024xi32, #tpu.memory_space<hbm>>) dst(%arg7 : memref<1024xi32, #tpu.memory_space<vmem>>)
      tpu.yield
    }) : () -> ()
    %scan3A = arith.constant 0 : i32
    %scan3A_3 = arith.constant 0 : i32
    %scan3A_4 = arith.constant 8 : i32
    %scan3A_5 = arith.addi %scan3A_3, %scan3A_4 : i32
    %scan3A_6 = arith.constant 1 : i32
    scf.for %scan3A_8 = %scan3A_3 to %scan3A_5 step %scan3A_6  : i32 {
      %mul3A_9 = arith.constant 2 : i32
      %mul3A_10 = arith.muli %mul3A_9, %scan3A_8 : i32
      %mul3A_11 = arith.constant 64 : i32
      %mul3A_12 = arith.muli %mul3A_10, %mul3A_11 : i32
      %add3A_13 = arith.constant 64 : i32
      %add3A_14 = arith.addi %mul3A_12, %add3A_13 : i32
      %dma_start3A = tpu.memref_slice %arg7[%mul3A_12] : memref<1024xi32, #tpu.memory_space<vmem>> -> memref<64xi32, #tpu.memory_space<vmem>>
      %dma_start3A_15 = arith.constant 0 : i32
      %dma_start3A_16 = arith.constant 0 : i32
      %dma_start3A_17 = tpu.memref_slice %arg2[%dma_start3A_15, %dma_start3A_16] : memref<8192x512xi32, #tpu.memory_space<hbm>> -> memref<8192x512xi32, #tpu.memory_space<hbm>>
      tpu.enqueue_indirect_dma source(%dma_start3A_17 : memref<8192x512xi32, #tpu.memory_space<hbm>>) target(%arg8 : memref<64x512xi32, #tpu.memory_space<vmem>>) offsets(%dma_start3A : memref<64xi32, #tpu.memory_space<vmem>>) semaphore(%arg12 : memref<!tpu.dma_semaphore, #tpu.memory_space<semaphore_mem>>)
      %dma_start3A_18 = tpu.memref_slice %arg7[%mul3A_12] : memref<1024xi32, #tpu.memory_space<vmem>> -> memref<64xi32, #tpu.memory_space<vmem>>
      %dma_start3A_19 = arith.constant 0 : i32
      %dma_start3A_20 = arith.constant 0 : i32
      %dma_start3A_21 = tpu.memref_slice %arg3[%dma_start3A_19, %dma_start3A_20] : memref<8192x128xf32, #tpu.memory_space<hbm>> -> memref<8192x128xf32, #tpu.memory_space<hbm>>
      tpu.enqueue_indirect_dma source(%dma_start3A_21 : memref<8192x128xf32, #tpu.memory_space<hbm>>) target(%arg10 : memref<64x128xf32, #tpu.memory_space<vmem>>) offsets(%dma_start3A_18 : memref<64xi32, #tpu.memory_space<vmem>>) semaphore(%arg12 : memref<!tpu.dma_semaphore, #tpu.memory_space<semaphore_mem>>)
      %dma_start3A_22 = tpu.memref_slice %arg7[%add3A_14] : memref<1024xi32, #tpu.memory_space<vmem>> -> memref<64xi32, #tpu.memory_space<vmem>>
      %dma_start3A_23 = arith.constant 0 : i32
      %dma_start3A_24 = arith.constant 0 : i32
      %dma_start3A_25 = tpu.memref_slice %arg2[%dma_start3A_23, %dma_start3A_24] : memref<8192x512xi32, #tpu.memory_space<hbm>> -> memref<8192x512xi32, #tpu.memory_space<hbm>>
      tpu.enqueue_indirect_dma source(%dma_start3A_25 : memref<8192x512xi32, #tpu.memory_space<hbm>>) target(%arg9 : memref<64x512xi32, #tpu.memory_space<vmem>>) offsets(%dma_start3A_22 : memref<64xi32, #tpu.memory_space<vmem>>) semaphore(%arg13 : memref<!tpu.dma_semaphore, #tpu.memory_space<semaphore_mem>>)
      %dma_start3A_26 = tpu.memref_slice %arg7[%add3A_14] : memref<1024xi32, #tpu.memory_space<vmem>> -> memref<64xi32, #tpu.memory_space<vmem>>
      %dma_start3A_27 = arith.constant 0 : i32
      %dma_start3A_28 = arith.constant 0 : i32
      %dma_start3A_29 = tpu.memref_slice %arg3[%dma_start3A_27, %dma_start3A_28] : memref<8192x128xf32, #tpu.memory_space<hbm>> -> memref<8192x128xf32, #tpu.memory_space<hbm>>
      tpu.enqueue_indirect_dma source(%dma_start3A_29 : memref<8192x128xf32, #tpu.memory_space<hbm>>) target(%arg11 : memref<64x128xf32, #tpu.memory_space<vmem>>) offsets(%dma_start3A_26 : memref<64xi32, #tpu.memory_space<vmem>>) semaphore(%arg13 : memref<!tpu.dma_semaphore, #tpu.memory_space<semaphore_mem>>)
      %dma_wait3A = tpu.memref_slice %arg7[%mul3A_12] : memref<1024xi32, #tpu.memory_space<vmem>> -> memref<64xi32, #tpu.memory_space<vmem>>
      %dma_wait3A_30 = arith.constant 0 : i32
      %dma_wait3A_31 = arith.constant 0 : i32
      %dma_wait3A_32 = tpu.memref_slice %arg2[%dma_wait3A_30, %dma_wait3A_31] : memref<8192x512xi32, #tpu.memory_space<hbm>> -> memref<8192x512xi32, #tpu.memory_space<hbm>>
      tpu.wait_indirect_dma semaphore(%arg12 : memref<!tpu.dma_semaphore, #tpu.memory_space<semaphore_mem>>) src(%dma_wait3A_32 : memref<8192x512xi32, #tpu.memory_space<hbm>>) dst(%arg8 : memref<64x512xi32, #tpu.memory_space<vmem>>)
      %dma_wait3A_33 = tpu.memref_slice %arg7[%mul3A_12] : memref<1024xi32, #tpu.memory_space<vmem>> -> memref<64xi32, #tpu.memory_space<vmem>>
      %dma_wait3A_34 = arith.constant 0 : i32
      %dma_wait3A_35 = arith.constant 0 : i32
      %dma_wait3A_36 = tpu.memref_slice %arg3[%dma_wait3A_34, %dma_wait3A_35] : memref<8192x128xf32, #tpu.memory_space<hbm>> -> memref<8192x128xf32, #tpu.memory_space<hbm>>
      tpu.wait_indirect_dma semaphore(%arg12 : memref<!tpu.dma_semaphore, #tpu.memory_space<semaphore_mem>>) src(%dma_wait3A_36 : memref<8192x128xf32, #tpu.memory_space<hbm>>) dst(%arg10 : memref<64x128xf32, #tpu.memory_space<vmem>>)
      %add3A_37 = arith.addi %mul3A_2, %mul3A_12 : i32
      "tpu.region"() ({
        %run_scoped3A = tpu.sem_alloc : memref<!tpu.dma_semaphore, #tpu.memory_space<semaphore_mem>>
        %dma_start3A_49 = arith.constant 0 : i32
        %dma_start3A_50 = tpu.memref_slice %arg5[%add3A_37, %dma_start3A_49] : memref<32768x512xi32, #tpu.memory_space<hbm>> -> memref<64x512xi32, #tpu.memory_space<hbm>>
        %dma_start3A_51 = arith.constant 0 : i32
        %dma_start3A_52 = tpu.memref_slice %arg5[%add3A_37, %dma_start3A_51] : memref<32768x512xi32, #tpu.memory_space<hbm>> -> memref<64x512xi32, #tpu.memory_space<hbm>>
        tpu.enqueue_dma source(%arg8 : memref<64x512xi32, #tpu.memory_space<vmem>>) target(%dma_start3A_52 : memref<64x512xi32, #tpu.memory_space<hbm>>) target_semaphore(%run_scoped3A : memref<!tpu.dma_semaphore, #tpu.memory_space<semaphore_mem>>)
        %dma_wait3A_53 = arith.constant 0 : i32
        %dma_wait3A_54 = tpu.memref_slice %arg5[%add3A_37, %dma_wait3A_53] : memref<32768x512xi32, #tpu.memory_space<hbm>> -> memref<64x512xi32, #tpu.memory_space<hbm>>
        %dma_wait3A_55 = arith.constant 0 : i32
        %dma_wait3A_56 = tpu.memref_slice %arg5[%add3A_37, %dma_wait3A_55] : memref<32768x512xi32, #tpu.memory_space<hbm>> -> memref<64x512xi32, #tpu.memory_space<hbm>>
        tpu.wait_dma2 semaphore(%run_scoped3A : memref<!tpu.dma_semaphore, #tpu.memory_space<semaphore_mem>>) src(%arg8 : memref<64x512xi32, #tpu.memory_space<vmem>>) dst(%dma_wait3A_56 : memref<64x512xi32, #tpu.memory_space<hbm>>)
        tpu.yield
      }) : () -> ()
      %add3A_38 = arith.addi %mul3A_2, %mul3A_12 : i32
      "tpu.region"() ({
        %run_scoped3A = tpu.sem_alloc : memref<!tpu.dma_semaphore, #tpu.memory_space<semaphore_mem>>
        %dma_start3A_49 = arith.constant 0 : i32
        %dma_start3A_50 = tpu.memref_slice %arg6[%add3A_38, %dma_start3A_49] : memref<32768x128xf32, #tpu.memory_space<hbm>> -> memref<64x128xf32, #tpu.memory_space<hbm>>
        %dma_start3A_51 = arith.constant 0 : i32
        %dma_start3A_52 = tpu.memref_slice %arg6[%add3A_38, %dma_start3A_51] : memref<32768x128xf32, #tpu.memory_space<hbm>> -> memref<64x128xf32, #tpu.memory_space<hbm>>
        tpu.enqueue_dma source(%arg10 : memref<64x128xf32, #tpu.memory_space<vmem>>) target(%dma_start3A_52 : memref<64x128xf32, #tpu.memory_space<hbm>>) target_semaphore(%run_scoped3A : memref<!tpu.dma_semaphore, #tpu.memory_space<semaphore_mem>>)
        %dma_wait3A_53 = arith.constant 0 : i32
        %dma_wait3A_54 = tpu.memref_slice %arg6[%add3A_38, %dma_wait3A_53] : memref<32768x128xf32, #tpu.memory_space<hbm>> -> memref<64x128xf32, #tpu.memory_space<hbm>>
        %dma_wait3A_55 = arith.constant 0 : i32
        %dma_wait3A_56 = tpu.memref_slice %arg6[%add3A_38, %dma_wait3A_55] : memref<32768x128xf32, #tpu.memory_space<hbm>> -> memref<64x128xf32, #tpu.memory_space<hbm>>
        tpu.wait_dma2 semaphore(%run_scoped3A : memref<!tpu.dma_semaphore, #tpu.memory_space<semaphore_mem>>) src(%arg10 : memref<64x128xf32, #tpu.memory_space<vmem>>) dst(%dma_wait3A_56 : memref<64x128xf32, #tpu.memory_space<hbm>>)
        tpu.yield
      }) : () -> ()
      %dma_wait3A_39 = tpu.memref_slice %arg7[%add3A_14] : memref<1024xi32, #tpu.memory_space<vmem>> -> memref<64xi32, #tpu.memory_space<vmem>>
      %dma_wait3A_40 = arith.constant 0 : i32
      %dma_wait3A_41 = arith.constant 0 : i32
      %dma_wait3A_42 = tpu.memref_slice %arg2[%dma_wait3A_40, %dma_wait3A_41] : memref<8192x512xi32, #tpu.memory_space<hbm>> -> memref<8192x512xi32, #tpu.memory_space<hbm>>
      tpu.wait_indirect_dma semaphore(%arg13 : memref<!tpu.dma_semaphore, #tpu.memory_space<semaphore_mem>>) src(%dma_wait3A_42 : memref<8192x512xi32, #tpu.memory_space<hbm>>) dst(%arg9 : memref<64x512xi32, #tpu.memory_space<vmem>>)
      %dma_wait3A_43 = tpu.memref_slice %arg7[%add3A_14] : memref<1024xi32, #tpu.memory_space<vmem>> -> memref<64xi32, #tpu.memory_space<vmem>>
      %dma_wait3A_44 = arith.constant 0 : i32
      %dma_wait3A_45 = arith.constant 0 : i32
      %dma_wait3A_46 = tpu.memref_slice %arg3[%dma_wait3A_44, %dma_wait3A_45] : memref<8192x128xf32, #tpu.memory_space<hbm>> -> memref<8192x128xf32, #tpu.memory_space<hbm>>
      tpu.wait_indirect_dma semaphore(%arg13 : memref<!tpu.dma_semaphore, #tpu.memory_space<semaphore_mem>>) src(%dma_wait3A_46 : memref<8192x128xf32, #tpu.memory_space<hbm>>) dst(%arg11 : memref<64x128xf32, #tpu.memory_space<vmem>>)
      %add3A_47 = arith.addi %mul3A_2, %add3A_14 : i32
      "tpu.region"() ({
        %run_scoped3A = tpu.sem_alloc : memref<!tpu.dma_semaphore, #tpu.memory_space<semaphore_mem>>
        %dma_start3A_49 = arith.constant 0 : i32
        %dma_start3A_50 = tpu.memref_slice %arg5[%add3A_47, %dma_start3A_49] : memref<32768x512xi32, #tpu.memory_space<hbm>> -> memref<64x512xi32, #tpu.memory_space<hbm>>
        %dma_start3A_51 = arith.constant 0 : i32
        %dma_start3A_52 = tpu.memref_slice %arg5[%add3A_47, %dma_start3A_51] : memref<32768x512xi32, #tpu.memory_space<hbm>> -> memref<64x512xi32, #tpu.memory_space<hbm>>
        tpu.enqueue_dma source(%arg9 : memref<64x512xi32, #tpu.memory_space<vmem>>) target(%dma_start3A_52 : memref<64x512xi32, #tpu.memory_space<hbm>>) target_semaphore(%run_scoped3A : memref<!tpu.dma_semaphore, #tpu.memory_space<semaphore_mem>>)
        %dma_wait3A_53 = arith.constant 0 : i32
        %dma_wait3A_54 = tpu.memref_slice %arg5[%add3A_47, %dma_wait3A_53] : memref<32768x512xi32, #tpu.memory_space<hbm>> -> memref<64x512xi32, #tpu.memory_space<hbm>>
        %dma_wait3A_55 = arith.constant 0 : i32
        %dma_wait3A_56 = tpu.memref_slice %arg5[%add3A_47, %dma_wait3A_55] : memref<32768x512xi32, #tpu.memory_space<hbm>> -> memref<64x512xi32, #tpu.memory_space<hbm>>
        tpu.wait_dma2 semaphore(%run_scoped3A : memref<!tpu.dma_semaphore, #tpu.memory_space<semaphore_mem>>) src(%arg9 : memref<64x512xi32, #tpu.memory_space<vmem>>) dst(%dma_wait3A_56 : memref<64x512xi32, #tpu.memory_space<hbm>>)
        tpu.yield
      }) : () -> ()
      %add3A_48 = arith.addi %mul3A_2, %add3A_14 : i32
      "tpu.region"() ({
        %run_scoped3A = tpu.sem_alloc : memref<!tpu.dma_semaphore, #tpu.memory_space<semaphore_mem>>
        %dma_start3A_49 = arith.constant 0 : i32
        %dma_start3A_50 = tpu.memref_slice %arg6[%add3A_48, %dma_start3A_49] : memref<32768x128xf32, #tpu.memory_space<hbm>> -> memref<64x128xf32, #tpu.memory_space<hbm>>
        %dma_start3A_51 = arith.constant 0 : i32
        %dma_start3A_52 = tpu.memref_slice %arg6[%add3A_48, %dma_start3A_51] : memref<32768x128xf32, #tpu.memory_space<hbm>> -> memref<64x128xf32, #tpu.memory_space<hbm>>
        tpu.enqueue_dma source(%arg11 : memref<64x128xf32, #tpu.memory_space<vmem>>) target(%dma_start3A_52 : memref<64x128xf32, #tpu.memory_space<hbm>>) target_semaphore(%run_scoped3A : memref<!tpu.dma_semaphore, #tpu.memory_space<semaphore_mem>>)
        %dma_wait3A_53 = arith.constant 0 : i32
        %dma_wait3A_54 = tpu.memref_slice %arg6[%add3A_48, %dma_wait3A_53] : memref<32768x128xf32, #tpu.memory_space<hbm>> -> memref<64x128xf32, #tpu.memory_space<hbm>>
        %dma_wait3A_55 = arith.constant 0 : i32
        %dma_wait3A_56 = tpu.memref_slice %arg6[%add3A_48, %dma_wait3A_55] : memref<32768x128xf32, #tpu.memory_space<hbm>> -> memref<64x128xf32, #tpu.memory_space<hbm>>
        tpu.wait_dma2 semaphore(%run_scoped3A : memref<!tpu.dma_semaphore, #tpu.memory_space<semaphore_mem>>) src(%arg11 : memref<64x128xf32, #tpu.memory_space<vmem>>) dst(%dma_wait3A_56 : memref<64x128xf32, #tpu.memory_space<hbm>>)
        tpu.yield
      }) : () -> ()
    }
    %scan3A_7 = arith.constant 8 : i32
    return
  }
}

#map = affine_map<(d0, d1) -> (0, 0)>
#map1 = affine_map<(d0, d1) -> (0)>
module attributes {stable_mosaic.version = 14 : i64} {
  func.func @sc_gather(%arg0: i32, %arg1: i32, %arg2: memref<8192x512xi32, #tpu.memory_space<hbm>>, %arg3: memref<8192x128xf32, #tpu.memory_space<hbm>>, %arg4: memref<32768xi32, #tpu.memory_space<hbm>>, %arg5: memref<32768x512xi32, #tpu.memory_space<hbm>>, %arg6: memref<32768x128xf32, #tpu.memory_space<hbm>>, %arg7: memref<1024xi32, #tpu.memory_space<vmem>>, %arg8: memref<64x512xi32, #tpu.memory_space<vmem>>, %arg9: memref<64x512xi32, #tpu.memory_space<vmem>>, %arg10: memref<64x128xf32, #tpu.memory_space<vmem>>, %arg11: memref<64x128xf32, #tpu.memory_space<vmem>>, %arg12: memref<!tpu.dma_semaphore, #tpu.memory_space<semaphore_mem>>, %arg13: memref<!tpu.dma_semaphore, #tpu.memory_space<semaphore_mem>>) attributes {dimension_semantics = [#tpu.dimension_semantics<core_parallel>, #tpu.dimension_semantics<subcore_parallel>], iteration_bounds = array<i64: 2, 16>, scalar_prefetch = 0 : i64, scratch_operands = 7 : i64, tpu.core_type = #tpu.core_type<sc_vector_subcore>, window_params = [{transform_indices = #map}, {transform_indices = #map}, {transform_indices = #map1}, {transform_indices = #map}, {transform_indices = #map}]} {
    %mul3A = arith.constant 2 : i32
    %mul3A_0 = arith.muli %arg1, %mul3A : i32
    %add3A = arith.addi %mul3A_0, %arg0 : i32
    %mul3A_1 = arith.constant 1024 : i32
    %mul3A_2 = arith.muli %add3A, %mul3A_1 : i32
    "tpu.region"() ({
      %run_scoped3A = tpu.sem_alloc : memref<!tpu.dma_semaphore, #tpu.memory_space<semaphore_mem>>
      %dma_start3A = tpu.memref_slice %arg4[%mul3A_2] : memref<32768xi32, #tpu.memory_space<hbm>> -> memref<1024xi32, #tpu.memory_space<hbm>>
      %dma_start3A_8 = tpu.memref_slice %arg4[%mul3A_2] : memref<32768xi32, #tpu.memory_space<hbm>> -> memref<1024xi32, #tpu.memory_space<hbm>>
      tpu.enqueue_dma source(%dma_start3A_8 : memref<1024xi32, #tpu.memory_space<hbm>>) target(%arg7 : memref<1024xi32, #tpu.memory_space<vmem>>) target_semaphore(%run_scoped3A : memref<!tpu.dma_semaphore, #tpu.memory_space<semaphore_mem>>)
      %dma_wait3A = tpu.memref_slice %arg4[%mul3A_2] : memref<32768xi32, #tpu.memory_space<hbm>> -> memref<1024xi32, #tpu.memory_space<hbm>>
      %dma_wait3A_9 = tpu.memref_slice %arg4[%mul3A_2] : memref<32768xi32, #tpu.memory_space<hbm>> -> memref<1024xi32, #tpu.memory_space<hbm>>
      tpu.wait_dma2 semaphore(%run_scoped3A : memref<!tpu.dma_semaphore, #tpu.memory_space<semaphore_mem>>) src(%dma_wait3A_9 : memref<1024xi32, #tpu.memory_space<hbm>>) dst(%arg7 : memref<1024xi32, #tpu.memory_space<vmem>>)
      tpu.yield
    }) : () -> ()
    %scan3A = arith.constant 0 : i32
    %scan3A_3 = arith.constant 0 : i32
    %scan3A_4 = arith.constant 8 : i32
    %scan3A_5 = arith.addi %scan3A_3, %scan3A_4 : i32
    %scan3A_6 = arith.constant 1 : i32
    scf.for %scan3A_8 = %scan3A_3 to %scan3A_5 step %scan3A_6  : i32 {
      %mul3A_9 = arith.constant 2 : i32
      %mul3A_10 = arith.muli %mul3A_9, %scan3A_8 : i32
      %mul3A_11 = arith.constant 64 : i32
      %mul3A_12 = arith.muli %mul3A_10, %mul3A_11 : i32
      %add3A_13 = arith.constant 64 : i32
      %add3A_14 = arith.addi %mul3A_12, %add3A_13 : i32
      %dma_start3A = tpu.memref_slice %arg7[%mul3A_12] : memref<1024xi32, #tpu.memory_space<vmem>> -> memref<64xi32, #tpu.memory_space<vmem>>
      %dma_start3A_15 = arith.constant 0 : i32
      %dma_start3A_16 = arith.constant 0 : i32
      %dma_start3A_17 = tpu.memref_slice %arg2[%dma_start3A_15, %dma_start3A_16] : memref<8192x512xi32, #tpu.memory_space<hbm>> -> memref<8192x512xi32, #tpu.memory_space<hbm>>
      tpu.enqueue_indirect_dma source(%dma_start3A_17 : memref<8192x512xi32, #tpu.memory_space<hbm>>) target(%arg8 : memref<64x512xi32, #tpu.memory_space<vmem>>) offsets(%dma_start3A : memref<64xi32, #tpu.memory_space<vmem>>) semaphore(%arg12 : memref<!tpu.dma_semaphore, #tpu.memory_space<semaphore_mem>>)
      %dma_start3A_18 = tpu.memref_slice %arg7[%mul3A_12] : memref<1024xi32, #tpu.memory_space<vmem>> -> memref<64xi32, #tpu.memory_space<vmem>>
      %dma_start3A_19 = arith.constant 0 : i32
      %dma_start3A_20 = arith.constant 0 : i32
      %dma_start3A_21 = tpu.memref_slice %arg3[%dma_start3A_19, %dma_start3A_20] : memref<8192x128xf32, #tpu.memory_space<hbm>> -> memref<8192x128xf32, #tpu.memory_space<hbm>>
      tpu.enqueue_indirect_dma source(%dma_start3A_21 : memref<8192x128xf32, #tpu.memory_space<hbm>>) target(%arg10 : memref<64x128xf32, #tpu.memory_space<vmem>>) offsets(%dma_start3A_18 : memref<64xi32, #tpu.memory_space<vmem>>) semaphore(%arg12 : memref<!tpu.dma_semaphore, #tpu.memory_space<semaphore_mem>>)
      %dma_start3A_22 = tpu.memref_slice %arg7[%add3A_14] : memref<1024xi32, #tpu.memory_space<vmem>> -> memref<64xi32, #tpu.memory_space<vmem>>
      %dma_start3A_23 = arith.constant 0 : i32
      %dma_start3A_24 = arith.constant 0 : i32
      %dma_start3A_25 = tpu.memref_slice %arg2[%dma_start3A_23, %dma_start3A_24] : memref<8192x512xi32, #tpu.memory_space<hbm>> -> memref<8192x512xi32, #tpu.memory_space<hbm>>
      tpu.enqueue_indirect_dma source(%dma_start3A_25 : memref<8192x512xi32, #tpu.memory_space<hbm>>) target(%arg9 : memref<64x512xi32, #tpu.memory_space<vmem>>) offsets(%dma_start3A_22 : memref<64xi32, #tpu.memory_space<vmem>>) semaphore(%arg13 : memref<!tpu.dma_semaphore, #tpu.memory_space<semaphore_mem>>)
      %dma_start3A_26 = tpu.memref_slice %arg7[%add3A_14] : memref<1024xi32, #tpu.memory_space<vmem>> -> memref<64xi32, #tpu.memory_space<vmem>>
      %dma_start3A_27 = arith.constant 0 : i32
      %dma_start3A_28 = arith.constant 0 : i32
      %dma_start3A_29 = tpu.memref_slice %arg3[%dma_start3A_27, %dma_start3A_28] : memref<8192x128xf32, #tpu.memory_space<hbm>> -> memref<8192x128xf32, #tpu.memory_space<hbm>>
      tpu.enqueue_indirect_dma source(%dma_start3A_29 : memref<8192x128xf32, #tpu.memory_space<hbm>>) target(%arg11 : memref<64x128xf32, #tpu.memory_space<vmem>>) offsets(%dma_start3A_26 : memref<64xi32, #tpu.memory_space<vmem>>) semaphore(%arg13 : memref<!tpu.dma_semaphore, #tpu.memory_space<semaphore_mem>>)
      %dma_wait3A = tpu.memref_slice %arg7[%mul3A_12] : memref<1024xi32, #tpu.memory_space<vmem>> -> memref<64xi32, #tpu.memory_space<vmem>>
      %dma_wait3A_30 = arith.constant 0 : i32
      %dma_wait3A_31 = arith.constant 0 : i32
      %dma_wait3A_32 = tpu.memref_slice %arg2[%dma_wait3A_30, %dma_wait3A_31] : memref<8192x512xi32, #tpu.memory_space<hbm>> -> memref<8192x512xi32, #tpu.memory_space<hbm>>
      tpu.wait_indirect_dma semaphore(%arg12 : memref<!tpu.dma_semaphore, #tpu.memory_space<semaphore_mem>>) src(%dma_wait3A_32 : memref<8192x512xi32, #tpu.memory_space<hbm>>) dst(%arg8 : memref<64x512xi32, #tpu.memory_space<vmem>>)
      %dma_wait3A_33 = tpu.memref_slice %arg7[%mul3A_12] : memref<1024xi32, #tpu.memory_space<vmem>> -> memref<64xi32, #tpu.memory_space<vmem>>
      %dma_wait3A_34 = arith.constant 0 : i32
      %dma_wait3A_35 = arith.constant 0 : i32
      %dma_wait3A_36 = tpu.memref_slice %arg3[%dma_wait3A_34, %dma_wait3A_35] : memref<8192x128xf32, #tpu.memory_space<hbm>> -> memref<8192x128xf32, #tpu.memory_space<hbm>>
      tpu.wait_indirect_dma semaphore(%arg12 : memref<!tpu.dma_semaphore, #tpu.memory_space<semaphore_mem>>) src(%dma_wait3A_36 : memref<8192x128xf32, #tpu.memory_space<hbm>>) dst(%arg10 : memref<64x128xf32, #tpu.memory_space<vmem>>)
      %add3A_37 = arith.addi %mul3A_2, %mul3A_12 : i32
      "tpu.region"() ({
        %run_scoped3A = tpu.sem_alloc : memref<!tpu.dma_semaphore, #tpu.memory_space<semaphore_mem>>
        %dma_start3A_49 = arith.constant 0 : i32
        %dma_start3A_50 = tpu.memref_slice %arg5[%add3A_37, %dma_start3A_49] : memref<32768x512xi32, #tpu.memory_space<hbm>> -> memref<64x512xi32, #tpu.memory_space<hbm>>
        %dma_start3A_51 = arith.constant 0 : i32
        %dma_start3A_52 = tpu.memref_slice %arg5[%add3A_37, %dma_start3A_51] : memref<32768x512xi32, #tpu.memory_space<hbm>> -> memref<64x512xi32, #tpu.memory_space<hbm>>
        tpu.enqueue_dma source(%arg8 : memref<64x512xi32, #tpu.memory_space<vmem>>) target(%dma_start3A_52 : memref<64x512xi32, #tpu.memory_space<hbm>>) target_semaphore(%run_scoped3A : memref<!tpu.dma_semaphore, #tpu.memory_space<semaphore_mem>>)
        %dma_wait3A_53 = arith.constant 0 : i32
        %dma_wait3A_54 = tpu.memref_slice %arg5[%add3A_37, %dma_wait3A_53] : memref<32768x512xi32, #tpu.memory_space<hbm>> -> memref<64x512xi32, #tpu.memory_space<hbm>>
        %dma_wait3A_55 = arith.constant 0 : i32
        %dma_wait3A_56 = tpu.memref_slice %arg5[%add3A_37, %dma_wait3A_55] : memref<32768x512xi32, #tpu.memory_space<hbm>> -> memref<64x512xi32, #tpu.memory_space<hbm>>
        tpu.wait_dma2 semaphore(%run_scoped3A : memref<!tpu.dma_semaphore, #tpu.memory_space<semaphore_mem>>) src(%arg8 : memref<64x512xi32, #tpu.memory_space<vmem>>) dst(%dma_wait3A_56 : memref<64x512xi32, #tpu.memory_space<hbm>>)
        tpu.yield
      }) : () -> ()
      %add3A_38 = arith.addi %mul3A_2, %mul3A_12 : i32
      "tpu.region"() ({
        %run_scoped3A = tpu.sem_alloc : memref<!tpu.dma_semaphore, #tpu.memory_space<semaphore_mem>>
        %dma_start3A_49 = arith.constant 0 : i32
        %dma_start3A_50 = tpu.memref_slice %arg6[%add3A_38, %dma_start3A_49] : memref<32768x128xf32, #tpu.memory_space<hbm>> -> memref<64x128xf32, #tpu.memory_space<hbm>>
        %dma_start3A_51 = arith.constant 0 : i32
        %dma_start3A_52 = tpu.memref_slice %arg6[%add3A_38, %dma_start3A_51] : memref<32768x128xf32, #tpu.memory_space<hbm>> -> memref<64x128xf32, #tpu.memory_space<hbm>>
        tpu.enqueue_dma source(%arg10 : memref<64x128xf32, #tpu.memory_space<vmem>>) target(%dma_start3A_52 : memref<64x128xf32, #tpu.memory_space<hbm>>) target_semaphore(%run_scoped3A : memref<!tpu.dma_semaphore, #tpu.memory_space<semaphore_mem>>)
        %dma_wait3A_53 = arith.constant 0 : i32
        %dma_wait3A_54 = tpu.memref_slice %arg6[%add3A_38, %dma_wait3A_53] : memref<32768x128xf32, #tpu.memory_space<hbm>> -> memref<64x128xf32, #tpu.memory_space<hbm>>
        %dma_wait3A_55 = arith.constant 0 : i32
        %dma_wait3A_56 = tpu.memref_slice %arg6[%add3A_38, %dma_wait3A_55] : memref<32768x128xf32, #tpu.memory_space<hbm>> -> memref<64x128xf32, #tpu.memory_space<hbm>>
        tpu.wait_dma2 semaphore(%run_scoped3A : memref<!tpu.dma_semaphore, #tpu.memory_space<semaphore_mem>>) src(%arg10 : memref<64x128xf32, #tpu.memory_space<vmem>>) dst(%dma_wait3A_56 : memref<64x128xf32, #tpu.memory_space<hbm>>)
        tpu.yield
      }) : () -> ()
      %dma_wait3A_39 = tpu.memref_slice %arg7[%add3A_14] : memref<1024xi32, #tpu.memory_space<vmem>> -> memref<64xi32, #tpu.memory_space<vmem>>
      %dma_wait3A_40 = arith.constant 0 : i32
      %dma_wait3A_41 = arith.constant 0 : i32
      %dma_wait3A_42 = tpu.memref_slice %arg2[%dma_wait3A_40, %dma_wait3A_41] : memref<8192x512xi32, #tpu.memory_space<hbm>> -> memref<8192x512xi32, #tpu.memory_space<hbm>>
      tpu.wait_indirect_dma semaphore(%arg13 : memref<!tpu.dma_semaphore, #tpu.memory_space<semaphore_mem>>) src(%dma_wait3A_42 : memref<8192x512xi32, #tpu.memory_space<hbm>>) dst(%arg9 : memref<64x512xi32, #tpu.memory_space<vmem>>)
      %dma_wait3A_43 = tpu.memref_slice %arg7[%add3A_14] : memref<1024xi32, #tpu.memory_space<vmem>> -> memref<64xi32, #tpu.memory_space<vmem>>
      %dma_wait3A_44 = arith.constant 0 : i32
      %dma_wait3A_45 = arith.constant 0 : i32
      %dma_wait3A_46 = tpu.memref_slice %arg3[%dma_wait3A_44, %dma_wait3A_45] : memref<8192x128xf32, #tpu.memory_space<hbm>> -> memref<8192x128xf32, #tpu.memory_space<hbm>>
      tpu.wait_indirect_dma semaphore(%arg13 : memref<!tpu.dma_semaphore, #tpu.memory_space<semaphore_mem>>) src(%dma_wait3A_46 : memref<8192x128xf32, #tpu.memory_space<hbm>>) dst(%arg11 : memref<64x128xf32, #tpu.memory_space<vmem>>)
      %add3A_47 = arith.addi %mul3A_2, %add3A_14 : i32
      "tpu.region"() ({
        %run_scoped3A = tpu.sem_alloc : memref<!tpu.dma_semaphore, #tpu.memory_space<semaphore_mem>>
        %dma_start3A_49 = arith.constant 0 : i32
        %dma_start3A_50 = tpu.memref_slice %arg5[%add3A_47, %dma_start3A_49] : memref<32768x512xi32, #tpu.memory_space<hbm>> -> memref<64x512xi32, #tpu.memory_space<hbm>>
        %dma_start3A_51 = arith.constant 0 : i32
        %dma_start3A_52 = tpu.memref_slice %arg5[%add3A_47, %dma_start3A_51] : memref<32768x512xi32, #tpu.memory_space<hbm>> -> memref<64x512xi32, #tpu.memory_space<hbm>>
        tpu.enqueue_dma source(%arg9 : memref<64x512xi32, #tpu.memory_space<vmem>>) target(%dma_start3A_52 : memref<64x512xi32, #tpu.memory_space<hbm>>) target_semaphore(%run_scoped3A : memref<!tpu.dma_semaphore, #tpu.memory_space<semaphore_mem>>)
        %dma_wait3A_53 = arith.constant 0 : i32
        %dma_wait3A_54 = tpu.memref_slice %arg5[%add3A_47, %dma_wait3A_53] : memref<32768x512xi32, #tpu.memory_space<hbm>> -> memref<64x512xi32, #tpu.memory_space<hbm>>
        %dma_wait3A_55 = arith.constant 0 : i32
        %dma_wait3A_56 = tpu.memref_slice %arg5[%add3A_47, %dma_wait3A_55] : memref<32768x512xi32, #tpu.memory_space<hbm>> -> memref<64x512xi32, #tpu.memory_space<hbm>>
        tpu.wait_dma2 semaphore(%run_scoped3A : memref<!tpu.dma_semaphore, #tpu.memory_space<semaphore_mem>>) src(%arg9 : memref<64x512xi32, #tpu.memory_space<vmem>>) dst(%dma_wait3A_56 : memref<64x512xi32, #tpu.memory_space<hbm>>)
        tpu.yield
      }) : () -> ()
      %add3A_48 = arith.addi %mul3A_2, %add3A_14 : i32
      "tpu.region"() ({
        %run_scoped3A = tpu.sem_alloc : memref<!tpu.dma_semaphore, #tpu.memory_space<semaphore_mem>>
        %dma_start3A_49 = arith.constant 0 : i32
        %dma_start3A_50 = tpu.memref_slice %arg6[%add3A_48, %dma_start3A_49] : memref<32768x128xf32, #tpu.memory_space<hbm>> -> memref<64x128xf32, #tpu.memory_space<hbm>>
        %dma_start3A_51 = arith.constant 0 : i32
        %dma_start3A_52 = tpu.memref_slice %arg6[%add3A_48, %dma_start3A_51] : memref<32768x128xf32, #tpu.memory_space<hbm>> -> memref<64x128xf32, #tpu.memory_space<hbm>>
        tpu.enqueue_dma source(%arg11 : memref<64x128xf32, #tpu.memory_space<vmem>>) target(%dma_start3A_52 : memref<64x128xf32, #tpu.memory_space<hbm>>) target_semaphore(%run_scoped3A : memref<!tpu.dma_semaphore, #tpu.memory_space<semaphore_mem>>)
        %dma_wait3A_53 = arith.constant 0 : i32
        %dma_wait3A_54 = tpu.memref_slice %arg6[%add3A_48, %dma_wait3A_53] : memref<32768x128xf32, #tpu.memory_space<hbm>> -> memref<64x128xf32, #tpu.memory_space<hbm>>
        %dma_wait3A_55 = arith.constant 0 : i32
        %dma_wait3A_56 = tpu.memref_slice %arg6[%add3A_48, %dma_wait3A_55] : memref<32768x128xf32, #tpu.memory_space<hbm>> -> memref<64x128xf32, #tpu.memory_space<hbm>>
        tpu.wait_dma2 semaphore(%run_scoped3A : memref<!tpu.dma_semaphore, #tpu.memory_space<semaphore_mem>>) src(%arg11 : memref<64x128xf32, #tpu.memory_space<vmem>>) dst(%dma_wait3A_56 : memref<64x128xf32, #tpu.memory_space<hbm>>)
        tpu.yield
      }) : () -> ()
    }
    %scan3A_7 = arith.constant 8 : i32
    return
  }
}

#map = affine_map<(d0, d1) -> (0, 0)>
#map1 = affine_map<(d0, d1) -> (0)>
module attributes {stable_mosaic.version = 14 : i64} {
  func.func @sc_gather(%arg0: i32, %arg1: i32, %arg2: memref<8192x512xi32, #tpu.memory_space<hbm>>, %arg3: memref<8192x128xf32, #tpu.memory_space<hbm>>, %arg4: memref<32768xi32, #tpu.memory_space<hbm>>, %arg5: memref<32768x512xi32, #tpu.memory_space<hbm>>, %arg6: memref<32768x128xf32, #tpu.memory_space<hbm>>, %arg7: memref<1024xi32, #tpu.memory_space<vmem>>, %arg8: memref<64x512xi32, #tpu.memory_space<vmem>>, %arg9: memref<64x512xi32, #tpu.memory_space<vmem>>, %arg10: memref<64x128xf32, #tpu.memory_space<vmem>>, %arg11: memref<64x128xf32, #tpu.memory_space<vmem>>, %arg12: memref<!tpu.dma_semaphore, #tpu.memory_space<semaphore_mem>>, %arg13: memref<!tpu.dma_semaphore, #tpu.memory_space<semaphore_mem>>) attributes {dimension_semantics = [#tpu.dimension_semantics<core_parallel>, #tpu.dimension_semantics<subcore_parallel>], iteration_bounds = array<i64: 2, 16>, scalar_prefetch = 0 : i64, scratch_operands = 7 : i64, tpu.core_type = #tpu.core_type<sc_vector_subcore>, window_params = [{transform_indices = #map}, {transform_indices = #map}, {transform_indices = #map1}, {transform_indices = #map}, {transform_indices = #map}]} {
    %mul3A = arith.constant 2 : i32
    %mul3A_0 = arith.muli %arg1, %mul3A : i32
    %add3A = arith.addi %mul3A_0, %arg0 : i32
    %mul3A_1 = arith.constant 1024 : i32
    %mul3A_2 = arith.muli %add3A, %mul3A_1 : i32
    "tpu.region"() ({
      %run_scoped3A = tpu.sem_alloc : memref<!tpu.dma_semaphore, #tpu.memory_space<semaphore_mem>>
      %dma_start3A = tpu.memref_slice %arg4[%mul3A_2] : memref<32768xi32, #tpu.memory_space<hbm>> -> memref<1024xi32, #tpu.memory_space<hbm>>
      %dma_start3A_8 = tpu.memref_slice %arg4[%mul3A_2] : memref<32768xi32, #tpu.memory_space<hbm>> -> memref<1024xi32, #tpu.memory_space<hbm>>
      tpu.enqueue_dma source(%dma_start3A_8 : memref<1024xi32, #tpu.memory_space<hbm>>) target(%arg7 : memref<1024xi32, #tpu.memory_space<vmem>>) target_semaphore(%run_scoped3A : memref<!tpu.dma_semaphore, #tpu.memory_space<semaphore_mem>>)
      %dma_wait3A = tpu.memref_slice %arg4[%mul3A_2] : memref<32768xi32, #tpu.memory_space<hbm>> -> memref<1024xi32, #tpu.memory_space<hbm>>
      %dma_wait3A_9 = tpu.memref_slice %arg4[%mul3A_2] : memref<32768xi32, #tpu.memory_space<hbm>> -> memref<1024xi32, #tpu.memory_space<hbm>>
      tpu.wait_dma2 semaphore(%run_scoped3A : memref<!tpu.dma_semaphore, #tpu.memory_space<semaphore_mem>>) src(%dma_wait3A_9 : memref<1024xi32, #tpu.memory_space<hbm>>) dst(%arg7 : memref<1024xi32, #tpu.memory_space<vmem>>)
      tpu.yield
    }) : () -> ()
    %scan3A = arith.constant 0 : i32
    %scan3A_3 = arith.constant 0 : i32
    %scan3A_4 = arith.constant 8 : i32
    %scan3A_5 = arith.addi %scan3A_3, %scan3A_4 : i32
    %scan3A_6 = arith.constant 1 : i32
    scf.for %scan3A_8 = %scan3A_3 to %scan3A_5 step %scan3A_6  : i32 {
      %mul3A_9 = arith.constant 2 : i32
      %mul3A_10 = arith.muli %mul3A_9, %scan3A_8 : i32
      %mul3A_11 = arith.constant 64 : i32
      %mul3A_12 = arith.muli %mul3A_10, %mul3A_11 : i32
      %add3A_13 = arith.constant 64 : i32
      %add3A_14 = arith.addi %mul3A_12, %add3A_13 : i32
      %dma_start3A = tpu.memref_slice %arg7[%mul3A_12] : memref<1024xi32, #tpu.memory_space<vmem>> -> memref<64xi32, #tpu.memory_space<vmem>>
      %dma_start3A_15 = arith.constant 0 : i32
      %dma_start3A_16 = arith.constant 0 : i32
      %dma_start3A_17 = tpu.memref_slice %arg2[%dma_start3A_15, %dma_start3A_16] : memref<8192x512xi32, #tpu.memory_space<hbm>> -> memref<8192x512xi32, #tpu.memory_space<hbm>>
      tpu.enqueue_indirect_dma source(%dma_start3A_17 : memref<8192x512xi32, #tpu.memory_space<hbm>>) target(%arg8 : memref<64x512xi32, #tpu.memory_space<vmem>>) offsets(%dma_start3A : memref<64xi32, #tpu.memory_space<vmem>>) semaphore(%arg12 : memref<!tpu.dma_semaphore, #tpu.memory_space<semaphore_mem>>)
      %dma_start3A_18 = tpu.memref_slice %arg7[%mul3A_12] : memref<1024xi32, #tpu.memory_space<vmem>> -> memref<64xi32, #tpu.memory_space<vmem>>
      %dma_start3A_19 = arith.constant 0 : i32
      %dma_start3A_20 = arith.constant 0 : i32
      %dma_start3A_21 = tpu.memref_slice %arg3[%dma_start3A_19, %dma_start3A_20] : memref<8192x128xf32, #tpu.memory_space<hbm>> -> memref<8192x128xf32, #tpu.memory_space<hbm>>
      tpu.enqueue_indirect_dma source(%dma_start3A_21 : memref<8192x128xf32, #tpu.memory_space<hbm>>) target(%arg10 : memref<64x128xf32, #tpu.memory_space<vmem>>) offsets(%dma_start3A_18 : memref<64xi32, #tpu.memory_space<vmem>>) semaphore(%arg12 : memref<!tpu.dma_semaphore, #tpu.memory_space<semaphore_mem>>)
      %dma_start3A_22 = tpu.memref_slice %arg7[%add3A_14] : memref<1024xi32, #tpu.memory_space<vmem>> -> memref<64xi32, #tpu.memory_space<vmem>>
      %dma_start3A_23 = arith.constant 0 : i32
      %dma_start3A_24 = arith.constant 0 : i32
      %dma_start3A_25 = tpu.memref_slice %arg2[%dma_start3A_23, %dma_start3A_24] : memref<8192x512xi32, #tpu.memory_space<hbm>> -> memref<8192x512xi32, #tpu.memory_space<hbm>>
      tpu.enqueue_indirect_dma source(%dma_start3A_25 : memref<8192x512xi32, #tpu.memory_space<hbm>>) target(%arg9 : memref<64x512xi32, #tpu.memory_space<vmem>>) offsets(%dma_start3A_22 : memref<64xi32, #tpu.memory_space<vmem>>) semaphore(%arg13 : memref<!tpu.dma_semaphore, #tpu.memory_space<semaphore_mem>>)
      %dma_start3A_26 = tpu.memref_slice %arg7[%add3A_14] : memref<1024xi32, #tpu.memory_space<vmem>> -> memref<64xi32, #tpu.memory_space<vmem>>
      %dma_start3A_27 = arith.constant 0 : i32
      %dma_start3A_28 = arith.constant 0 : i32
      %dma_start3A_29 = tpu.memref_slice %arg3[%dma_start3A_27, %dma_start3A_28] : memref<8192x128xf32, #tpu.memory_space<hbm>> -> memref<8192x128xf32, #tpu.memory_space<hbm>>
      tpu.enqueue_indirect_dma source(%dma_start3A_29 : memref<8192x128xf32, #tpu.memory_space<hbm>>) target(%arg11 : memref<64x128xf32, #tpu.memory_space<vmem>>) offsets(%dma_start3A_26 : memref<64xi32, #tpu.memory_space<vmem>>) semaphore(%arg13 : memref<!tpu.dma_semaphore, #tpu.memory_space<semaphore_mem>>)
      %dma_wait3A = tpu.memref_slice %arg7[%mul3A_12] : memref<1024xi32, #tpu.memory_space<vmem>> -> memref<64xi32, #tpu.memory_space<vmem>>
      %dma_wait3A_30 = arith.constant 0 : i32
      %dma_wait3A_31 = arith.constant 0 : i32
      %dma_wait3A_32 = tpu.memref_slice %arg2[%dma_wait3A_30, %dma_wait3A_31] : memref<8192x512xi32, #tpu.memory_space<hbm>> -> memref<8192x512xi32, #tpu.memory_space<hbm>>
      tpu.wait_indirect_dma semaphore(%arg12 : memref<!tpu.dma_semaphore, #tpu.memory_space<semaphore_mem>>) src(%dma_wait3A_32 : memref<8192x512xi32, #tpu.memory_space<hbm>>) dst(%arg8 : memref<64x512xi32, #tpu.memory_space<vmem>>)
      %dma_wait3A_33 = tpu.memref_slice %arg7[%mul3A_12] : memref<1024xi32, #tpu.memory_space<vmem>> -> memref<64xi32, #tpu.memory_space<vmem>>
      %dma_wait3A_34 = arith.constant 0 : i32
      %dma_wait3A_35 = arith.constant 0 : i32
      %dma_wait3A_36 = tpu.memref_slice %arg3[%dma_wait3A_34, %dma_wait3A_35] : memref<8192x128xf32, #tpu.memory_space<hbm>> -> memref<8192x128xf32, #tpu.memory_space<hbm>>
      tpu.wait_indirect_dma semaphore(%arg12 : memref<!tpu.dma_semaphore, #tpu.memory_space<semaphore_mem>>) src(%dma_wait3A_36 : memref<8192x128xf32, #tpu.memory_space<hbm>>) dst(%arg10 : memref<64x128xf32, #tpu.memory_space<vmem>>)
      %add3A_37 = arith.addi %mul3A_2, %mul3A_12 : i32
      "tpu.region"() ({
        %run_scoped3A = tpu.sem_alloc : memref<!tpu.dma_semaphore, #tpu.memory_space<semaphore_mem>>
        %dma_start3A_49 = arith.constant 0 : i32
        %dma_start3A_50 = tpu.memref_slice %arg5[%add3A_37, %dma_start3A_49] : memref<32768x512xi32, #tpu.memory_space<hbm>> -> memref<64x512xi32, #tpu.memory_space<hbm>>
        %dma_start3A_51 = arith.constant 0 : i32
        %dma_start3A_52 = tpu.memref_slice %arg5[%add3A_37, %dma_start3A_51] : memref<32768x512xi32, #tpu.memory_space<hbm>> -> memref<64x512xi32, #tpu.memory_space<hbm>>
        tpu.enqueue_dma source(%arg8 : memref<64x512xi32, #tpu.memory_space<vmem>>) target(%dma_start3A_52 : memref<64x512xi32, #tpu.memory_space<hbm>>) target_semaphore(%run_scoped3A : memref<!tpu.dma_semaphore, #tpu.memory_space<semaphore_mem>>)
        %dma_wait3A_53 = arith.constant 0 : i32
        %dma_wait3A_54 = tpu.memref_slice %arg5[%add3A_37, %dma_wait3A_53] : memref<32768x512xi32, #tpu.memory_space<hbm>> -> memref<64x512xi32, #tpu.memory_space<hbm>>
        %dma_wait3A_55 = arith.constant 0 : i32
        %dma_wait3A_56 = tpu.memref_slice %arg5[%add3A_37, %dma_wait3A_55] : memref<32768x512xi32, #tpu.memory_space<hbm>> -> memref<64x512xi32, #tpu.memory_space<hbm>>
        tpu.wait_dma2 semaphore(%run_scoped3A : memref<!tpu.dma_semaphore, #tpu.memory_space<semaphore_mem>>) src(%arg8 : memref<64x512xi32, #tpu.memory_space<vmem>>) dst(%dma_wait3A_56 : memref<64x512xi32, #tpu.memory_space<hbm>>)
        tpu.yield
      }) : () -> ()
      %add3A_38 = arith.addi %mul3A_2, %mul3A_12 : i32
      "tpu.region"() ({
        %run_scoped3A = tpu.sem_alloc : memref<!tpu.dma_semaphore, #tpu.memory_space<semaphore_mem>>
        %dma_start3A_49 = arith.constant 0 : i32
        %dma_start3A_50 = tpu.memref_slice %arg6[%add3A_38, %dma_start3A_49] : memref<32768x128xf32, #tpu.memory_space<hbm>> -> memref<64x128xf32, #tpu.memory_space<hbm>>
        %dma_start3A_51 = arith.constant 0 : i32
        %dma_start3A_52 = tpu.memref_slice %arg6[%add3A_38, %dma_start3A_51] : memref<32768x128xf32, #tpu.memory_space<hbm>> -> memref<64x128xf32, #tpu.memory_space<hbm>>
        tpu.enqueue_dma source(%arg10 : memref<64x128xf32, #tpu.memory_space<vmem>>) target(%dma_start3A_52 : memref<64x128xf32, #tpu.memory_space<hbm>>) target_semaphore(%run_scoped3A : memref<!tpu.dma_semaphore, #tpu.memory_space<semaphore_mem>>)
        %dma_wait3A_53 = arith.constant 0 : i32
        %dma_wait3A_54 = tpu.memref_slice %arg6[%add3A_38, %dma_wait3A_53] : memref<32768x128xf32, #tpu.memory_space<hbm>> -> memref<64x128xf32, #tpu.memory_space<hbm>>
        %dma_wait3A_55 = arith.constant 0 : i32
        %dma_wait3A_56 = tpu.memref_slice %arg6[%add3A_38, %dma_wait3A_55] : memref<32768x128xf32, #tpu.memory_space<hbm>> -> memref<64x128xf32, #tpu.memory_space<hbm>>
        tpu.wait_dma2 semaphore(%run_scoped3A : memref<!tpu.dma_semaphore, #tpu.memory_space<semaphore_mem>>) src(%arg10 : memref<64x128xf32, #tpu.memory_space<vmem>>) dst(%dma_wait3A_56 : memref<64x128xf32, #tpu.memory_space<hbm>>)
        tpu.yield
      }) : () -> ()
      %dma_wait3A_39 = tpu.memref_slice %arg7[%add3A_14] : memref<1024xi32, #tpu.memory_space<vmem>> -> memref<64xi32, #tpu.memory_space<vmem>>
      %dma_wait3A_40 = arith.constant 0 : i32
      %dma_wait3A_41 = arith.constant 0 : i32
      %dma_wait3A_42 = tpu.memref_slice %arg2[%dma_wait3A_40, %dma_wait3A_41] : memref<8192x512xi32, #tpu.memory_space<hbm>> -> memref<8192x512xi32, #tpu.memory_space<hbm>>
      tpu.wait_indirect_dma semaphore(%arg13 : memref<!tpu.dma_semaphore, #tpu.memory_space<semaphore_mem>>) src(%dma_wait3A_42 : memref<8192x512xi32, #tpu.memory_space<hbm>>) dst(%arg9 : memref<64x512xi32, #tpu.memory_space<vmem>>)
      %dma_wait3A_43 = tpu.memref_slice %arg7[%add3A_14] : memref<1024xi32, #tpu.memory_space<vmem>> -> memref<64xi32, #tpu.memory_space<vmem>>
      %dma_wait3A_44 = arith.constant 0 : i32
      %dma_wait3A_45 = arith.constant 0 : i32
      %dma_wait3A_46 = tpu.memref_slice %arg3[%dma_wait3A_44, %dma_wait3A_45] : memref<8192x128xf32, #tpu.memory_space<hbm>> -> memref<8192x128xf32, #tpu.memory_space<hbm>>
      tpu.wait_indirect_dma semaphore(%arg13 : memref<!tpu.dma_semaphore, #tpu.memory_space<semaphore_mem>>) src(%dma_wait3A_46 : memref<8192x128xf32, #tpu.memory_space<hbm>>) dst(%arg11 : memref<64x128xf32, #tpu.memory_space<vmem>>)
      %add3A_47 = arith.addi %mul3A_2, %add3A_14 : i32
      "tpu.region"() ({
        %run_scoped3A = tpu.sem_alloc : memref<!tpu.dma_semaphore, #tpu.memory_space<semaphore_mem>>
        %dma_start3A_49 = arith.constant 0 : i32
        %dma_start3A_50 = tpu.memref_slice %arg5[%add3A_47, %dma_start3A_49] : memref<32768x512xi32, #tpu.memory_space<hbm>> -> memref<64x512xi32, #tpu.memory_space<hbm>>
        %dma_start3A_51 = arith.constant 0 : i32
        %dma_start3A_52 = tpu.memref_slice %arg5[%add3A_47, %dma_start3A_51] : memref<32768x512xi32, #tpu.memory_space<hbm>> -> memref<64x512xi32, #tpu.memory_space<hbm>>
        tpu.enqueue_dma source(%arg9 : memref<64x512xi32, #tpu.memory_space<vmem>>) target(%dma_start3A_52 : memref<64x512xi32, #tpu.memory_space<hbm>>) target_semaphore(%run_scoped3A : memref<!tpu.dma_semaphore, #tpu.memory_space<semaphore_mem>>)
        %dma_wait3A_53 = arith.constant 0 : i32
        %dma_wait3A_54 = tpu.memref_slice %arg5[%add3A_47, %dma_wait3A_53] : memref<32768x512xi32, #tpu.memory_space<hbm>> -> memref<64x512xi32, #tpu.memory_space<hbm>>
        %dma_wait3A_55 = arith.constant 0 : i32
        %dma_wait3A_56 = tpu.memref_slice %arg5[%add3A_47, %dma_wait3A_55] : memref<32768x512xi32, #tpu.memory_space<hbm>> -> memref<64x512xi32, #tpu.memory_space<hbm>>
        tpu.wait_dma2 semaphore(%run_scoped3A : memref<!tpu.dma_semaphore, #tpu.memory_space<semaphore_mem>>) src(%arg9 : memref<64x512xi32, #tpu.memory_space<vmem>>) dst(%dma_wait3A_56 : memref<64x512xi32, #tpu.memory_space<hbm>>)
        tpu.yield
      }) : () -> ()
      %add3A_48 = arith.addi %mul3A_2, %add3A_14 : i32
      "tpu.region"() ({
        %run_scoped3A = tpu.sem_alloc : memref<!tpu.dma_semaphore, #tpu.memory_space<semaphore_mem>>
        %dma_start3A_49 = arith.constant 0 : i32
        %dma_start3A_50 = tpu.memref_slice %arg6[%add3A_48, %dma_start3A_49] : memref<32768x128xf32, #tpu.memory_space<hbm>> -> memref<64x128xf32, #tpu.memory_space<hbm>>
        %dma_start3A_51 = arith.constant 0 : i32
        %dma_start3A_52 = tpu.memref_slice %arg6[%add3A_48, %dma_start3A_51] : memref<32768x128xf32, #tpu.memory_space<hbm>> -> memref<64x128xf32, #tpu.memory_space<hbm>>
        tpu.enqueue_dma source(%arg11 : memref<64x128xf32, #tpu.memory_space<vmem>>) target(%dma_start3A_52 : memref<64x128xf32, #tpu.memory_space<hbm>>) target_semaphore(%run_scoped3A : memref<!tpu.dma_semaphore, #tpu.memory_space<semaphore_mem>>)
        %dma_wait3A_53 = arith.constant 0 : i32
        %dma_wait3A_54 = tpu.memref_slice %arg6[%add3A_48, %dma_wait3A_53] : memref<32768x128xf32, #tpu.memory_space<hbm>> -> memref<64x128xf32, #tpu.memory_space<hbm>>
        %dma_wait3A_55 = arith.constant 0 : i32
        %dma_wait3A_56 = tpu.memref_slice %arg6[%add3A_48, %dma_wait3A_55] : memref<32768x128xf32, #tpu.memory_space<hbm>> -> memref<64x128xf32, #tpu.memory_space<hbm>>
        tpu.wait_dma2 semaphore(%run_scoped3A : memref<!tpu.dma_semaphore, #tpu.memory_space<semaphore_mem>>) src(%arg11 : memref<64x128xf32, #tpu.memory_space<vmem>>) dst(%dma_wait3A_56 : memref<64x128xf32, #tpu.memory_space<hbm>>)
        tpu.yield
      }) : () -> ()
    }
    %scan3A_7 = arith.constant 8 : i32
    return
  }
}

module attributes {stable_mosaic.version = 14 : i64} {
  func.func @_topk_body(%arg0: i32, %arg1: i32, %arg2: memref<1x256x3xf32, #tpu.memory_space<vmem>>, %arg3: memref<1x3x2048xf32, #tpu.memory_space<vmem>>, %arg4: memref<1x256x16xi32, #tpu.memory_space<vmem>>) attributes {dimension_semantics = [#tpu.dimension_semantics<arbitrary>, #tpu.dimension_semantics<arbitrary>], iteration_bounds = array<i64: 1, 8>, scalar_prefetch = 0 : i64, scratch_operands = 0 : i64, tpu.core_type = #tpu.core_type<tc>, window_params = [{transform_indices = @transform_0, window_bounds = array<i64: 1, 256, 3>}, {transform_indices = @transform_1, window_bounds = array<i64: 1, 3, 2048>}, {transform_indices = @transform_2, window_bounds = array<i64: 1, 256, 16>}]} {
    %get3A = arith.constant 0 : index
    %get3A_0 = arith.constant 0 : index
    %get3A_1 = arith.constant 0 : index
    %get3A_2 = vector.load %arg2[%get3A, %get3A_0, %get3A_1] : memref<1x256x3xf32, #tpu.memory_space<vmem>>, vector<1x256x3xf32>
    %get3A_3 = vector.shape_cast %get3A_2 : vector<1x256x3xf32> to vector<256x3xf32>
    %broadcast_in_dim3A = arith.constant 0.000000e+00 : f32
    %broadcast_in_dim3A_4 = vector.broadcast %broadcast_in_dim3A : f32 to vector<256x2048xf32>
    %slice3A = vector.extract_strided_slice %get3A_3 {offsets = [0, 0], sizes = [256, 1], strides = [1, 1]} : vector<256x3xf32> to vector<256x1xf32>
    %get3A_5 = arith.constant 0 : index
    %get3A_6 = arith.constant 0 : index
    %get3A_7 = arith.constant 0 : index
    %get3A_8 = vector.load %arg3[%get3A_5, %get3A_6, %get3A_7] : memref<1x3x2048xf32, #tpu.memory_space<vmem>>, vector<1x1x2048xf32>
    %get3A_9 = vector.shape_cast %get3A_8 : vector<1x1x2048xf32> to vector<1x2048xf32>
    %sub3A = vector.broadcast %slice3A : vector<256x1xf32> to vector<256x2048xf32>
    %sub3A_10 = vector.broadcast %get3A_9 : vector<1x2048xf32> to vector<256x2048xf32>
    %sub3A_11 = arith.subf %sub3A, %sub3A_10 : vector<256x2048xf32>
    %mul3A = arith.mulf %sub3A_11, %sub3A_11 : vector<256x2048xf32>
    %add3A = arith.addf %broadcast_in_dim3A_4, %mul3A : vector<256x2048xf32>
    %slice3A_12 = vector.extract_strided_slice %get3A_3 {offsets = [0, 1], sizes = [256, 1], strides = [1, 1]} : vector<256x3xf32> to vector<256x1xf32>
    %get3A_13 = arith.constant 0 : index
    %get3A_14 = arith.constant 1 : index
    %get3A_15 = arith.constant 0 : index
    %get3A_16 = vector.load %arg3[%get3A_13, %get3A_14, %get3A_15] : memref<1x3x2048xf32, #tpu.memory_space<vmem>>, vector<1x1x2048xf32>
    %get3A_17 = vector.shape_cast %get3A_16 : vector<1x1x2048xf32> to vector<1x2048xf32>
    %sub3A_18 = vector.broadcast %slice3A_12 : vector<256x1xf32> to vector<256x2048xf32>
    %sub3A_19 = vector.broadcast %get3A_17 : vector<1x2048xf32> to vector<256x2048xf32>
    %sub3A_20 = arith.subf %sub3A_18, %sub3A_19 : vector<256x2048xf32>
    %mul3A_21 = arith.mulf %sub3A_20, %sub3A_20 : vector<256x2048xf32>
    %add3A_22 = arith.addf %add3A, %mul3A_21 : vector<256x2048xf32>
    %slice3A_23 = vector.extract_strided_slice %get3A_3 {offsets = [0, 2], sizes = [256, 1], strides = [1, 1]} : vector<256x3xf32> to vector<256x1xf32>
    %get3A_24 = arith.constant 0 : index
    %get3A_25 = arith.constant 2 : index
    %get3A_26 = arith.constant 0 : index
    %get3A_27 = vector.load %arg3[%get3A_24, %get3A_25, %get3A_26] : memref<1x3x2048xf32, #tpu.memory_space<vmem>>, vector<1x1x2048xf32>
    %get3A_28 = vector.shape_cast %get3A_27 : vector<1x1x2048xf32> to vector<1x2048xf32>
    %sub3A_29 = vector.broadcast %slice3A_23 : vector<256x1xf32> to vector<256x2048xf32>
    %sub3A_30 = vector.broadcast %get3A_28 : vector<1x2048xf32> to vector<256x2048xf32>
    %sub3A_31 = arith.subf %sub3A_29, %sub3A_30 : vector<256x2048xf32>
    %mul3A_32 = arith.mulf %sub3A_31, %sub3A_31 : vector<256x2048xf32>
    %add3A_33 = arith.addf %add3A_22, %mul3A_32 : vector<256x2048xf32>
    %iota3A = tpu.iota {dimensions = array<i32: 1>} : vector<1x2048xi32>
    %mul3A_34 = arith.constant 256 : i32
    %mul3A_35 = arith.muli %arg1, %mul3A_34 : i32
    %iota3A_36 = tpu.iota {dimensions = array<i32: 1>} : vector<1x256xi32>
    %iota3A_37 = vector.shape_cast %iota3A_36 : vector<1x256xi32> to vector<256xi32>
    %add3A_38 = vector.broadcast %mul3A_35 : i32 to vector<256xi32>
    %add3A_39 = arith.addi %add3A_38, %iota3A_37 : vector<256xi32>
    %broadcast_in_dim3A_40 = vector.shape_cast %add3A_39 : vector<256xi32> to vector<256x1xi32>
    %eq3A = vector.broadcast %iota3A : vector<1x2048xi32> to vector<256x2048xi32>
    %eq3A_41 = vector.broadcast %broadcast_in_dim3A_40 : vector<256x1xi32> to vector<256x2048xi32>
    %eq3A_42 = arith.cmpi eq, %eq3A, %eq3A_41 : vector<256x2048xi32>
    %jit3A = arith.constant 0x7F800000 : f32
    %broadcast_in_dim3A_43 = vector.broadcast %jit3A : f32 to vector<256x2048xf32>
    %select_n3A = arith.select %eq3A_42, %broadcast_in_dim3A_43, %add3A_33 : vector<256x2048xi1>, vector<256x2048xf32>
    %reduce_min3A = arith.constant dense<0x7F800000> : vector<256xf32>
    %reduce_min3A_44 = vector.multi_reduction <minimumf>, %select_n3A, %reduce_min3A [1] : vector<256x2048xf32> to vector<256xf32>
    %broadcast_in_dim3A_45 = vector.shape_cast %reduce_min3A_44 : vector<256xf32> to vector<256x1xf32>
    %eq3A_46 = vector.broadcast %broadcast_in_dim3A_45 : vector<256x1xf32> to vector<256x2048xf32>
    %eq3A_47 = arith.cmpf oeq, %select_n3A, %eq3A_46 : vector<256x2048xf32>
    %jit3A_48 = arith.constant 2048 : i32
    %broadcast_in_dim3A_49 = vector.shape_cast %iota3A : vector<1x2048xi32> to vector<1x2048xi32>
    %broadcast_in_dim3A_50 = vector.broadcast %broadcast_in_dim3A_49 : vector<1x2048xi32> to vector<256x2048xi32>
    %broadcast_in_dim3A_51 = vector.broadcast %jit3A_48 : i32 to vector<256x2048xi32>
    %select_n3A_52 = arith.select %eq3A_47, %broadcast_in_dim3A_50, %broadcast_in_dim3A_51 : vector<256x2048xi1>, vector<256x2048xi32>
    %reduce_min3A_53 = arith.constant dense<2147483647> : vector<256xi32>
    %reduce_min3A_54 = vector.multi_reduction <minsi>, %select_n3A_52, %reduce_min3A_53 [1] : vector<256x2048xi32> to vector<256xi32>
    %jit3A_55 = arith.constant 0x7F800000 : f32
    %broadcast_in_dim3A_56 = vector.broadcast %jit3A_55 : f32 to vector<256x2048xf32>
    %select_n3A_57 = arith.select %eq3A_47, %broadcast_in_dim3A_56, %select_n3A : vector<256x2048xi1>, vector<256x2048xf32>
    %reduce_min3A_58 = arith.constant dense<0x7F800000> : vector<256xf32>
    %reduce_min3A_59 = vector.multi_reduction <minimumf>, %select_n3A_57, %reduce_min3A_58 [1] : vector<256x2048xf32> to vector<256xf32>
    %broadcast_in_dim3A_60 = vector.shape_cast %reduce_min3A_59 : vector<256xf32> to vector<256x1xf32>
    %eq3A_61 = vector.broadcast %broadcast_in_dim3A_60 : vector<256x1xf32> to vector<256x2048xf32>
    %eq3A_62 = arith.cmpf oeq, %select_n3A_57, %eq3A_61 : vector<256x2048xf32>
    %jit3A_63 = arith.constant 2048 : i32
    %broadcast_in_dim3A_64 = vector.shape_cast %iota3A : vector<1x2048xi32> to vector<1x2048xi32>
    %broadcast_in_dim3A_65 = vector.broadcast %broadcast_in_dim3A_64 : vector<1x2048xi32> to vector<256x2048xi32>
    %broadcast_in_dim3A_66 = vector.broadcast %jit3A_63 : i32 to vector<256x2048xi32>
    %select_n3A_67 = arith.select %eq3A_62, %broadcast_in_dim3A_65, %broadcast_in_dim3A_66 : vector<256x2048xi1>, vector<256x2048xi32>
    %reduce_min3A_68 = arith.constant dense<2147483647> : vector<256xi32>
    %reduce_min3A_69 = vector.multi_reduction <minsi>, %select_n3A_67, %reduce_min3A_68 [1] : vector<256x2048xi32> to vector<256xi32>
    %jit3A_70 = arith.constant 0x7F800000 : f32
    %broadcast_in_dim3A_71 = vector.broadcast %jit3A_70 : f32 to vector<256x2048xf32>
    %select_n3A_72 = arith.select %eq3A_62, %broadcast_in_dim3A_71, %select_n3A_57 : vector<256x2048xi1>, vector<256x2048xf32>
    %reduce_min3A_73 = arith.constant dense<0x7F800000> : vector<256xf32>
    %reduce_min3A_74 = vector.multi_reduction <minimumf>, %select_n3A_72, %reduce_min3A_73 [1] : vector<256x2048xf32> to vector<256xf32>
    %broadcast_in_dim3A_75 = vector.shape_cast %reduce_min3A_74 : vector<256xf32> to vector<256x1xf32>
    %eq3A_76 = vector.broadcast %broadcast_in_dim3A_75 : vector<256x1xf32> to vector<256x2048xf32>
    %eq3A_77 = arith.cmpf oeq, %select_n3A_72, %eq3A_76 : vector<256x2048xf32>
    %jit3A_78 = arith.constant 2048 : i32
    %broadcast_in_dim3A_79 = vector.shape_cast %iota3A : vector<1x2048xi32> to vector<1x2048xi32>
    %broadcast_in_dim3A_80 = vector.broadcast %broadcast_in_dim3A_79 : vector<1x2048xi32> to vector<256x2048xi32>
    %broadcast_in_dim3A_81 = vector.broadcast %jit3A_78 : i32 to vector<256x2048xi32>
    %select_n3A_82 = arith.select %eq3A_77, %broadcast_in_dim3A_80, %broadcast_in_dim3A_81 : vector<256x2048xi1>, vector<256x2048xi32>
    %reduce_min3A_83 = arith.constant dense<2147483647> : vector<256xi32>
    %reduce_min3A_84 = vector.multi_reduction <minsi>, %select_n3A_82, %reduce_min3A_83 [1] : vector<256x2048xi32> to vector<256xi32>
    %jit3A_85 = arith.constant 0x7F800000 : f32
    %broadcast_in_dim3A_86 = vector.broadcast %jit3A_85 : f32 to vector<256x2048xf32>
    %select_n3A_87 = arith.select %eq3A_77, %broadcast_in_dim3A_86, %select_n3A_72 : vector<256x2048xi1>, vector<256x2048xf32>
    %reduce_min3A_88 = arith.constant dense<0x7F800000> : vector<256xf32>
    %reduce_min3A_89 = vector.multi_reduction <minimumf>, %select_n3A_87, %reduce_min3A_88 [1] : vector<256x2048xf32> to vector<256xf32>
    %broadcast_in_dim3A_90 = vector.shape_cast %reduce_min3A_89 : vector<256xf32> to vector<256x1xf32>
    %eq3A_91 = vector.broadcast %broadcast_in_dim3A_90 : vector<256x1xf32> to vector<256x2048xf32>
    %eq3A_92 = arith.cmpf oeq, %select_n3A_87, %eq3A_91 : vector<256x2048xf32>
    %jit3A_93 = arith.constant 2048 : i32
    %broadcast_in_dim3A_94 = vector.shape_cast %iota3A : vector<1x2048xi32> to vector<1x2048xi32>
    %broadcast_in_dim3A_95 = vector.broadcast %broadcast_in_dim3A_94 : vector<1x2048xi32> to vector<256x2048xi32>
    %broadcast_in_dim3A_96 = vector.broadcast %jit3A_93 : i32 to vector<256x2048xi32>
    %select_n3A_97 = arith.select %eq3A_92, %broadcast_in_dim3A_95, %broadcast_in_dim3A_96 : vector<256x2048xi1>, vector<256x2048xi32>
    %reduce_min3A_98 = arith.constant dense<2147483647> : vector<256xi32>
    %reduce_min3A_99 = vector.multi_reduction <minsi>, %select_n3A_97, %reduce_min3A_98 [1] : vector<256x2048xi32> to vector<256xi32>
    %jit3A_100 = arith.constant 0x7F800000 : f32
    %broadcast_in_dim3A_101 = vector.broadcast %jit3A_100 : f32 to vector<256x2048xf32>
    %select_n3A_102 = arith.select %eq3A_92, %broadcast_in_dim3A_101, %select_n3A_87 : vector<256x2048xi1>, vector<256x2048xf32>
    %reduce_min3A_103 = arith.constant dense<0x7F800000> : vector<256xf32>
    %reduce_min3A_104 = vector.multi_reduction <minimumf>, %select_n3A_102, %reduce_min3A_103 [1] : vector<256x2048xf32> to vector<256xf32>
    %broadcast_in_dim3A_105 = vector.shape_cast %reduce_min3A_104 : vector<256xf32> to vector<256x1xf32>
    %eq3A_106 = vector.broadcast %broadcast_in_dim3A_105 : vector<256x1xf32> to vector<256x2048xf32>
    %eq3A_107 = arith.cmpf oeq, %select_n3A_102, %eq3A_106 : vector<256x2048xf32>
    %jit3A_108 = arith.constant 2048 : i32
    %broadcast_in_dim3A_109 = vector.shape_cast %iota3A : vector<1x2048xi32> to vector<1x2048xi32>
    %broadcast_in_dim3A_110 = vector.broadcast %broadcast_in_dim3A_109 : vector<1x2048xi32> to vector<256x2048xi32>
    %broadcast_in_dim3A_111 = vector.broadcast %jit3A_108 : i32 to vector<256x2048xi32>
    %select_n3A_112 = arith.select %eq3A_107, %broadcast_in_dim3A_110, %broadcast_in_dim3A_111 : vector<256x2048xi1>, vector<256x2048xi32>
    %reduce_min3A_113 = arith.constant dense<2147483647> : vector<256xi32>
    %reduce_min3A_114 = vector.multi_reduction <minsi>, %select_n3A_112, %reduce_min3A_113 [1] : vector<256x2048xi32> to vector<256xi32>
    %jit3A_115 = arith.constant 0x7F800000 : f32
    %broadcast_in_dim3A_116 = vector.broadcast %jit3A_115 : f32 to vector<256x2048xf32>
    %select_n3A_117 = arith.select %eq3A_107, %broadcast_in_dim3A_116, %select_n3A_102 : vector<256x2048xi1>, vector<256x2048xf32>
    %reduce_min3A_118 = arith.constant dense<0x7F800000> : vector<256xf32>
    %reduce_min3A_119 = vector.multi_reduction <minimumf>, %select_n3A_117, %reduce_min3A_118 [1] : vector<256x2048xf32> to vector<256xf32>
    %broadcast_in_dim3A_120 = vector.shape_cast %reduce_min3A_119 : vector<256xf32> to vector<256x1xf32>
    %eq3A_121 = vector.broadcast %broadcast_in_dim3A_120 : vector<256x1xf32> to vector<256x2048xf32>
    %eq3A_122 = arith.cmpf oeq, %select_n3A_117, %eq3A_121 : vector<256x2048xf32>
    %jit3A_123 = arith.constant 2048 : i32
    %broadcast_in_dim3A_124 = vector.shape_cast %iota3A : vector<1x2048xi32> to vector<1x2048xi32>
    %broadcast_in_dim3A_125 = vector.broadcast %broadcast_in_dim3A_124 : vector<1x2048xi32> to vector<256x2048xi32>
    %broadcast_in_dim3A_126 = vector.broadcast %jit3A_123 : i32 to vector<256x2048xi32>
    %select_n3A_127 = arith.select %eq3A_122, %broadcast_in_dim3A_125, %broadcast_in_dim3A_126 : vector<256x2048xi1>, vector<256x2048xi32>
    %reduce_min3A_128 = arith.constant dense<2147483647> : vector<256xi32>
    %reduce_min3A_129 = vector.multi_reduction <minsi>, %select_n3A_127, %reduce_min3A_128 [1] : vector<256x2048xi32> to vector<256xi32>
    %jit3A_130 = arith.constant 0x7F800000 : f32
    %broadcast_in_dim3A_131 = vector.broadcast %jit3A_130 : f32 to vector<256x2048xf32>
    %select_n3A_132 = arith.select %eq3A_122, %broadcast_in_dim3A_131, %select_n3A_117 : vector<256x2048xi1>, vector<256x2048xf32>
    %reduce_min3A_133 = arith.constant dense<0x7F800000> : vector<256xf32>
    %reduce_min3A_134 = vector.multi_reduction <minimumf>, %select_n3A_132, %reduce_min3A_133 [1] : vector<256x2048xf32> to vector<256xf32>
    %broadcast_in_dim3A_135 = vector.shape_cast %reduce_min3A_134 : vector<256xf32> to vector<256x1xf32>
    %eq3A_136 = vector.broadcast %broadcast_in_dim3A_135 : vector<256x1xf32> to vector<256x2048xf32>
    %eq3A_137 = arith.cmpf oeq, %select_n3A_132, %eq3A_136 : vector<256x2048xf32>
    %jit3A_138 = arith.constant 2048 : i32
    %broadcast_in_dim3A_139 = vector.shape_cast %iota3A : vector<1x2048xi32> to vector<1x2048xi32>
    %broadcast_in_dim3A_140 = vector.broadcast %broadcast_in_dim3A_139 : vector<1x2048xi32> to vector<256x2048xi32>
    %broadcast_in_dim3A_141 = vector.broadcast %jit3A_138 : i32 to vector<256x2048xi32>
    %select_n3A_142 = arith.select %eq3A_137, %broadcast_in_dim3A_140, %broadcast_in_dim3A_141 : vector<256x2048xi1>, vector<256x2048xi32>
    %reduce_min3A_143 = arith.constant dense<2147483647> : vector<256xi32>
    %reduce_min3A_144 = vector.multi_reduction <minsi>, %select_n3A_142, %reduce_min3A_143 [1] : vector<256x2048xi32> to vector<256xi32>
    %jit3A_145 = arith.constant 0x7F800000 : f32
    %broadcast_in_dim3A_146 = vector.broadcast %jit3A_145 : f32 to vector<256x2048xf32>
    %select_n3A_147 = arith.select %eq3A_137, %broadcast_in_dim3A_146, %select_n3A_132 : vector<256x2048xi1>, vector<256x2048xf32>
    %reduce_min3A_148 = arith.constant dense<0x7F800000> : vector<256xf32>
    %reduce_min3A_149 = vector.multi_reduction <minimumf>, %select_n3A_147, %reduce_min3A_148 [1] : vector<256x2048xf32> to vector<256xf32>
    %broadcast_in_dim3A_150 = vector.shape_cast %reduce_min3A_149 : vector<256xf32> to vector<256x1xf32>
    %eq3A_151 = vector.broadcast %broadcast_in_dim3A_150 : vector<256x1xf32> to vector<256x2048xf32>
    %eq3A_152 = arith.cmpf oeq, %select_n3A_147, %eq3A_151 : vector<256x2048xf32>
    %jit3A_153 = arith.constant 2048 : i32
    %broadcast_in_dim3A_154 = vector.shape_cast %iota3A : vector<1x2048xi32> to vector<1x2048xi32>
    %broadcast_in_dim3A_155 = vector.broadcast %broadcast_in_dim3A_154 : vector<1x2048xi32> to vector<256x2048xi32>
    %broadcast_in_dim3A_156 = vector.broadcast %jit3A_153 : i32 to vector<256x2048xi32>
    %select_n3A_157 = arith.select %eq3A_152, %broadcast_in_dim3A_155, %broadcast_in_dim3A_156 : vector<256x2048xi1>, vector<256x2048xi32>
    %reduce_min3A_158 = arith.constant dense<2147483647> : vector<256xi32>
    %reduce_min3A_159 = vector.multi_reduction <minsi>, %select_n3A_157, %reduce_min3A_158 [1] : vector<256x2048xi32> to vector<256xi32>
    %jit3A_160 = arith.constant 0x7F800000 : f32
    %broadcast_in_dim3A_161 = vector.broadcast %jit3A_160 : f32 to vector<256x2048xf32>
    %select_n3A_162 = arith.select %eq3A_152, %broadcast_in_dim3A_161, %select_n3A_147 : vector<256x2048xi1>, vector<256x2048xf32>
    %reduce_min3A_163 = arith.constant dense<0x7F800000> : vector<256xf32>
    %reduce_min3A_164 = vector.multi_reduction <minimumf>, %select_n3A_162, %reduce_min3A_163 [1] : vector<256x2048xf32> to vector<256xf32>
    %broadcast_in_dim3A_165 = vector.shape_cast %reduce_min3A_164 : vector<256xf32> to vector<256x1xf32>
    %eq3A_166 = vector.broadcast %broadcast_in_dim3A_165 : vector<256x1xf32> to vector<256x2048xf32>
    %eq3A_167 = arith.cmpf oeq, %select_n3A_162, %eq3A_166 : vector<256x2048xf32>
    %jit3A_168 = arith.constant 2048 : i32
    %broadcast_in_dim3A_169 = vector.shape_cast %iota3A : vector<1x2048xi32> to vector<1x2048xi32>
    %broadcast_in_dim3A_170 = vector.broadcast %broadcast_in_dim3A_169 : vector<1x2048xi32> to vector<256x2048xi32>
    %broadcast_in_dim3A_171 = vector.broadcast %jit3A_168 : i32 to vector<256x2048xi32>
    %select_n3A_172 = arith.select %eq3A_167, %broadcast_in_dim3A_170, %broadcast_in_dim3A_171 : vector<256x2048xi1>, vector<256x2048xi32>
    %reduce_min3A_173 = arith.constant dense<2147483647> : vector<256xi32>
    %reduce_min3A_174 = vector.multi_reduction <minsi>, %select_n3A_172, %reduce_min3A_173 [1] : vector<256x2048xi32> to vector<256xi32>
    %jit3A_175 = arith.constant 0x7F800000 : f32
    %broadcast_in_dim3A_176 = vector.broadcast %jit3A_175 : f32 to vector<256x2048xf32>
    %select_n3A_177 = arith.select %eq3A_167, %broadcast_in_dim3A_176, %select_n3A_162 : vector<256x2048xi1>, vector<256x2048xf32>
    %reduce_min3A_178 = arith.constant dense<0x7F800000> : vector<256xf32>
    %reduce_min3A_179 = vector.multi_reduction <minimumf>, %select_n3A_177, %reduce_min3A_178 [1] : vector<256x2048xf32> to vector<256xf32>
    %broadcast_in_dim3A_180 = vector.shape_cast %reduce_min3A_179 : vector<256xf32> to vector<256x1xf32>
    %eq3A_181 = vector.broadcast %broadcast_in_dim3A_180 : vector<256x1xf32> to vector<256x2048xf32>
    %eq3A_182 = arith.cmpf oeq, %select_n3A_177, %eq3A_181 : vector<256x2048xf32>
    %jit3A_183 = arith.constant 2048 : i32
    %broadcast_in_dim3A_184 = vector.shape_cast %iota3A : vector<1x2048xi32> to vector<1x2048xi32>
    %broadcast_in_dim3A_185 = vector.broadcast %broadcast_in_dim3A_184 : vector<1x2048xi32> to vector<256x2048xi32>
    %broadcast_in_dim3A_186 = vector.broadcast %jit3A_183 : i32 to vector<256x2048xi32>
    %select_n3A_187 = arith.select %eq3A_182, %broadcast_in_dim3A_185, %broadcast_in_dim3A_186 : vector<256x2048xi1>, vector<256x2048xi32>
    %reduce_min3A_188 = arith.constant dense<2147483647> : vector<256xi32>
    %reduce_min3A_189 = vector.multi_reduction <minsi>, %select_n3A_187, %reduce_min3A_188 [1] : vector<256x2048xi32> to vector<256xi32>
    %jit3A_190 = arith.constant 0x7F800000 : f32
    %broadcast_in_dim3A_191 = vector.broadcast %jit3A_190 : f32 to vector<256x2048xf32>
    %select_n3A_192 = arith.select %eq3A_182, %broadcast_in_dim3A_191, %select_n3A_177 : vector<256x2048xi1>, vector<256x2048xf32>
    %reduce_min3A_193 = arith.constant dense<0x7F800000> : vector<256xf32>
    %reduce_min3A_194 = vector.multi_reduction <minimumf>, %select_n3A_192, %reduce_min3A_193 [1] : vector<256x2048xf32> to vector<256xf32>
    %broadcast_in_dim3A_195 = vector.shape_cast %reduce_min3A_194 : vector<256xf32> to vector<256x1xf32>
    %eq3A_196 = vector.broadcast %broadcast_in_dim3A_195 : vector<256x1xf32> to vector<256x2048xf32>
    %eq3A_197 = arith.cmpf oeq, %select_n3A_192, %eq3A_196 : vector<256x2048xf32>
    %jit3A_198 = arith.constant 2048 : i32
    %broadcast_in_dim3A_199 = vector.shape_cast %iota3A : vector<1x2048xi32> to vector<1x2048xi32>
    %broadcast_in_dim3A_200 = vector.broadcast %broadcast_in_dim3A_199 : vector<1x2048xi32> to vector<256x2048xi32>
    %broadcast_in_dim3A_201 = vector.broadcast %jit3A_198 : i32 to vector<256x2048xi32>
    %select_n3A_202 = arith.select %eq3A_197, %broadcast_in_dim3A_200, %broadcast_in_dim3A_201 : vector<256x2048xi1>, vector<256x2048xi32>
    %reduce_min3A_203 = arith.constant dense<2147483647> : vector<256xi32>
    %reduce_min3A_204 = vector.multi_reduction <minsi>, %select_n3A_202, %reduce_min3A_203 [1] : vector<256x2048xi32> to vector<256xi32>
    %jit3A_205 = arith.constant 0x7F800000 : f32
    %broadcast_in_dim3A_206 = vector.broadcast %jit3A_205 : f32 to vector<256x2048xf32>
    %select_n3A_207 = arith.select %eq3A_197, %broadcast_in_dim3A_206, %select_n3A_192 : vector<256x2048xi1>, vector<256x2048xf32>
    %reduce_min3A_208 = arith.constant dense<0x7F800000> : vector<256xf32>
    %reduce_min3A_209 = vector.multi_reduction <minimumf>, %select_n3A_207, %reduce_min3A_208 [1] : vector<256x2048xf32> to vector<256xf32>
    %broadcast_in_dim3A_210 = vector.shape_cast %reduce_min3A_209 : vector<256xf32> to vector<256x1xf32>
    %eq3A_211 = vector.broadcast %broadcast_in_dim3A_210 : vector<256x1xf32> to vector<256x2048xf32>
    %eq3A_212 = arith.cmpf oeq, %select_n3A_207, %eq3A_211 : vector<256x2048xf32>
    %jit3A_213 = arith.constant 2048 : i32
    %broadcast_in_dim3A_214 = vector.shape_cast %iota3A : vector<1x2048xi32> to vector<1x2048xi32>
    %broadcast_in_dim3A_215 = vector.broadcast %broadcast_in_dim3A_214 : vector<1x2048xi32> to vector<256x2048xi32>
    %broadcast_in_dim3A_216 = vector.broadcast %jit3A_213 : i32 to vector<256x2048xi32>
    %select_n3A_217 = arith.select %eq3A_212, %broadcast_in_dim3A_215, %broadcast_in_dim3A_216 : vector<256x2048xi1>, vector<256x2048xi32>
    %reduce_min3A_218 = arith.constant dense<2147483647> : vector<256xi32>
    %reduce_min3A_219 = vector.multi_reduction <minsi>, %select_n3A_217, %reduce_min3A_218 [1] : vector<256x2048xi32> to vector<256xi32>
    %jit3A_220 = arith.constant 0x7F800000 : f32
    %broadcast_in_dim3A_221 = vector.broadcast %jit3A_220 : f32 to vector<256x2048xf32>
    %select_n3A_222 = arith.select %eq3A_212, %broadcast_in_dim3A_221, %select_n3A_207 : vector<256x2048xi1>, vector<256x2048xf32>
    %reduce_min3A_223 = arith.constant dense<0x7F800000> : vector<256xf32>
    %reduce_min3A_224 = vector.multi_reduction <minimumf>, %select_n3A_222, %reduce_min3A_223 [1] : vector<256x2048xf32> to vector<256xf32>
    %broadcast_in_dim3A_225 = vector.shape_cast %reduce_min3A_224 : vector<256xf32> to vector<256x1xf32>
    %eq3A_226 = vector.broadcast %broadcast_in_dim3A_225 : vector<256x1xf32> to vector<256x2048xf32>
    %eq3A_227 = arith.cmpf oeq, %select_n3A_222, %eq3A_226 : vector<256x2048xf32>
    %jit3A_228 = arith.constant 2048 : i32
    %broadcast_in_dim3A_229 = vector.shape_cast %iota3A : vector<1x2048xi32> to vector<1x2048xi32>
    %broadcast_in_dim3A_230 = vector.broadcast %broadcast_in_dim3A_229 : vector<1x2048xi32> to vector<256x2048xi32>
    %broadcast_in_dim3A_231 = vector.broadcast %jit3A_228 : i32 to vector<256x2048xi32>
    %select_n3A_232 = arith.select %eq3A_227, %broadcast_in_dim3A_230, %broadcast_in_dim3A_231 : vector<256x2048xi1>, vector<256x2048xi32>
    %reduce_min3A_233 = arith.constant dense<2147483647> : vector<256xi32>
    %reduce_min3A_234 = vector.multi_reduction <minsi>, %select_n3A_232, %reduce_min3A_233 [1] : vector<256x2048xi32> to vector<256xi32>
    %jit3A_235 = arith.constant 0x7F800000 : f32
    %broadcast_in_dim3A_236 = vector.broadcast %jit3A_235 : f32 to vector<256x2048xf32>
    %select_n3A_237 = arith.select %eq3A_227, %broadcast_in_dim3A_236, %select_n3A_222 : vector<256x2048xi1>, vector<256x2048xf32>
    %reduce_min3A_238 = arith.constant dense<0x7F800000> : vector<256xf32>
    %reduce_min3A_239 = vector.multi_reduction <minimumf>, %select_n3A_237, %reduce_min3A_238 [1] : vector<256x2048xf32> to vector<256xf32>
    %broadcast_in_dim3A_240 = vector.shape_cast %reduce_min3A_239 : vector<256xf32> to vector<256x1xf32>
    %eq3A_241 = vector.broadcast %broadcast_in_dim3A_240 : vector<256x1xf32> to vector<256x2048xf32>
    %eq3A_242 = arith.cmpf oeq, %select_n3A_237, %eq3A_241 : vector<256x2048xf32>
    %jit3A_243 = arith.constant 2048 : i32
    %broadcast_in_dim3A_244 = vector.shape_cast %iota3A : vector<1x2048xi32> to vector<1x2048xi32>
    %broadcast_in_dim3A_245 = vector.broadcast %broadcast_in_dim3A_244 : vector<1x2048xi32> to vector<256x2048xi32>
    %broadcast_in_dim3A_246 = vector.broadcast %jit3A_243 : i32 to vector<256x2048xi32>
    %select_n3A_247 = arith.select %eq3A_242, %broadcast_in_dim3A_245, %broadcast_in_dim3A_246 : vector<256x2048xi1>, vector<256x2048xi32>
    %reduce_min3A_248 = arith.constant dense<2147483647> : vector<256xi32>
    %reduce_min3A_249 = vector.multi_reduction <minsi>, %select_n3A_247, %reduce_min3A_248 [1] : vector<256x2048xi32> to vector<256xi32>
    %jit3A_250 = arith.constant 0x7F800000 : f32
    %broadcast_in_dim3A_251 = vector.broadcast %jit3A_250 : f32 to vector<256x2048xf32>
    %select_n3A_252 = arith.select %eq3A_242, %broadcast_in_dim3A_251, %select_n3A_237 : vector<256x2048xi1>, vector<256x2048xf32>
    %reduce_min3A_253 = arith.constant dense<0x7F800000> : vector<256xf32>
    %reduce_min3A_254 = vector.multi_reduction <minimumf>, %select_n3A_252, %reduce_min3A_253 [1] : vector<256x2048xf32> to vector<256xf32>
    %broadcast_in_dim3A_255 = vector.shape_cast %reduce_min3A_254 : vector<256xf32> to vector<256x1xf32>
    %eq3A_256 = vector.broadcast %broadcast_in_dim3A_255 : vector<256x1xf32> to vector<256x2048xf32>
    %eq3A_257 = arith.cmpf oeq, %select_n3A_252, %eq3A_256 : vector<256x2048xf32>
    %jit3A_258 = arith.constant 2048 : i32
    %broadcast_in_dim3A_259 = vector.shape_cast %iota3A : vector<1x2048xi32> to vector<1x2048xi32>
    %broadcast_in_dim3A_260 = vector.broadcast %broadcast_in_dim3A_259 : vector<1x2048xi32> to vector<256x2048xi32>
    %broadcast_in_dim3A_261 = vector.broadcast %jit3A_258 : i32 to vector<256x2048xi32>
    %select_n3A_262 = arith.select %eq3A_257, %broadcast_in_dim3A_260, %broadcast_in_dim3A_261 : vector<256x2048xi1>, vector<256x2048xi32>
    %reduce_min3A_263 = arith.constant dense<2147483647> : vector<256xi32>
    %reduce_min3A_264 = vector.multi_reduction <minsi>, %select_n3A_262, %reduce_min3A_263 [1] : vector<256x2048xi32> to vector<256xi32>
    %stack3A = vector.shape_cast %add3A_39 : vector<256xi32> to vector<256x1xi32>
    %stack3A_265 = vector.shape_cast %reduce_min3A_54 : vector<256xi32> to vector<256x1xi32>
    %stack3A_266 = vector.shape_cast %reduce_min3A_69 : vector<256xi32> to vector<256x1xi32>
    %stack3A_267 = vector.shape_cast %reduce_min3A_84 : vector<256xi32> to vector<256x1xi32>
    %stack3A_268 = vector.shape_cast %reduce_min3A_99 : vector<256xi32> to vector<256x1xi32>
    %stack3A_269 = vector.shape_cast %reduce_min3A_114 : vector<256xi32> to vector<256x1xi32>
    %stack3A_270 = vector.shape_cast %reduce_min3A_129 : vector<256xi32> to vector<256x1xi32>
    %stack3A_271 = vector.shape_cast %reduce_min3A_144 : vector<256xi32> to vector<256x1xi32>
    %stack3A_272 = vector.shape_cast %reduce_min3A_159 : vector<256xi32> to vector<256x1xi32>
    %stack3A_273 = vector.shape_cast %reduce_min3A_174 : vector<256xi32> to vector<256x1xi32>
    %stack3A_274 = vector.shape_cast %reduce_min3A_189 : vector<256xi32> to vector<256x1xi32>
    %stack3A_275 = vector.shape_cast %reduce_min3A_204 : vector<256xi32> to vector<256x1xi32>
    %stack3A_276 = vector.shape_cast %reduce_min3A_219 : vector<256xi32> to vector<256x1xi32>
    %stack3A_277 = vector.shape_cast %reduce_min3A_234 : vector<256xi32> to vector<256x1xi32>
    %stack3A_278 = vector.shape_cast %reduce_min3A_249 : vector<256xi32> to vector<256x1xi32>
    %stack3A_279 = vector.shape_cast %reduce_min3A_264 : vector<256xi32> to vector<256x1xi32>
    %stack3A_280 = tpu.concatenate %stack3A, %stack3A_265, %stack3A_266, %stack3A_267, %stack3A_268, %stack3A_269, %stack3A_270, %stack3A_271, %stack3A_272, %stack3A_273, %stack3A_274, %stack3A_275, %stack3A_276, %stack3A_277, %stack3A_278, %stack3A_279 in 1 : vector<256x1xi32>, vector<256x1xi32>, vector<256x1xi32>, vector<256x1xi32>, vector<256x1xi32>, vector<256x1xi32>, vector<256x1xi32>, vector<256x1xi32>, vector<256x1xi32>, vector<256x1xi32>, vector<256x1xi32>, vector<256x1xi32>, vector<256x1xi32>, vector<256x1xi32>, vector<256x1xi32>, vector<256x1xi32> -> vector<256x16xi32>
    %mul3A_281 = arith.constant 2048 : i32
    %mul3A_282 = arith.muli %arg0, %mul3A_281 : i32
    %add3A_283 = vector.broadcast %mul3A_282 : i32 to vector<256x16xi32>
    %add3A_284 = arith.addi %stack3A_280, %add3A_283 : vector<256x16xi32>
    %swap3A = arith.constant 0 : index
    %swap3A_285 = arith.constant 0 : index
    %swap3A_286 = arith.constant 0 : index
    %swap3A_287 = vector.load %arg4[%swap3A, %swap3A_285, %swap3A_286] : memref<1x256x16xi32, #tpu.memory_space<vmem>>, vector<1x256x16xi32>
    %swap3A_288 = vector.shape_cast %swap3A_287 : vector<1x256x16xi32> to vector<256x16xi32>
    %swap3A_289 = vector.shape_cast %add3A_284 : vector<256x16xi32> to vector<1x256x16xi32>
    tpu.vector_store %arg4[%swap3A, %swap3A_285, %swap3A_286], %swap3A_289 {strides = array<i32>} : memref<1x256x16xi32, #tpu.memory_space<vmem>>, vector<1x256x16xi32>,
    return
  }
  func.func @transform_0(%arg0: i32, %arg1: i32) -> (i32, i32, i32) {
    %c0_i32 = arith.constant 0 : i32
    %c0_i32_0 = arith.constant 0 : i32
    return %arg0, %arg1, %c0_i32 : i32, i32, i32
  }
  func.func @transform_1(%arg0: i32, %arg1: i32) -> (i32, i32, i32) {
    %c0_i32 = arith.constant 0 : i32
    %c0_i32_0 = arith.constant 0 : i32
    %c0_i32_1 = arith.constant 0 : i32
    return %arg0, %c0_i32, %c0_i32_0 : i32, i32, i32
  }
  func.func @transform_2(%arg0: i32, %arg1: i32) -> (i32, i32, i32) {
    %c0_i32 = arith.constant 0 : i32
    %c0_i32_0 = arith.constant 0 : i32
    return %arg0, %arg1, %c0_i32 : i32, i32, i32
  }
}

module attributes {stable_mosaic.version = 14 : i64} {
  func.func @_prep_body(%arg0: i32, %arg1: memref<512x512xf32, #tpu.memory_space<vmem>>, %arg2: memref<512x3xf32, #tpu.memory_space<vmem>>, %arg3: memref<512x4xf32, #tpu.memory_space<vmem>>, %arg4: memref<512x1536xf32, #tpu.memory_space<vmem>>, %arg5: memref<4x8xf32, #tpu.memory_space<vmem>>, %arg6: memref<1x8xf32, #tpu.memory_space<vmem>>, %arg7: memref<3x64xf32, #tpu.memory_space<vmem>>, %arg8: memref<512x512xf32, #tpu.memory_space<vmem>>, %arg9: memref<512x512xi32, #tpu.memory_space<vmem>>, %arg10: memref<512x128xf32, #tpu.memory_space<vmem>>) attributes {dimension_semantics = [#tpu.dimension_semantics<arbitrary>], iteration_bounds = array<i64: 16>, scalar_prefetch = 0 : i64, scratch_operands = 0 : i64, tpu.core_type = #tpu.core_type<tc>, window_params = [{transform_indices = @transform_0, window_bounds = array<i64: 512, 512>}, {transform_indices = @transform_1, window_bounds = array<i64: 512, 3>}, {transform_indices = @transform_2, window_bounds = array<i64: 512, 4>}, {pipeline_mode = #tpu.pipeline_mode<synchronous>, transform_indices = @transform_3, window_bounds = array<i64: 512, 1536>}, {pipeline_mode = #tpu.pipeline_mode<synchronous>, transform_indices = @transform_4, window_bounds = array<i64: 4, 8>}, {pipeline_mode = #tpu.pipeline_mode<synchronous>, transform_indices = @transform_5, window_bounds = array<i64: 1, 8>}, {pipeline_mode = #tpu.pipeline_mode<synchronous>, transform_indices = @transform_6, window_bounds = array<i64: 3, 64>}, {transform_indices = @transform_7, window_bounds = array<i64: 512, 512>}, {transform_indices = @transform_8, window_bounds = array<i64: 512, 512>}, {transform_indices = @transform_9, window_bounds = array<i64: 512, 128>}]} {
    %get3A = arith.constant 0 : index
    %get3A_0 = arith.constant 0 : index
    %get3A_1 = vector.load %arg1[%get3A, %get3A_0] : memref<512x512xf32, #tpu.memory_space<vmem>>, vector<512x512xf32>
    %get3A_2 = arith.constant 0 : index
    %get3A_3 = arith.constant 0 : index
    %get3A_4 = vector.load %arg4[%get3A_2, %get3A_3] : memref<512x1536xf32, #tpu.memory_space<vmem>>, vector<512x1536xf32>
    %dot_general3A = arith.constant dense<0.000000e+00> : vector<512x1536xf32>
    %dot_general3A_5 = tpu.matmul %get3A_1, %get3A_4, %dot_general3A {dimension_numbers = #tpu.dot_dimension_numbers<[1], [0], [0], [1], [0, 0, 1, 1], [], []>, transpose_lhs_hint = false} : vector<512x512xf32>, vector<512x1536xf32>, vector<512x1536xf32> -> vector<512x1536xf32>
    %slice3A = vector.extract_strided_slice %dot_general3A_5 {offsets = [0, 0], sizes = [512, 512], strides = [1, 1]} : vector<512x1536xf32> to vector<512x512xf32>
    %swap3A = arith.constant 0 : index
    %swap3A_6 = arith.constant 0 : index
    %swap3A_7 = vector.load %arg8[%swap3A, %swap3A_6] : memref<512x512xf32, #tpu.memory_space<vmem>>, vector<512x512xf32>
    tpu.vector_store %arg8[%swap3A, %swap3A_6], %slice3A {strides = array<i32>} : memref<512x512xf32, #tpu.memory_space<vmem>>, vector<512x512xf32>,
    %slice3A_8 = vector.extract_strided_slice %dot_general3A_5 {offsets = [0, 512], sizes = [512, 512], strides = [1, 1]} : vector<512x1536xf32> to vector<512x512xf32>
    %convert_element_type3A = arith.truncf %slice3A_8 : vector<512x512xf32> to vector<512x512xbf16>
    %convert_element_type3A_9 = arith.extf %convert_element_type3A : vector<512x512xbf16> to vector<512x512xf32>
    %slice3A_10 = vector.extract_strided_slice %dot_general3A_5 {offsets = [0, 1024], sizes = [512, 512], strides = [1, 1]} : vector<512x1536xf32> to vector<512x512xf32>
    %convert_element_type3A_11 = arith.truncf %slice3A_10 : vector<512x512xf32> to vector<512x512xbf16>
    %convert_element_type3A_12 = arith.extf %convert_element_type3A_11 : vector<512x512xbf16> to vector<512x512xf32>
    %bitcast_convert_type3A = tpu.bitcast %convert_element_type3A_9 : vector<512x512xf32> -> vector<512x512xi32>
    %bitcast_convert_type3A_13 = tpu.bitcast %convert_element_type3A_12 : vector<512x512xf32> -> vector<512x512xi32>
    %shift_right_logical3A = arith.constant 16 : i32
    %shift_right_logical3A_14 = vector.broadcast %shift_right_logical3A : i32 to vector<512x512xi32>
    %shift_right_logical3A_15 = arith.shrui %bitcast_convert_type3A, %shift_right_logical3A_14 : vector<512x512xi32>
    %or3A = arith.ori %shift_right_logical3A_15, %bitcast_convert_type3A_13 : vector<512x512xi32>
    %swap3A_16 = arith.constant 0 : index
    %swap3A_17 = arith.constant 0 : index
    %swap3A_18 = vector.load %arg9[%swap3A_16, %swap3A_17] : memref<512x512xi32, #tpu.memory_space<vmem>>, vector<512x512xi32>
    tpu.vector_store %arg9[%swap3A_16, %swap3A_17], %or3A {strides = array<i32>} : memref<512x512xi32, #tpu.memory_space<vmem>>, vector<512x512xi32>,
    %get3A_19 = arith.constant 0 : index
    %get3A_20 = arith.constant 0 : index
    %get3A_21 = vector.load %arg2[%get3A_19, %get3A_20] : memref<512x3xf32, #tpu.memory_space<vmem>>, vector<512x3xf32>
    %get3A_22 = arith.constant 0 : index
    %get3A_23 = arith.constant 0 : index
    %get3A_24 = vector.load %arg7[%get3A_22, %get3A_23] : memref<3x64xf32, #tpu.memory_space<vmem>>, vector<3x64xf32>
    %dot_general3A_25 = arith.constant dense<0.000000e+00> : vector<512x64xf32>
    %dot_general3A_26 = tpu.matmul %get3A_21, %get3A_24, %dot_general3A_25 {dimension_numbers = #tpu.dot_dimension_numbers<[1], [0], [0], [1], [0, 0, 1, 1], [], []>, transpose_lhs_hint = false} : vector<512x3xf32>, vector<3x64xf32>, vector<512x64xf32> -> vector<512x64xf32>
    %get3A_27 = arith.constant 0 : index
    %get3A_28 = arith.constant 0 : index
    %get3A_29 = vector.load %arg3[%get3A_27, %get3A_28] : memref<512x4xf32, #tpu.memory_space<vmem>>, vector<512x4xf32>
    %get3A_30 = arith.constant 0 : index
    %get3A_31 = arith.constant 0 : index
    %get3A_32 = vector.load %arg5[%get3A_30, %get3A_31] : memref<4x8xf32, #tpu.memory_space<vmem>>, vector<4x8xf32>
    %dot_general3A_33 = arith.constant dense<0.000000e+00> : vector<512x8xf32>
    %dot_general3A_34 = tpu.matmul %get3A_29, %get3A_32, %dot_general3A_33 {dimension_numbers = #tpu.dot_dimension_numbers<[1], [0], [0], [1], [0, 0, 1, 1], [], []>, transpose_lhs_hint = false} : vector<512x4xf32>, vector<4x8xf32>, vector<512x8xf32> -> vector<512x8xf32>
    %get3A_35 = arith.constant 0 : index
    %get3A_36 = arith.constant 0 : index
    %get3A_37 = vector.load %arg6[%get3A_35, %get3A_36] : memref<1x8xf32, #tpu.memory_space<vmem>>, vector<1x8xf32>
    %add3A = vector.broadcast %get3A_37 : vector<1x8xf32> to vector<512x8xf32>
    %add3A_38 = arith.addf %dot_general3A_34, %add3A : vector<512x8xf32>
    %slice3A_39 = vector.extract_strided_slice %get3A_29 {offsets = [0, 0], sizes = [512, 3], strides = [1, 1]} : vector<512x4xf32> to vector<512x3xf32>
    %mul3A = arith.mulf %slice3A_39, %slice3A_39 : vector<512x3xf32>
    %reduce_sum3A = arith.constant dense<0.000000e+00> : vector<512xf32>
    %reduce_sum3A_40 = vector.multi_reduction <add>, %mul3A, %reduce_sum3A [1] : vector<512x3xf32> to vector<512xf32>
    %broadcast_in_dim3A = vector.shape_cast %reduce_sum3A_40 : vector<512xf32> to vector<512x1xf32>
    %sqrt3A = math.sqrt %broadcast_in_dim3A : vector<512x1xf32>
    %max3A = arith.constant 9.99999993E-9 : f32
    %max3A_41 = vector.broadcast %max3A : f32 to vector<512x1xf32>
    %max3A_42 = arith.maximumf %sqrt3A, %max3A_41 : vector<512x1xf32>
    %div3A = vector.broadcast %max3A_42 : vector<512x1xf32> to vector<512x3xf32>
    %div3A_43 = arith.divf %slice3A_39, %div3A : vector<512x3xf32>
    %broadcast_in_dim3A_44 = arith.constant 0.000000e+00 : f32
    %broadcast_in_dim3A_45 = vector.broadcast %broadcast_in_dim3A_44 : f32 to vector<512x53xf32>
    %concatenate3A = tpu.concatenate %dot_general3A_26, %div3A_43, %add3A_38, %broadcast_in_dim3A_45 in 1 : vector<512x64xf32>, vector<512x3xf32>, vector<512x8xf32>, vector<512x53xf32> -> vector<512x128xf32>
    %swap3A_46 = arith.constant 0 : index
    %swap3A_47 = arith.constant 0 : index
    %swap3A_48 = vector.load %arg10[%swap3A_46, %swap3A_47] : memref<512x128xf32, #tpu.memory_space<vmem>>, vector<512x128xf32>
    tpu.vector_store %arg10[%swap3A_46, %swap3A_47], %concatenate3A {strides = array<i32>} : memref<512x128xf32, #tpu.memory_space<vmem>>, vector<512x128xf32>,
    return
  }
  func.func @transform_0(%arg0: i32) -> (i32, i32) {
    %c0_i32 = arith.constant 0 : i32
    %c0_i32_0 = arith.constant 0 : i32
    return %arg0, %c0_i32 : i32, i32
  }
  func.func @transform_1(%arg0: i32) -> (i32, i32) {
    %c0_i32 = arith.constant 0 : i32
    %c0_i32_0 = arith.constant 0 : i32
    return %arg0, %c0_i32 : i32, i32
  }
  func.func @transform_2(%arg0: i32) -> (i32, i32) {
    %c0_i32 = arith.constant 0 : i32
    %c0_i32_0 = arith.constant 0 : i32
    return %arg0, %c0_i32 : i32, i32
  }
  func.func @transform_3(%arg0: i32) -> (i32, i32) {
    %c0_i32 = arith.constant 0 : i32
    %c0_i32_0 = arith.constant 0 : i32
    %c0_i32_1 = arith.constant 0 : i32
    return %c0_i32, %c0_i32_0 : i32, i32
  }
  func.func @transform_4(%arg0: i32) -> (i32, i32) {
    %c0_i32 = arith.constant 0 : i32
    %c0_i32_0 = arith.constant 0 : i32
    %c0_i32_1 = arith.constant 0 : i32
    return %c0_i32, %c0_i32_0 : i32, i32
  }
  func.func @transform_5(%arg0: i32) -> (i32, i32) {
    %c0_i32 = arith.constant 0 : i32
    %c0_i32_0 = arith.constant 0 : i32
    %c0_i32_1 = arith.constant 0 : i32
    return %c0_i32, %c0_i32_0 : i32, i32
  }
  func.func @transform_6(%arg0: i32) -> (i32, i32) {
    %c0_i32 = arith.constant 0 : i32
    %c0_i32_0 = arith.constant 0 : i32
    %c0_i32_1 = arith.constant 0 : i32
    return %c0_i32, %c0_i32_0 : i32, i32
  }
  func.func @transform_7(%arg0: i32) -> (i32, i32) {
    %c0_i32 = arith.constant 0 : i32
    %c0_i32_0 = arith.constant 0 : i32
    return %arg0, %c0_i32 : i32, i32
  }
  func.func @transform_8(%arg0: i32) -> (i32, i32) {
    %c0_i32 = arith.constant 0 : i32
    %c0_i32_0 = arith.constant 0 : i32
    return %arg0, %c0_i32 : i32, i32
  }
  func.func @transform_9(%arg0: i32) -> (i32, i32) {
    %c0_i32 = arith.constant 0 : i32
    %c0_i32_0 = arith.constant 0 : i32
    return %arg0, %c0_i32 : i32, i32
  }
}

module attributes {stable_mosaic.version = 14 : i64} {
  func.func @_attn_body(%arg0: i32, %arg1: memref<128x512xf32, #tpu.memory_space<vmem>>, %arg2: memref<128x128xf32, #tpu.memory_space<vmem>>, %arg3: memref<2048x512xi32, #tpu.memory_space<vmem>>, %arg4: memref<2048x128xf32, #tpu.memory_space<vmem>>, %arg5: memref<512x512xf32, #tpu.memory_space<vmem>>, %arg6: memref<1x64xf32, #tpu.memory_space<vmem>>, %arg7: memref<1x512xf32, #tpu.memory_space<vmem>>, %arg8: memref<512x8xbf16, #tpu.memory_space<vmem>>, %arg9: memref<8x512xf32, #tpu.memory_space<vmem>>, %arg10: memref<64x512xbf16, #tpu.memory_space<vmem>>, %arg11: memref<128x2048xbf16, #tpu.memory_space<vmem>>, %arg12: memref<128x512xf32, #tpu.memory_space<vmem>>) attributes {dimension_semantics = [#tpu.dimension_semantics<arbitrary>], iteration_bounds = array<i64: 16>, scalar_prefetch = 0 : i64, scratch_operands = 0 : i64, tpu.core_type = #tpu.core_type<tc>, window_params = [{transform_indices = @transform_0, window_bounds = array<i64: 128, 512>}, {transform_indices = @transform_1, window_bounds = array<i64: 128, 128>}, {transform_indices = @transform_2, window_bounds = array<i64: 2048, 512>}, {transform_indices = @transform_3, window_bounds = array<i64: 2048, 128>}, {pipeline_mode = #tpu.pipeline_mode<synchronous>, transform_indices = @transform_4, window_bounds = array<i64: 512, 512>}, {pipeline_mode = #tpu.pipeline_mode<synchronous>, transform_indices = @transform_5, window_bounds = array<i64: 1, 64>}, {pipeline_mode = #tpu.pipeline_mode<synchronous>, transform_indices = @transform_6, window_bounds = array<i64: 1, 512>}, {pipeline_mode = #tpu.pipeline_mode<synchronous>, transform_indices = @transform_7, window_bounds = array<i64: 512, 8>}, {pipeline_mode = #tpu.pipeline_mode<synchronous>, transform_indices = @transform_8, window_bounds = array<i64: 8, 512>}, {pipeline_mode = #tpu.pipeline_mode<synchronous>, transform_indices = @transform_9, window_bounds = array<i64: 64, 512>}, {pipeline_mode = #tpu.pipeline_mode<synchronous>, transform_indices = @transform_10, window_bounds = array<i64: 128, 2048>}, {transform_indices = @transform_11, window_bounds = array<i64: 128, 512>}]} {
    %get3A = arith.constant 0 : index
    %get3A_0 = arith.constant 0 : index
    %get3A_1 = vector.load %arg1[%get3A, %get3A_0] : memref<128x512xf32, #tpu.memory_space<vmem>>, vector<128x512xf32>
    %get3A_2 = arith.constant 0 : index
    %get3A_3 = arith.constant 0 : index
    %get3A_4 = vector.load %arg2[%get3A_2, %get3A_3] : memref<128x128xf32, #tpu.memory_space<vmem>>, vector<128x128xf32>
    %get3A_5 = arith.constant 0 : index
    %get3A_6 = arith.constant 0 : index
    %get3A_7 = vector.load %arg3[%get3A_5, %get3A_6] : memref<2048x512xi32, #tpu.memory_space<vmem>>, vector<2048x512xi32>
    %shift_left3A = arith.constant 16 : i32
    %shift_left3A_8 = vector.broadcast %shift_left3A : i32 to vector<2048x512xi32>
    %shift_left3A_9 = arith.shli %get3A_7, %shift_left3A_8 : vector<2048x512xi32>
    %bitcast_convert_type3A = tpu.bitcast %shift_left3A_9 : vector<2048x512xi32> -> vector<2048x512xf32>
    %and3A = arith.constant -65536 : i32
    %and3A_10 = vector.broadcast %and3A : i32 to vector<2048x512xi32>
    %and3A_11 = arith.andi %get3A_7, %and3A_10 : vector<2048x512xi32>
    %bitcast_convert_type3A_12 = tpu.bitcast %and3A_11 : vector<2048x512xi32> -> vector<2048x512xf32>
    %get3A_13 = arith.constant 0 : index
    %get3A_14 = arith.constant 0 : index
    %get3A_15 = vector.load %arg4[%get3A_13, %get3A_14] : memref<2048x128xf32, #tpu.memory_space<vmem>>, vector<2048x128xf32>
    %broadcast_in_dim3A = vector.shape_cast %get3A_1 : vector<128x512xf32> to vector<128x1x512xf32>
    %broadcast_in_dim3A_16 = vector.shape_cast %broadcast_in_dim3A : vector<128x1x512xf32> to vector<128x1x512xf32>
    %broadcast_in_dim3A_17 = vector.broadcast %broadcast_in_dim3A_16 : vector<128x1x512xf32> to vector<128x16x512xf32>
    %reshape3A = vector.shape_cast %broadcast_in_dim3A_17 : vector<128x16x512xf32> to vector<2048x512xf32>
    %broadcast_in_dim3A_18 = vector.shape_cast %get3A_4 : vector<128x128xf32> to vector<128x1x128xf32>
    %broadcast_in_dim3A_19 = vector.shape_cast %broadcast_in_dim3A_18 : vector<128x1x128xf32> to vector<128x1x128xf32>
    %broadcast_in_dim3A_20 = vector.broadcast %broadcast_in_dim3A_19 : vector<128x1x128xf32> to vector<128x16x128xf32>
    %reshape3A_21 = vector.shape_cast %broadcast_in_dim3A_20 : vector<128x16x128xf32> to vector<2048x128xf32>
    %slice3A = vector.extract_strided_slice %reshape3A_21 {offsets = [0, 0], sizes = [2048, 64], strides = [1, 1]} : vector<2048x128xf32> to vector<2048x64xf32>
    %slice3A_22 = vector.extract_strided_slice %get3A_15 {offsets = [0, 0], sizes = [2048, 64], strides = [1, 1]} : vector<2048x128xf32> to vector<2048x64xf32>
    %sub3A = arith.subf %slice3A, %slice3A_22 : vector<2048x64xf32>
    %get3A_23 = arith.constant 0 : index
    %get3A_24 = arith.constant 0 : index
    %get3A_25 = vector.load %arg6[%get3A_23, %get3A_24] : memref<1x64xf32, #tpu.memory_space<vmem>>, vector<1x64xf32>
    %add3A = vector.broadcast %get3A_25 : vector<1x64xf32> to vector<2048x64xf32>
    %add3A_26 = arith.addf %sub3A, %add3A : vector<2048x64xf32>
    %max3A = arith.constant 0.000000e+00 : f32
    %max3A_27 = vector.broadcast %max3A : f32 to vector<2048x64xf32>
    %max3A_28 = arith.maximumf %add3A_26, %max3A_27 : vector<2048x64xf32>
    %convert_element_type3A = arith.truncf %max3A_28 : vector<2048x64xf32> to vector<2048x64xbf16>
    %get3A_29 = arith.constant 0 : index
    %get3A_30 = arith.constant 0 : index
    %get3A_31 = vector.load %arg10[%get3A_29, %get3A_30] : memref<64x512xbf16, #tpu.memory_space<vmem>>, vector<64x512xbf16>
    %dot_general3A = arith.constant dense<0.000000e+00> : vector<2048x512xf32>
    %dot_general3A_32 = tpu.matmul %convert_element_type3A, %get3A_31, %dot_general3A {dimension_numbers = #tpu.dot_dimension_numbers<[1], [0], [0], [1], [0, 0, 1, 1], [], []>, transpose_lhs_hint = false} : vector<2048x64xbf16>, vector<64x512xbf16>, vector<2048x512xf32> -> vector<2048x512xf32>
    %slice3A_33 = vector.extract_strided_slice %reshape3A_21 {offsets = [0, 64], sizes = [2048, 3], strides = [1, 1]} : vector<2048x128xf32> to vector<2048x3xf32>
    %slice3A_34 = vector.extract_strided_slice %get3A_15 {offsets = [0, 64], sizes = [2048, 3], strides = [1, 1]} : vector<2048x128xf32> to vector<2048x3xf32>
    %mul3A = arith.mulf %slice3A_33, %slice3A_34 : vector<2048x3xf32>
    %reduce_sum3A = arith.constant dense<0.000000e+00> : vector<2048xf32>
    %reduce_sum3A_35 = vector.multi_reduction <add>, %mul3A, %reduce_sum3A [1] : vector<2048x3xf32> to vector<2048xf32>
    %broadcast_in_dim3A_36 = vector.shape_cast %reduce_sum3A_35 : vector<2048xf32> to vector<2048x1xf32>
    %mul3A_37 = arith.constant 0.0441941731 : f32
    %mul3A_38 = vector.broadcast %mul3A_37 : f32 to vector<2048x512xf32>
    %mul3A_39 = arith.mulf %mul3A_38, %bitcast_convert_type3A : vector<2048x512xf32>
    %mul3A_40 = arith.constant 5.000000e-01 : f32
    %mul3A_41 = vector.broadcast %mul3A_40 : f32 to vector<2048x512xf32>
    %mul3A_42 = arith.mulf %mul3A_41, %dot_general3A_32 : vector<2048x512xf32>
    %add3A_43 = arith.addf %mul3A_39, %mul3A_42 : vector<2048x512xf32>
    %mul3A_44 = arith.mulf %reshape3A, %add3A_43 : vector<2048x512xf32>
    %convert_element_type3A_45 = arith.truncf %mul3A_44 : vector<2048x512xf32> to vector<2048x512xbf16>
    %get3A_46 = arith.constant 0 : index
    %get3A_47 = arith.constant 0 : index
    %get3A_48 = vector.load %arg8[%get3A_46, %get3A_47] : memref<512x8xbf16, #tpu.memory_space<vmem>>, vector<512x8xbf16>
    %dot_general3A_49 = arith.constant dense<0.000000e+00> : vector<2048x8xf32>
    %dot_general3A_50 = tpu.matmul %convert_element_type3A_45, %get3A_48, %dot_general3A_49 {dimension_numbers = #tpu.dot_dimension_numbers<[1], [0], [0], [1], [0, 0, 1, 1], [], []>, transpose_lhs_hint = false} : vector<2048x512xbf16>, vector<512x8xbf16>, vector<2048x8xf32> -> vector<2048x8xf32>
    %mul3A_51 = arith.constant 3.000000e-01 : f32
    %mul3A_52 = vector.broadcast %mul3A_51 : f32 to vector<2048x1xf32>
    %mul3A_53 = arith.mulf %mul3A_52, %broadcast_in_dim3A_36 : vector<2048x1xf32>
    %slice3A_54 = vector.extract_strided_slice %reshape3A_21 {offsets = [0, 67], sizes = [2048, 8], strides = [1, 1]} : vector<2048x128xf32> to vector<2048x8xf32>
    %mul3A_55 = vector.broadcast %mul3A_53 : vector<2048x1xf32> to vector<2048x8xf32>
    %mul3A_56 = arith.mulf %mul3A_55, %slice3A_54 : vector<2048x8xf32>
    %add3A_57 = arith.addf %dot_general3A_50, %mul3A_56 : vector<2048x8xf32>
    %reshape3A_58 = vector.shape_cast %add3A_57 : vector<2048x8xf32> to vector<128x16x8xf32>
    %reduce_max3A = arith.constant dense<0xFF800000> : vector<128x8xf32>
    %reduce_max3A_59 = vector.multi_reduction <maximumf>, %reshape3A_58, %reduce_max3A [1] : vector<128x16x8xf32> to vector<128x8xf32>
    %broadcast_in_dim3A_60 = vector.shape_cast %reduce_max3A_59 : vector<128x8xf32> to vector<128x1x8xf32>
    %sub3A_61 = vector.broadcast %broadcast_in_dim3A_60 : vector<128x1x8xf32> to vector<128x16x8xf32>
    %sub3A_62 = arith.subf %reshape3A_58, %sub3A_61 : vector<128x16x8xf32>
    %exp3A = math.exp %sub3A_62 : vector<128x16x8xf32>
    %reduce_sum3A_63 = arith.constant dense<0.000000e+00> : vector<128x8xf32>
    %reduce_sum3A_64 = vector.multi_reduction <add>, %exp3A, %reduce_sum3A_63 [1] : vector<128x16x8xf32> to vector<128x8xf32>
    %broadcast_in_dim3A_65 = vector.shape_cast %reduce_sum3A_64 : vector<128x8xf32> to vector<128x1x8xf32>
    %div3A = vector.broadcast %broadcast_in_dim3A_65 : vector<128x1x8xf32> to vector<128x16x8xf32>
    %div3A_66 = arith.divf %exp3A, %div3A : vector<128x16x8xf32>
    %reshape3A_67 = vector.shape_cast %div3A_66 : vector<128x16x8xf32> to vector<2048x8xf32>
    %get3A_68 = arith.constant 0 : index
    %get3A_69 = arith.constant 0 : index
    %get3A_70 = vector.load %arg9[%get3A_68, %get3A_69] : memref<8x512xf32, #tpu.memory_space<vmem>>, vector<8x512xf32>
    %dot_general3A_71 = arith.constant dense<0.000000e+00> : vector<2048x512xf32>
    %dot_general3A_72 = tpu.matmul %reshape3A_67, %get3A_70, %dot_general3A_71 {dimension_numbers = #tpu.dot_dimension_numbers<[1], [0], [0], [1], [0, 0, 1, 1], [], []>, transpose_lhs_hint = false} : vector<2048x8xf32>, vector<8x512xf32>, vector<2048x512xf32> -> vector<2048x512xf32>
    %add3A_73 = arith.addf %bitcast_convert_type3A_12, %dot_general3A_32 : vector<2048x512xf32>
    %mul3A_74 = arith.mulf %dot_general3A_72, %add3A_73 : vector<2048x512xf32>
    %get3A_75 = arith.constant 0 : index
    %get3A_76 = arith.constant 0 : index
    %get3A_77 = vector.load %arg11[%get3A_75, %get3A_76] : memref<128x2048xbf16, #tpu.memory_space<vmem>>, vector<128x2048xbf16>
    %convert_element_type3A_78 = arith.truncf %mul3A_74 : vector<2048x512xf32> to vector<2048x512xbf16>
    %dot_general3A_79 = arith.constant dense<0.000000e+00> : vector<128x512xf32>
    %dot_general3A_80 = tpu.matmul %get3A_77, %convert_element_type3A_78, %dot_general3A_79 {dimension_numbers = #tpu.dot_dimension_numbers<[1], [0], [0], [1], [0, 0, 1, 1], [], []>, transpose_lhs_hint = false} : vector<128x2048xbf16>, vector<2048x512xbf16>, vector<128x512xf32> -> vector<128x512xf32>
    %convert_element_type3A_81 = arith.truncf %dot_general3A_80 : vector<128x512xf32> to vector<128x512xbf16>
    %get3A_82 = arith.constant 0 : index
    %get3A_83 = arith.constant 0 : index
    %get3A_84 = vector.load %arg5[%get3A_82, %get3A_83] : memref<512x512xf32, #tpu.memory_space<vmem>>, vector<512x512xf32>
    %convert_element_type3A_85 = arith.truncf %get3A_84 : vector<512x512xf32> to vector<512x512xbf16>
    %dot_general3A_86 = arith.constant dense<0.000000e+00> : vector<128x512xf32>
    %dot_general3A_87 = tpu.matmul %convert_element_type3A_81, %convert_element_type3A_85, %dot_general3A_86 {dimension_numbers = #tpu.dot_dimension_numbers<[1], [0], [0], [1], [0, 0, 1, 1], [], []>, transpose_lhs_hint = false} : vector<128x512xbf16>, vector<512x512xbf16>, vector<128x512xf32> -> vector<128x512xf32>
    %get3A_88 = arith.constant 0 : index
    %get3A_89 = arith.constant 0 : index
    %get3A_90 = vector.load %arg7[%get3A_88, %get3A_89] : memref<1x512xf32, #tpu.memory_space<vmem>>, vector<1x512xf32>
    %add3A_91 = vector.broadcast %get3A_90 : vector<1x512xf32> to vector<128x512xf32>
    %add3A_92 = arith.addf %dot_general3A_87, %add3A_91 : vector<128x512xf32>
    %swap3A = arith.constant 0 : index
    %swap3A_93 = arith.constant 0 : index
    %swap3A_94 = vector.load %arg12[%swap3A, %swap3A_93] : memref<128x512xf32, #tpu.memory_space<vmem>>, vector<128x512xf32>
    tpu.vector_store %arg12[%swap3A, %swap3A_93], %add3A_92 {strides = array<i32>} : memref<128x512xf32, #tpu.memory_space<vmem>>, vector<128x512xf32>,
    return
  }
  func.func @transform_0(%arg0: i32) -> (i32, i32) {
    %add3A = arith.constant 48 : i32
    %add3A_0 = arith.addi %add3A, %arg0 : i32
    %c0_i32 = arith.constant 0 : i32
    %c0_i32_1 = arith.constant 0 : i32
    return %add3A_0, %c0_i32 : i32, i32
  }
  func.func @transform_1(%arg0: i32) -> (i32, i32) {
    %add3A = arith.constant 48 : i32
    %add3A_0 = arith.addi %add3A, %arg0 : i32
    %c0_i32 = arith.constant 0 : i32
    %c0_i32_1 = arith.constant 0 : i32
    return %add3A_0, %c0_i32 : i32, i32
  }
  func.func @transform_2(%arg0: i32) -> (i32, i32) {
    %c0_i32 = arith.constant 0 : i32
    %c0_i32_0 = arith.constant 0 : i32
    return %arg0, %c0_i32 : i32, i32
  }
  func.func @transform_3(%arg0: i32) -> (i32, i32) {
    %c0_i32 = arith.constant 0 : i32
    %c0_i32_0 = arith.constant 0 : i32
    return %arg0, %c0_i32 : i32, i32
  }
  func.func @transform_4(%arg0: i32) -> (i32, i32) {
    %c0_i32 = arith.constant 0 : i32
    %c0_i32_0 = arith.constant 0 : i32
    %c0_i32_1 = arith.constant 0 : i32
    return %c0_i32, %c0_i32_0 : i32, i32
  }
  func.func @transform_5(%arg0: i32) -> (i32, i32) {
    %c0_i32 = arith.constant 0 : i32
    %c0_i32_0 = arith.constant 0 : i32
    %c0_i32_1 = arith.constant 0 : i32
    return %c0_i32, %c0_i32_0 : i32, i32
  }
  func.func @transform_6(%arg0: i32) -> (i32, i32) {
    %c0_i32 = arith.constant 0 : i32
    %c0_i32_0 = arith.constant 0 : i32
    %c0_i32_1 = arith.constant 0 : i32
    return %c0_i32, %c0_i32_0 : i32, i32
  }
  func.func @transform_7(%arg0: i32) -> (i32, i32) {
    %c0_i32 = arith.constant 0 : i32
    %c0_i32_0 = arith.constant 0 : i32
    %c0_i32_1 = arith.constant 0 : i32
    return %c0_i32, %c0_i32_0 : i32, i32
  }
  func.func @transform_8(%arg0: i32) -> (i32, i32) {
    %c0_i32 = arith.constant 0 : i32
    %c0_i32_0 = arith.constant 0 : i32
    %c0_i32_1 = arith.constant 0 : i32
    return %c0_i32, %c0_i32_0 : i32, i32
  }
  func.func @transform_9(%arg0: i32) -> (i32, i32) {
    %c0_i32 = arith.constant 0 : i32
    %c0_i32_0 = arith.constant 0 : i32
    %c0_i32_1 = arith.constant 0 : i32
    return %c0_i32, %c0_i32_0 : i32, i32
  }
  func.func @transform_10(%arg0: i32) -> (i32, i32) {
    %c0_i32 = arith.constant 0 : i32
    %c0_i32_0 = arith.constant 0 : i32
    %c0_i32_1 = arith.constant 0 : i32
    return %c0_i32, %c0_i32_0 : i32, i32
  }
  func.func @transform_11(%arg0: i32) -> (i32, i32) {
    %c0_i32 = arith.constant 0 : i32
    %c0_i32_0 = arith.constant 0 : i32
    return %arg0, %c0_i32 : i32, i32
  }
}

module attributes {stable_mosaic.version = 14 : i64} {
  func.func @_attn_body(%arg0: i32, %arg1: memref<128x512xf32, #tpu.memory_space<vmem>>, %arg2: memref<128x128xf32, #tpu.memory_space<vmem>>, %arg3: memref<2048x512xi32, #tpu.memory_space<vmem>>, %arg4: memref<2048x128xf32, #tpu.memory_space<vmem>>, %arg5: memref<512x512xf32, #tpu.memory_space<vmem>>, %arg6: memref<1x64xf32, #tpu.memory_space<vmem>>, %arg7: memref<1x512xf32, #tpu.memory_space<vmem>>, %arg8: memref<512x8xbf16, #tpu.memory_space<vmem>>, %arg9: memref<8x512xf32, #tpu.memory_space<vmem>>, %arg10: memref<64x512xbf16, #tpu.memory_space<vmem>>, %arg11: memref<128x2048xbf16, #tpu.memory_space<vmem>>, %arg12: memref<128x512xf32, #tpu.memory_space<vmem>>) attributes {dimension_semantics = [#tpu.dimension_semantics<arbitrary>], iteration_bounds = array<i64: 16>, scalar_prefetch = 0 : i64, scratch_operands = 0 : i64, tpu.core_type = #tpu.core_type<tc>, window_params = [{transform_indices = @transform_0, window_bounds = array<i64: 128, 512>}, {transform_indices = @transform_1, window_bounds = array<i64: 128, 128>}, {transform_indices = @transform_2, window_bounds = array<i64: 2048, 512>}, {transform_indices = @transform_3, window_bounds = array<i64: 2048, 128>}, {pipeline_mode = #tpu.pipeline_mode<synchronous>, transform_indices = @transform_4, window_bounds = array<i64: 512, 512>}, {pipeline_mode = #tpu.pipeline_mode<synchronous>, transform_indices = @transform_5, window_bounds = array<i64: 1, 64>}, {pipeline_mode = #tpu.pipeline_mode<synchronous>, transform_indices = @transform_6, window_bounds = array<i64: 1, 512>}, {pipeline_mode = #tpu.pipeline_mode<synchronous>, transform_indices = @transform_7, window_bounds = array<i64: 512, 8>}, {pipeline_mode = #tpu.pipeline_mode<synchronous>, transform_indices = @transform_8, window_bounds = array<i64: 8, 512>}, {pipeline_mode = #tpu.pipeline_mode<synchronous>, transform_indices = @transform_9, window_bounds = array<i64: 64, 512>}, {pipeline_mode = #tpu.pipeline_mode<synchronous>, transform_indices = @transform_10, window_bounds = array<i64: 128, 2048>}, {transform_indices = @transform_11, window_bounds = array<i64: 128, 512>}]} {
    %get3A = arith.constant 0 : index
    %get3A_0 = arith.constant 0 : index
    %get3A_1 = vector.load %arg1[%get3A, %get3A_0] : memref<128x512xf32, #tpu.memory_space<vmem>>, vector<128x512xf32>
    %get3A_2 = arith.constant 0 : index
    %get3A_3 = arith.constant 0 : index
    %get3A_4 = vector.load %arg2[%get3A_2, %get3A_3] : memref<128x128xf32, #tpu.memory_space<vmem>>, vector<128x128xf32>
    %get3A_5 = arith.constant 0 : index
    %get3A_6 = arith.constant 0 : index
    %get3A_7 = vector.load %arg3[%get3A_5, %get3A_6] : memref<2048x512xi32, #tpu.memory_space<vmem>>, vector<2048x512xi32>
    %shift_left3A = arith.constant 16 : i32
    %shift_left3A_8 = vector.broadcast %shift_left3A : i32 to vector<2048x512xi32>
    %shift_left3A_9 = arith.shli %get3A_7, %shift_left3A_8 : vector<2048x512xi32>
    %bitcast_convert_type3A = tpu.bitcast %shift_left3A_9 : vector<2048x512xi32> -> vector<2048x512xf32>
    %and3A = arith.constant -65536 : i32
    %and3A_10 = vector.broadcast %and3A : i32 to vector<2048x512xi32>
    %and3A_11 = arith.andi %get3A_7, %and3A_10 : vector<2048x512xi32>
    %bitcast_convert_type3A_12 = tpu.bitcast %and3A_11 : vector<2048x512xi32> -> vector<2048x512xf32>
    %get3A_13 = arith.constant 0 : index
    %get3A_14 = arith.constant 0 : index
    %get3A_15 = vector.load %arg4[%get3A_13, %get3A_14] : memref<2048x128xf32, #tpu.memory_space<vmem>>, vector<2048x128xf32>
    %broadcast_in_dim3A = vector.shape_cast %get3A_1 : vector<128x512xf32> to vector<128x1x512xf32>
    %broadcast_in_dim3A_16 = vector.shape_cast %broadcast_in_dim3A : vector<128x1x512xf32> to vector<128x1x512xf32>
    %broadcast_in_dim3A_17 = vector.broadcast %broadcast_in_dim3A_16 : vector<128x1x512xf32> to vector<128x16x512xf32>
    %reshape3A = vector.shape_cast %broadcast_in_dim3A_17 : vector<128x16x512xf32> to vector<2048x512xf32>
    %broadcast_in_dim3A_18 = vector.shape_cast %get3A_4 : vector<128x128xf32> to vector<128x1x128xf32>
    %broadcast_in_dim3A_19 = vector.shape_cast %broadcast_in_dim3A_18 : vector<128x1x128xf32> to vector<128x1x128xf32>
    %broadcast_in_dim3A_20 = vector.broadcast %broadcast_in_dim3A_19 : vector<128x1x128xf32> to vector<128x16x128xf32>
    %reshape3A_21 = vector.shape_cast %broadcast_in_dim3A_20 : vector<128x16x128xf32> to vector<2048x128xf32>
    %slice3A = vector.extract_strided_slice %reshape3A_21 {offsets = [0, 0], sizes = [2048, 64], strides = [1, 1]} : vector<2048x128xf32> to vector<2048x64xf32>
    %slice3A_22 = vector.extract_strided_slice %get3A_15 {offsets = [0, 0], sizes = [2048, 64], strides = [1, 1]} : vector<2048x128xf32> to vector<2048x64xf32>
    %sub3A = arith.subf %slice3A, %slice3A_22 : vector<2048x64xf32>
    %get3A_23 = arith.constant 0 : index
    %get3A_24 = arith.constant 0 : index
    %get3A_25 = vector.load %arg6[%get3A_23, %get3A_24] : memref<1x64xf32, #tpu.memory_space<vmem>>, vector<1x64xf32>
    %add3A = vector.broadcast %get3A_25 : vector<1x64xf32> to vector<2048x64xf32>
    %add3A_26 = arith.addf %sub3A, %add3A : vector<2048x64xf32>
    %max3A = arith.constant 0.000000e+00 : f32
    %max3A_27 = vector.broadcast %max3A : f32 to vector<2048x64xf32>
    %max3A_28 = arith.maximumf %add3A_26, %max3A_27 : vector<2048x64xf32>
    %convert_element_type3A = arith.truncf %max3A_28 : vector<2048x64xf32> to vector<2048x64xbf16>
    %get3A_29 = arith.constant 0 : index
    %get3A_30 = arith.constant 0 : index
    %get3A_31 = vector.load %arg10[%get3A_29, %get3A_30] : memref<64x512xbf16, #tpu.memory_space<vmem>>, vector<64x512xbf16>
    %dot_general3A = arith.constant dense<0.000000e+00> : vector<2048x512xf32>
    %dot_general3A_32 = tpu.matmul %convert_element_type3A, %get3A_31, %dot_general3A {dimension_numbers = #tpu.dot_dimension_numbers<[1], [0], [0], [1], [0, 0, 1, 1], [], []>, transpose_lhs_hint = false} : vector<2048x64xbf16>, vector<64x512xbf16>, vector<2048x512xf32> -> vector<2048x512xf32>
    %slice3A_33 = vector.extract_strided_slice %reshape3A_21 {offsets = [0, 64], sizes = [2048, 3], strides = [1, 1]} : vector<2048x128xf32> to vector<2048x3xf32>
    %slice3A_34 = vector.extract_strided_slice %get3A_15 {offsets = [0, 64], sizes = [2048, 3], strides = [1, 1]} : vector<2048x128xf32> to vector<2048x3xf32>
    %mul3A = arith.mulf %slice3A_33, %slice3A_34 : vector<2048x3xf32>
    %reduce_sum3A = arith.constant dense<0.000000e+00> : vector<2048xf32>
    %reduce_sum3A_35 = vector.multi_reduction <add>, %mul3A, %reduce_sum3A [1] : vector<2048x3xf32> to vector<2048xf32>
    %broadcast_in_dim3A_36 = vector.shape_cast %reduce_sum3A_35 : vector<2048xf32> to vector<2048x1xf32>
    %mul3A_37 = arith.constant 0.0441941731 : f32
    %mul3A_38 = vector.broadcast %mul3A_37 : f32 to vector<2048x512xf32>
    %mul3A_39 = arith.mulf %mul3A_38, %bitcast_convert_type3A : vector<2048x512xf32>
    %mul3A_40 = arith.constant 5.000000e-01 : f32
    %mul3A_41 = vector.broadcast %mul3A_40 : f32 to vector<2048x512xf32>
    %mul3A_42 = arith.mulf %mul3A_41, %dot_general3A_32 : vector<2048x512xf32>
    %add3A_43 = arith.addf %mul3A_39, %mul3A_42 : vector<2048x512xf32>
    %mul3A_44 = arith.mulf %reshape3A, %add3A_43 : vector<2048x512xf32>
    %convert_element_type3A_45 = arith.truncf %mul3A_44 : vector<2048x512xf32> to vector<2048x512xbf16>
    %get3A_46 = arith.constant 0 : index
    %get3A_47 = arith.constant 0 : index
    %get3A_48 = vector.load %arg8[%get3A_46, %get3A_47] : memref<512x8xbf16, #tpu.memory_space<vmem>>, vector<512x8xbf16>
    %dot_general3A_49 = arith.constant dense<0.000000e+00> : vector<2048x8xf32>
    %dot_general3A_50 = tpu.matmul %convert_element_type3A_45, %get3A_48, %dot_general3A_49 {dimension_numbers = #tpu.dot_dimension_numbers<[1], [0], [0], [1], [0, 0, 1, 1], [], []>, transpose_lhs_hint = false} : vector<2048x512xbf16>, vector<512x8xbf16>, vector<2048x8xf32> -> vector<2048x8xf32>
    %mul3A_51 = arith.constant 3.000000e-01 : f32
    %mul3A_52 = vector.broadcast %mul3A_51 : f32 to vector<2048x1xf32>
    %mul3A_53 = arith.mulf %mul3A_52, %broadcast_in_dim3A_36 : vector<2048x1xf32>
    %slice3A_54 = vector.extract_strided_slice %reshape3A_21 {offsets = [0, 67], sizes = [2048, 8], strides = [1, 1]} : vector<2048x128xf32> to vector<2048x8xf32>
    %mul3A_55 = vector.broadcast %mul3A_53 : vector<2048x1xf32> to vector<2048x8xf32>
    %mul3A_56 = arith.mulf %mul3A_55, %slice3A_54 : vector<2048x8xf32>
    %add3A_57 = arith.addf %dot_general3A_50, %mul3A_56 : vector<2048x8xf32>
    %reshape3A_58 = vector.shape_cast %add3A_57 : vector<2048x8xf32> to vector<128x16x8xf32>
    %reduce_max3A = arith.constant dense<0xFF800000> : vector<128x8xf32>
    %reduce_max3A_59 = vector.multi_reduction <maximumf>, %reshape3A_58, %reduce_max3A [1] : vector<128x16x8xf32> to vector<128x8xf32>
    %broadcast_in_dim3A_60 = vector.shape_cast %reduce_max3A_59 : vector<128x8xf32> to vector<128x1x8xf32>
    %sub3A_61 = vector.broadcast %broadcast_in_dim3A_60 : vector<128x1x8xf32> to vector<128x16x8xf32>
    %sub3A_62 = arith.subf %reshape3A_58, %sub3A_61 : vector<128x16x8xf32>
    %exp3A = math.exp %sub3A_62 : vector<128x16x8xf32>
    %reduce_sum3A_63 = arith.constant dense<0.000000e+00> : vector<128x8xf32>
    %reduce_sum3A_64 = vector.multi_reduction <add>, %exp3A, %reduce_sum3A_63 [1] : vector<128x16x8xf32> to vector<128x8xf32>
    %broadcast_in_dim3A_65 = vector.shape_cast %reduce_sum3A_64 : vector<128x8xf32> to vector<128x1x8xf32>
    %div3A = vector.broadcast %broadcast_in_dim3A_65 : vector<128x1x8xf32> to vector<128x16x8xf32>
    %div3A_66 = arith.divf %exp3A, %div3A : vector<128x16x8xf32>
    %reshape3A_67 = vector.shape_cast %div3A_66 : vector<128x16x8xf32> to vector<2048x8xf32>
    %get3A_68 = arith.constant 0 : index
    %get3A_69 = arith.constant 0 : index
    %get3A_70 = vector.load %arg9[%get3A_68, %get3A_69] : memref<8x512xf32, #tpu.memory_space<vmem>>, vector<8x512xf32>
    %dot_general3A_71 = arith.constant dense<0.000000e+00> : vector<2048x512xf32>
    %dot_general3A_72 = tpu.matmul %reshape3A_67, %get3A_70, %dot_general3A_71 {dimension_numbers = #tpu.dot_dimension_numbers<[1], [0], [0], [1], [0, 0, 1, 1], [], []>, transpose_lhs_hint = false} : vector<2048x8xf32>, vector<8x512xf32>, vector<2048x512xf32> -> vector<2048x512xf32>
    %add3A_73 = arith.addf %bitcast_convert_type3A_12, %dot_general3A_32 : vector<2048x512xf32>
    %mul3A_74 = arith.mulf %dot_general3A_72, %add3A_73 : vector<2048x512xf32>
    %get3A_75 = arith.constant 0 : index
    %get3A_76 = arith.constant 0 : index
    %get3A_77 = vector.load %arg11[%get3A_75, %get3A_76] : memref<128x2048xbf16, #tpu.memory_space<vmem>>, vector<128x2048xbf16>
    %convert_element_type3A_78 = arith.truncf %mul3A_74 : vector<2048x512xf32> to vector<2048x512xbf16>
    %dot_general3A_79 = arith.constant dense<0.000000e+00> : vector<128x512xf32>
    %dot_general3A_80 = tpu.matmul %get3A_77, %convert_element_type3A_78, %dot_general3A_79 {dimension_numbers = #tpu.dot_dimension_numbers<[1], [0], [0], [1], [0, 0, 1, 1], [], []>, transpose_lhs_hint = false} : vector<128x2048xbf16>, vector<2048x512xbf16>, vector<128x512xf32> -> vector<128x512xf32>
    %convert_element_type3A_81 = arith.truncf %dot_general3A_80 : vector<128x512xf32> to vector<128x512xbf16>
    %get3A_82 = arith.constant 0 : index
    %get3A_83 = arith.constant 0 : index
    %get3A_84 = vector.load %arg5[%get3A_82, %get3A_83] : memref<512x512xf32, #tpu.memory_space<vmem>>, vector<512x512xf32>
    %convert_element_type3A_85 = arith.truncf %get3A_84 : vector<512x512xf32> to vector<512x512xbf16>
    %dot_general3A_86 = arith.constant dense<0.000000e+00> : vector<128x512xf32>
    %dot_general3A_87 = tpu.matmul %convert_element_type3A_81, %convert_element_type3A_85, %dot_general3A_86 {dimension_numbers = #tpu.dot_dimension_numbers<[1], [0], [0], [1], [0, 0, 1, 1], [], []>, transpose_lhs_hint = false} : vector<128x512xbf16>, vector<512x512xbf16>, vector<128x512xf32> -> vector<128x512xf32>
    %get3A_88 = arith.constant 0 : index
    %get3A_89 = arith.constant 0 : index
    %get3A_90 = vector.load %arg7[%get3A_88, %get3A_89] : memref<1x512xf32, #tpu.memory_space<vmem>>, vector<1x512xf32>
    %add3A_91 = vector.broadcast %get3A_90 : vector<1x512xf32> to vector<128x512xf32>
    %add3A_92 = arith.addf %dot_general3A_87, %add3A_91 : vector<128x512xf32>
    %swap3A = arith.constant 0 : index
    %swap3A_93 = arith.constant 0 : index
    %swap3A_94 = vector.load %arg12[%swap3A, %swap3A_93] : memref<128x512xf32, #tpu.memory_space<vmem>>, vector<128x512xf32>
    tpu.vector_store %arg12[%swap3A, %swap3A_93], %add3A_92 {strides = array<i32>} : memref<128x512xf32, #tpu.memory_space<vmem>>, vector<128x512xf32>,
    return
  }
  func.func @transform_0(%arg0: i32) -> (i32, i32) {
    %add3A = arith.constant 32 : i32
    %add3A_0 = arith.addi %add3A, %arg0 : i32
    %c0_i32 = arith.constant 0 : i32
    %c0_i32_1 = arith.constant 0 : i32
    return %add3A_0, %c0_i32 : i32, i32
  }
  func.func @transform_1(%arg0: i32) -> (i32, i32) {
    %add3A = arith.constant 32 : i32
    %add3A_0 = arith.addi %add3A, %arg0 : i32
    %c0_i32 = arith.constant 0 : i32
    %c0_i32_1 = arith.constant 0 : i32
    return %add3A_0, %c0_i32 : i32, i32
  }
  func.func @transform_2(%arg0: i32) -> (i32, i32) {
    %c0_i32 = arith.constant 0 : i32
    %c0_i32_0 = arith.constant 0 : i32
    return %arg0, %c0_i32 : i32, i32
  }
  func.func @transform_3(%arg0: i32) -> (i32, i32) {
    %c0_i32 = arith.constant 0 : i32
    %c0_i32_0 = arith.constant 0 : i32
    return %arg0, %c0_i32 : i32, i32
  }
  func.func @transform_4(%arg0: i32) -> (i32, i32) {
    %c0_i32 = arith.constant 0 : i32
    %c0_i32_0 = arith.constant 0 : i32
    %c0_i32_1 = arith.constant 0 : i32
    return %c0_i32, %c0_i32_0 : i32, i32
  }
  func.func @transform_5(%arg0: i32) -> (i32, i32) {
    %c0_i32 = arith.constant 0 : i32
    %c0_i32_0 = arith.constant 0 : i32
    %c0_i32_1 = arith.constant 0 : i32
    return %c0_i32, %c0_i32_0 : i32, i32
  }
  func.func @transform_6(%arg0: i32) -> (i32, i32) {
    %c0_i32 = arith.constant 0 : i32
    %c0_i32_0 = arith.constant 0 : i32
    %c0_i32_1 = arith.constant 0 : i32
    return %c0_i32, %c0_i32_0 : i32, i32
  }
  func.func @transform_7(%arg0: i32) -> (i32, i32) {
    %c0_i32 = arith.constant 0 : i32
    %c0_i32_0 = arith.constant 0 : i32
    %c0_i32_1 = arith.constant 0 : i32
    return %c0_i32, %c0_i32_0 : i32, i32
  }
  func.func @transform_8(%arg0: i32) -> (i32, i32) {
    %c0_i32 = arith.constant 0 : i32
    %c0_i32_0 = arith.constant 0 : i32
    %c0_i32_1 = arith.constant 0 : i32
    return %c0_i32, %c0_i32_0 : i32, i32
  }
  func.func @transform_9(%arg0: i32) -> (i32, i32) {
    %c0_i32 = arith.constant 0 : i32
    %c0_i32_0 = arith.constant 0 : i32
    %c0_i32_1 = arith.constant 0 : i32
    return %c0_i32, %c0_i32_0 : i32, i32
  }
  func.func @transform_10(%arg0: i32) -> (i32, i32) {
    %c0_i32 = arith.constant 0 : i32
    %c0_i32_0 = arith.constant 0 : i32
    %c0_i32_1 = arith.constant 0 : i32
    return %c0_i32, %c0_i32_0 : i32, i32
  }
  func.func @transform_11(%arg0: i32) -> (i32, i32) {
    %c0_i32 = arith.constant 0 : i32
    %c0_i32_0 = arith.constant 0 : i32
    return %arg0, %c0_i32 : i32, i32
  }
}

module attributes {stable_mosaic.version = 14 : i64} {
  func.func @_attn_body(%arg0: i32, %arg1: memref<128x512xf32, #tpu.memory_space<vmem>>, %arg2: memref<128x128xf32, #tpu.memory_space<vmem>>, %arg3: memref<2048x512xi32, #tpu.memory_space<vmem>>, %arg4: memref<2048x128xf32, #tpu.memory_space<vmem>>, %arg5: memref<512x512xf32, #tpu.memory_space<vmem>>, %arg6: memref<1x64xf32, #tpu.memory_space<vmem>>, %arg7: memref<1x512xf32, #tpu.memory_space<vmem>>, %arg8: memref<512x8xbf16, #tpu.memory_space<vmem>>, %arg9: memref<8x512xf32, #tpu.memory_space<vmem>>, %arg10: memref<64x512xbf16, #tpu.memory_space<vmem>>, %arg11: memref<128x2048xbf16, #tpu.memory_space<vmem>>, %arg12: memref<128x512xf32, #tpu.memory_space<vmem>>) attributes {dimension_semantics = [#tpu.dimension_semantics<arbitrary>], iteration_bounds = array<i64: 16>, scalar_prefetch = 0 : i64, scratch_operands = 0 : i64, tpu.core_type = #tpu.core_type<tc>, window_params = [{transform_indices = @transform_0, window_bounds = array<i64: 128, 512>}, {transform_indices = @transform_1, window_bounds = array<i64: 128, 128>}, {transform_indices = @transform_2, window_bounds = array<i64: 2048, 512>}, {transform_indices = @transform_3, window_bounds = array<i64: 2048, 128>}, {pipeline_mode = #tpu.pipeline_mode<synchronous>, transform_indices = @transform_4, window_bounds = array<i64: 512, 512>}, {pipeline_mode = #tpu.pipeline_mode<synchronous>, transform_indices = @transform_5, window_bounds = array<i64: 1, 64>}, {pipeline_mode = #tpu.pipeline_mode<synchronous>, transform_indices = @transform_6, window_bounds = array<i64: 1, 512>}, {pipeline_mode = #tpu.pipeline_mode<synchronous>, transform_indices = @transform_7, window_bounds = array<i64: 512, 8>}, {pipeline_mode = #tpu.pipeline_mode<synchronous>, transform_indices = @transform_8, window_bounds = array<i64: 8, 512>}, {pipeline_mode = #tpu.pipeline_mode<synchronous>, transform_indices = @transform_9, window_bounds = array<i64: 64, 512>}, {pipeline_mode = #tpu.pipeline_mode<synchronous>, transform_indices = @transform_10, window_bounds = array<i64: 128, 2048>}, {transform_indices = @transform_11, window_bounds = array<i64: 128, 512>}]} {
    %get3A = arith.constant 0 : index
    %get3A_0 = arith.constant 0 : index
    %get3A_1 = vector.load %arg1[%get3A, %get3A_0] : memref<128x512xf32, #tpu.memory_space<vmem>>, vector<128x512xf32>
    %get3A_2 = arith.constant 0 : index
    %get3A_3 = arith.constant 0 : index
    %get3A_4 = vector.load %arg2[%get3A_2, %get3A_3] : memref<128x128xf32, #tpu.memory_space<vmem>>, vector<128x128xf32>
    %get3A_5 = arith.constant 0 : index
    %get3A_6 = arith.constant 0 : index
    %get3A_7 = vector.load %arg3[%get3A_5, %get3A_6] : memref<2048x512xi32, #tpu.memory_space<vmem>>, vector<2048x512xi32>
    %shift_left3A = arith.constant 16 : i32
    %shift_left3A_8 = vector.broadcast %shift_left3A : i32 to vector<2048x512xi32>
    %shift_left3A_9 = arith.shli %get3A_7, %shift_left3A_8 : vector<2048x512xi32>
    %bitcast_convert_type3A = tpu.bitcast %shift_left3A_9 : vector<2048x512xi32> -> vector<2048x512xf32>
    %and3A = arith.constant -65536 : i32
    %and3A_10 = vector.broadcast %and3A : i32 to vector<2048x512xi32>
    %and3A_11 = arith.andi %get3A_7, %and3A_10 : vector<2048x512xi32>
    %bitcast_convert_type3A_12 = tpu.bitcast %and3A_11 : vector<2048x512xi32> -> vector<2048x512xf32>
    %get3A_13 = arith.constant 0 : index
    %get3A_14 = arith.constant 0 : index
    %get3A_15 = vector.load %arg4[%get3A_13, %get3A_14] : memref<2048x128xf32, #tpu.memory_space<vmem>>, vector<2048x128xf32>
    %broadcast_in_dim3A = vector.shape_cast %get3A_1 : vector<128x512xf32> to vector<128x1x512xf32>
    %broadcast_in_dim3A_16 = vector.shape_cast %broadcast_in_dim3A : vector<128x1x512xf32> to vector<128x1x512xf32>
    %broadcast_in_dim3A_17 = vector.broadcast %broadcast_in_dim3A_16 : vector<128x1x512xf32> to vector<128x16x512xf32>
    %reshape3A = vector.shape_cast %broadcast_in_dim3A_17 : vector<128x16x512xf32> to vector<2048x512xf32>
    %broadcast_in_dim3A_18 = vector.shape_cast %get3A_4 : vector<128x128xf32> to vector<128x1x128xf32>
    %broadcast_in_dim3A_19 = vector.shape_cast %broadcast_in_dim3A_18 : vector<128x1x128xf32> to vector<128x1x128xf32>
    %broadcast_in_dim3A_20 = vector.broadcast %broadcast_in_dim3A_19 : vector<128x1x128xf32> to vector<128x16x128xf32>
    %reshape3A_21 = vector.shape_cast %broadcast_in_dim3A_20 : vector<128x16x128xf32> to vector<2048x128xf32>
    %slice3A = vector.extract_strided_slice %reshape3A_21 {offsets = [0, 0], sizes = [2048, 64], strides = [1, 1]} : vector<2048x128xf32> to vector<2048x64xf32>
    %slice3A_22 = vector.extract_strided_slice %get3A_15 {offsets = [0, 0], sizes = [2048, 64], strides = [1, 1]} : vector<2048x128xf32> to vector<2048x64xf32>
    %sub3A = arith.subf %slice3A, %slice3A_22 : vector<2048x64xf32>
    %get3A_23 = arith.constant 0 : index
    %get3A_24 = arith.constant 0 : index
    %get3A_25 = vector.load %arg6[%get3A_23, %get3A_24] : memref<1x64xf32, #tpu.memory_space<vmem>>, vector<1x64xf32>
    %add3A = vector.broadcast %get3A_25 : vector<1x64xf32> to vector<2048x64xf32>
    %add3A_26 = arith.addf %sub3A, %add3A : vector<2048x64xf32>
    %max3A = arith.constant 0.000000e+00 : f32
    %max3A_27 = vector.broadcast %max3A : f32 to vector<2048x64xf32>
    %max3A_28 = arith.maximumf %add3A_26, %max3A_27 : vector<2048x64xf32>
    %convert_element_type3A = arith.truncf %max3A_28 : vector<2048x64xf32> to vector<2048x64xbf16>
    %get3A_29 = arith.constant 0 : index
    %get3A_30 = arith.constant 0 : index
    %get3A_31 = vector.load %arg10[%get3A_29, %get3A_30] : memref<64x512xbf16, #tpu.memory_space<vmem>>, vector<64x512xbf16>
    %dot_general3A = arith.constant dense<0.000000e+00> : vector<2048x512xf32>
    %dot_general3A_32 = tpu.matmul %convert_element_type3A, %get3A_31, %dot_general3A {dimension_numbers = #tpu.dot_dimension_numbers<[1], [0], [0], [1], [0, 0, 1, 1], [], []>, transpose_lhs_hint = false} : vector<2048x64xbf16>, vector<64x512xbf16>, vector<2048x512xf32> -> vector<2048x512xf32>
    %slice3A_33 = vector.extract_strided_slice %reshape3A_21 {offsets = [0, 64], sizes = [2048, 3], strides = [1, 1]} : vector<2048x128xf32> to vector<2048x3xf32>
    %slice3A_34 = vector.extract_strided_slice %get3A_15 {offsets = [0, 64], sizes = [2048, 3], strides = [1, 1]} : vector<2048x128xf32> to vector<2048x3xf32>
    %mul3A = arith.mulf %slice3A_33, %slice3A_34 : vector<2048x3xf32>
    %reduce_sum3A = arith.constant dense<0.000000e+00> : vector<2048xf32>
    %reduce_sum3A_35 = vector.multi_reduction <add>, %mul3A, %reduce_sum3A [1] : vector<2048x3xf32> to vector<2048xf32>
    %broadcast_in_dim3A_36 = vector.shape_cast %reduce_sum3A_35 : vector<2048xf32> to vector<2048x1xf32>
    %mul3A_37 = arith.constant 0.0441941731 : f32
    %mul3A_38 = vector.broadcast %mul3A_37 : f32 to vector<2048x512xf32>
    %mul3A_39 = arith.mulf %mul3A_38, %bitcast_convert_type3A : vector<2048x512xf32>
    %mul3A_40 = arith.constant 5.000000e-01 : f32
    %mul3A_41 = vector.broadcast %mul3A_40 : f32 to vector<2048x512xf32>
    %mul3A_42 = arith.mulf %mul3A_41, %dot_general3A_32 : vector<2048x512xf32>
    %add3A_43 = arith.addf %mul3A_39, %mul3A_42 : vector<2048x512xf32>
    %mul3A_44 = arith.mulf %reshape3A, %add3A_43 : vector<2048x512xf32>
    %convert_element_type3A_45 = arith.truncf %mul3A_44 : vector<2048x512xf32> to vector<2048x512xbf16>
    %get3A_46 = arith.constant 0 : index
    %get3A_47 = arith.constant 0 : index
    %get3A_48 = vector.load %arg8[%get3A_46, %get3A_47] : memref<512x8xbf16, #tpu.memory_space<vmem>>, vector<512x8xbf16>
    %dot_general3A_49 = arith.constant dense<0.000000e+00> : vector<2048x8xf32>
    %dot_general3A_50 = tpu.matmul %convert_element_type3A_45, %get3A_48, %dot_general3A_49 {dimension_numbers = #tpu.dot_dimension_numbers<[1], [0], [0], [1], [0, 0, 1, 1], [], []>, transpose_lhs_hint = false} : vector<2048x512xbf16>, vector<512x8xbf16>, vector<2048x8xf32> -> vector<2048x8xf32>
    %mul3A_51 = arith.constant 3.000000e-01 : f32
    %mul3A_52 = vector.broadcast %mul3A_51 : f32 to vector<2048x1xf32>
    %mul3A_53 = arith.mulf %mul3A_52, %broadcast_in_dim3A_36 : vector<2048x1xf32>
    %slice3A_54 = vector.extract_strided_slice %reshape3A_21 {offsets = [0, 67], sizes = [2048, 8], strides = [1, 1]} : vector<2048x128xf32> to vector<2048x8xf32>
    %mul3A_55 = vector.broadcast %mul3A_53 : vector<2048x1xf32> to vector<2048x8xf32>
    %mul3A_56 = arith.mulf %mul3A_55, %slice3A_54 : vector<2048x8xf32>
    %add3A_57 = arith.addf %dot_general3A_50, %mul3A_56 : vector<2048x8xf32>
    %reshape3A_58 = vector.shape_cast %add3A_57 : vector<2048x8xf32> to vector<128x16x8xf32>
    %reduce_max3A = arith.constant dense<0xFF800000> : vector<128x8xf32>
    %reduce_max3A_59 = vector.multi_reduction <maximumf>, %reshape3A_58, %reduce_max3A [1] : vector<128x16x8xf32> to vector<128x8xf32>
    %broadcast_in_dim3A_60 = vector.shape_cast %reduce_max3A_59 : vector<128x8xf32> to vector<128x1x8xf32>
    %sub3A_61 = vector.broadcast %broadcast_in_dim3A_60 : vector<128x1x8xf32> to vector<128x16x8xf32>
    %sub3A_62 = arith.subf %reshape3A_58, %sub3A_61 : vector<128x16x8xf32>
    %exp3A = math.exp %sub3A_62 : vector<128x16x8xf32>
    %reduce_sum3A_63 = arith.constant dense<0.000000e+00> : vector<128x8xf32>
    %reduce_sum3A_64 = vector.multi_reduction <add>, %exp3A, %reduce_sum3A_63 [1] : vector<128x16x8xf32> to vector<128x8xf32>
    %broadcast_in_dim3A_65 = vector.shape_cast %reduce_sum3A_64 : vector<128x8xf32> to vector<128x1x8xf32>
    %div3A = vector.broadcast %broadcast_in_dim3A_65 : vector<128x1x8xf32> to vector<128x16x8xf32>
    %div3A_66 = arith.divf %exp3A, %div3A : vector<128x16x8xf32>
    %reshape3A_67 = vector.shape_cast %div3A_66 : vector<128x16x8xf32> to vector<2048x8xf32>
    %get3A_68 = arith.constant 0 : index
    %get3A_69 = arith.constant 0 : index
    %get3A_70 = vector.load %arg9[%get3A_68, %get3A_69] : memref<8x512xf32, #tpu.memory_space<vmem>>, vector<8x512xf32>
    %dot_general3A_71 = arith.constant dense<0.000000e+00> : vector<2048x512xf32>
    %dot_general3A_72 = tpu.matmul %reshape3A_67, %get3A_70, %dot_general3A_71 {dimension_numbers = #tpu.dot_dimension_numbers<[1], [0], [0], [1], [0, 0, 1, 1], [], []>, transpose_lhs_hint = false} : vector<2048x8xf32>, vector<8x512xf32>, vector<2048x512xf32> -> vector<2048x512xf32>
    %add3A_73 = arith.addf %bitcast_convert_type3A_12, %dot_general3A_32 : vector<2048x512xf32>
    %mul3A_74 = arith.mulf %dot_general3A_72, %add3A_73 : vector<2048x512xf32>
    %get3A_75 = arith.constant 0 : index
    %get3A_76 = arith.constant 0 : index
    %get3A_77 = vector.load %arg11[%get3A_75, %get3A_76] : memref<128x2048xbf16, #tpu.memory_space<vmem>>, vector<128x2048xbf16>
    %convert_element_type3A_78 = arith.truncf %mul3A_74 : vector<2048x512xf32> to vector<2048x512xbf16>
    %dot_general3A_79 = arith.constant dense<0.000000e+00> : vector<128x512xf32>
    %dot_general3A_80 = tpu.matmul %get3A_77, %convert_element_type3A_78, %dot_general3A_79 {dimension_numbers = #tpu.dot_dimension_numbers<[1], [0], [0], [1], [0, 0, 1, 1], [], []>, transpose_lhs_hint = false} : vector<128x2048xbf16>, vector<2048x512xbf16>, vector<128x512xf32> -> vector<128x512xf32>
    %convert_element_type3A_81 = arith.truncf %dot_general3A_80 : vector<128x512xf32> to vector<128x512xbf16>
    %get3A_82 = arith.constant 0 : index
    %get3A_83 = arith.constant 0 : index
    %get3A_84 = vector.load %arg5[%get3A_82, %get3A_83] : memref<512x512xf32, #tpu.memory_space<vmem>>, vector<512x512xf32>
    %convert_element_type3A_85 = arith.truncf %get3A_84 : vector<512x512xf32> to vector<512x512xbf16>
    %dot_general3A_86 = arith.constant dense<0.000000e+00> : vector<128x512xf32>
    %dot_general3A_87 = tpu.matmul %convert_element_type3A_81, %convert_element_type3A_85, %dot_general3A_86 {dimension_numbers = #tpu.dot_dimension_numbers<[1], [0], [0], [1], [0, 0, 1, 1], [], []>, transpose_lhs_hint = false} : vector<128x512xbf16>, vector<512x512xbf16>, vector<128x512xf32> -> vector<128x512xf32>
    %get3A_88 = arith.constant 0 : index
    %get3A_89 = arith.constant 0 : index
    %get3A_90 = vector.load %arg7[%get3A_88, %get3A_89] : memref<1x512xf32, #tpu.memory_space<vmem>>, vector<1x512xf32>
    %add3A_91 = vector.broadcast %get3A_90 : vector<1x512xf32> to vector<128x512xf32>
    %add3A_92 = arith.addf %dot_general3A_87, %add3A_91 : vector<128x512xf32>
    %swap3A = arith.constant 0 : index
    %swap3A_93 = arith.constant 0 : index
    %swap3A_94 = vector.load %arg12[%swap3A, %swap3A_93] : memref<128x512xf32, #tpu.memory_space<vmem>>, vector<128x512xf32>
    tpu.vector_store %arg12[%swap3A, %swap3A_93], %add3A_92 {strides = array<i32>} : memref<128x512xf32, #tpu.memory_space<vmem>>, vector<128x512xf32>,
    return
  }
  func.func @transform_0(%arg0: i32) -> (i32, i32) {
    %add3A = arith.constant 16 : i32
    %add3A_0 = arith.addi %add3A, %arg0 : i32
    %c0_i32 = arith.constant 0 : i32
    %c0_i32_1 = arith.constant 0 : i32
    return %add3A_0, %c0_i32 : i32, i32
  }
  func.func @transform_1(%arg0: i32) -> (i32, i32) {
    %add3A = arith.constant 16 : i32
    %add3A_0 = arith.addi %add3A, %arg0 : i32
    %c0_i32 = arith.constant 0 : i32
    %c0_i32_1 = arith.constant 0 : i32
    return %add3A_0, %c0_i32 : i32, i32
  }
  func.func @transform_2(%arg0: i32) -> (i32, i32) {
    %c0_i32 = arith.constant 0 : i32
    %c0_i32_0 = arith.constant 0 : i32
    return %arg0, %c0_i32 : i32, i32
  }
  func.func @transform_3(%arg0: i32) -> (i32, i32) {
    %c0_i32 = arith.constant 0 : i32
    %c0_i32_0 = arith.constant 0 : i32
    return %arg0, %c0_i32 : i32, i32
  }
  func.func @transform_4(%arg0: i32) -> (i32, i32) {
    %c0_i32 = arith.constant 0 : i32
    %c0_i32_0 = arith.constant 0 : i32
    %c0_i32_1 = arith.constant 0 : i32
    return %c0_i32, %c0_i32_0 : i32, i32
  }
  func.func @transform_5(%arg0: i32) -> (i32, i32) {
    %c0_i32 = arith.constant 0 : i32
    %c0_i32_0 = arith.constant 0 : i32
    %c0_i32_1 = arith.constant 0 : i32
    return %c0_i32, %c0_i32_0 : i32, i32
  }
  func.func @transform_6(%arg0: i32) -> (i32, i32) {
    %c0_i32 = arith.constant 0 : i32
    %c0_i32_0 = arith.constant 0 : i32
    %c0_i32_1 = arith.constant 0 : i32
    return %c0_i32, %c0_i32_0 : i32, i32
  }
  func.func @transform_7(%arg0: i32) -> (i32, i32) {
    %c0_i32 = arith.constant 0 : i32
    %c0_i32_0 = arith.constant 0 : i32
    %c0_i32_1 = arith.constant 0 : i32
    return %c0_i32, %c0_i32_0 : i32, i32
  }
  func.func @transform_8(%arg0: i32) -> (i32, i32) {
    %c0_i32 = arith.constant 0 : i32
    %c0_i32_0 = arith.constant 0 : i32
    %c0_i32_1 = arith.constant 0 : i32
    return %c0_i32, %c0_i32_0 : i32, i32
  }
  func.func @transform_9(%arg0: i32) -> (i32, i32) {
    %c0_i32 = arith.constant 0 : i32
    %c0_i32_0 = arith.constant 0 : i32
    %c0_i32_1 = arith.constant 0 : i32
    return %c0_i32, %c0_i32_0 : i32, i32
  }
  func.func @transform_10(%arg0: i32) -> (i32, i32) {
    %c0_i32 = arith.constant 0 : i32
    %c0_i32_0 = arith.constant 0 : i32
    %c0_i32_1 = arith.constant 0 : i32
    return %c0_i32, %c0_i32_0 : i32, i32
  }
  func.func @transform_11(%arg0: i32) -> (i32, i32) {
    %c0_i32 = arith.constant 0 : i32
    %c0_i32_0 = arith.constant 0 : i32
    return %arg0, %c0_i32 : i32, i32
  }
}

module attributes {stable_mosaic.version = 14 : i64} {
  func.func @_attn_body(%arg0: i32, %arg1: memref<128x512xf32, #tpu.memory_space<vmem>>, %arg2: memref<128x128xf32, #tpu.memory_space<vmem>>, %arg3: memref<2048x512xi32, #tpu.memory_space<vmem>>, %arg4: memref<2048x128xf32, #tpu.memory_space<vmem>>, %arg5: memref<512x512xf32, #tpu.memory_space<vmem>>, %arg6: memref<1x64xf32, #tpu.memory_space<vmem>>, %arg7: memref<1x512xf32, #tpu.memory_space<vmem>>, %arg8: memref<512x8xbf16, #tpu.memory_space<vmem>>, %arg9: memref<8x512xf32, #tpu.memory_space<vmem>>, %arg10: memref<64x512xbf16, #tpu.memory_space<vmem>>, %arg11: memref<128x2048xbf16, #tpu.memory_space<vmem>>, %arg12: memref<128x512xf32, #tpu.memory_space<vmem>>) attributes {dimension_semantics = [#tpu.dimension_semantics<arbitrary>], iteration_bounds = array<i64: 16>, scalar_prefetch = 0 : i64, scratch_operands = 0 : i64, tpu.core_type = #tpu.core_type<tc>, window_params = [{transform_indices = @transform_0, window_bounds = array<i64: 128, 512>}, {transform_indices = @transform_1, window_bounds = array<i64: 128, 128>}, {transform_indices = @transform_2, window_bounds = array<i64: 2048, 512>}, {transform_indices = @transform_3, window_bounds = array<i64: 2048, 128>}, {pipeline_mode = #tpu.pipeline_mode<synchronous>, transform_indices = @transform_4, window_bounds = array<i64: 512, 512>}, {pipeline_mode = #tpu.pipeline_mode<synchronous>, transform_indices = @transform_5, window_bounds = array<i64: 1, 64>}, {pipeline_mode = #tpu.pipeline_mode<synchronous>, transform_indices = @transform_6, window_bounds = array<i64: 1, 512>}, {pipeline_mode = #tpu.pipeline_mode<synchronous>, transform_indices = @transform_7, window_bounds = array<i64: 512, 8>}, {pipeline_mode = #tpu.pipeline_mode<synchronous>, transform_indices = @transform_8, window_bounds = array<i64: 8, 512>}, {pipeline_mode = #tpu.pipeline_mode<synchronous>, transform_indices = @transform_9, window_bounds = array<i64: 64, 512>}, {pipeline_mode = #tpu.pipeline_mode<synchronous>, transform_indices = @transform_10, window_bounds = array<i64: 128, 2048>}, {transform_indices = @transform_11, window_bounds = array<i64: 128, 512>}]} {
    %get3A = arith.constant 0 : index
    %get3A_0 = arith.constant 0 : index
    %get3A_1 = vector.load %arg1[%get3A, %get3A_0] : memref<128x512xf32, #tpu.memory_space<vmem>>, vector<128x512xf32>
    %get3A_2 = arith.constant 0 : index
    %get3A_3 = arith.constant 0 : index
    %get3A_4 = vector.load %arg2[%get3A_2, %get3A_3] : memref<128x128xf32, #tpu.memory_space<vmem>>, vector<128x128xf32>
    %get3A_5 = arith.constant 0 : index
    %get3A_6 = arith.constant 0 : index
    %get3A_7 = vector.load %arg3[%get3A_5, %get3A_6] : memref<2048x512xi32, #tpu.memory_space<vmem>>, vector<2048x512xi32>
    %shift_left3A = arith.constant 16 : i32
    %shift_left3A_8 = vector.broadcast %shift_left3A : i32 to vector<2048x512xi32>
    %shift_left3A_9 = arith.shli %get3A_7, %shift_left3A_8 : vector<2048x512xi32>
    %bitcast_convert_type3A = tpu.bitcast %shift_left3A_9 : vector<2048x512xi32> -> vector<2048x512xf32>
    %and3A = arith.constant -65536 : i32
    %and3A_10 = vector.broadcast %and3A : i32 to vector<2048x512xi32>
    %and3A_11 = arith.andi %get3A_7, %and3A_10 : vector<2048x512xi32>
    %bitcast_convert_type3A_12 = tpu.bitcast %and3A_11 : vector<2048x512xi32> -> vector<2048x512xf32>
    %get3A_13 = arith.constant 0 : index
    %get3A_14 = arith.constant 0 : index
    %get3A_15 = vector.load %arg4[%get3A_13, %get3A_14] : memref<2048x128xf32, #tpu.memory_space<vmem>>, vector<2048x128xf32>
    %broadcast_in_dim3A = vector.shape_cast %get3A_1 : vector<128x512xf32> to vector<128x1x512xf32>
    %broadcast_in_dim3A_16 = vector.shape_cast %broadcast_in_dim3A : vector<128x1x512xf32> to vector<128x1x512xf32>
    %broadcast_in_dim3A_17 = vector.broadcast %broadcast_in_dim3A_16 : vector<128x1x512xf32> to vector<128x16x512xf32>
    %reshape3A = vector.shape_cast %broadcast_in_dim3A_17 : vector<128x16x512xf32> to vector<2048x512xf32>
    %broadcast_in_dim3A_18 = vector.shape_cast %get3A_4 : vector<128x128xf32> to vector<128x1x128xf32>
    %broadcast_in_dim3A_19 = vector.shape_cast %broadcast_in_dim3A_18 : vector<128x1x128xf32> to vector<128x1x128xf32>
    %broadcast_in_dim3A_20 = vector.broadcast %broadcast_in_dim3A_19 : vector<128x1x128xf32> to vector<128x16x128xf32>
    %reshape3A_21 = vector.shape_cast %broadcast_in_dim3A_20 : vector<128x16x128xf32> to vector<2048x128xf32>
    %slice3A = vector.extract_strided_slice %reshape3A_21 {offsets = [0, 0], sizes = [2048, 64], strides = [1, 1]} : vector<2048x128xf32> to vector<2048x64xf32>
    %slice3A_22 = vector.extract_strided_slice %get3A_15 {offsets = [0, 0], sizes = [2048, 64], strides = [1, 1]} : vector<2048x128xf32> to vector<2048x64xf32>
    %sub3A = arith.subf %slice3A, %slice3A_22 : vector<2048x64xf32>
    %get3A_23 = arith.constant 0 : index
    %get3A_24 = arith.constant 0 : index
    %get3A_25 = vector.load %arg6[%get3A_23, %get3A_24] : memref<1x64xf32, #tpu.memory_space<vmem>>, vector<1x64xf32>
    %add3A = vector.broadcast %get3A_25 : vector<1x64xf32> to vector<2048x64xf32>
    %add3A_26 = arith.addf %sub3A, %add3A : vector<2048x64xf32>
    %max3A = arith.constant 0.000000e+00 : f32
    %max3A_27 = vector.broadcast %max3A : f32 to vector<2048x64xf32>
    %max3A_28 = arith.maximumf %add3A_26, %max3A_27 : vector<2048x64xf32>
    %convert_element_type3A = arith.truncf %max3A_28 : vector<2048x64xf32> to vector<2048x64xbf16>
    %get3A_29 = arith.constant 0 : index
    %get3A_30 = arith.constant 0 : index
    %get3A_31 = vector.load %arg10[%get3A_29, %get3A_30] : memref<64x512xbf16, #tpu.memory_space<vmem>>, vector<64x512xbf16>
    %dot_general3A = arith.constant dense<0.000000e+00> : vector<2048x512xf32>
    %dot_general3A_32 = tpu.matmul %convert_element_type3A, %get3A_31, %dot_general3A {dimension_numbers = #tpu.dot_dimension_numbers<[1], [0], [0], [1], [0, 0, 1, 1], [], []>, transpose_lhs_hint = false} : vector<2048x64xbf16>, vector<64x512xbf16>, vector<2048x512xf32> -> vector<2048x512xf32>
    %slice3A_33 = vector.extract_strided_slice %reshape3A_21 {offsets = [0, 64], sizes = [2048, 3], strides = [1, 1]} : vector<2048x128xf32> to vector<2048x3xf32>
    %slice3A_34 = vector.extract_strided_slice %get3A_15 {offsets = [0, 64], sizes = [2048, 3], strides = [1, 1]} : vector<2048x128xf32> to vector<2048x3xf32>
    %mul3A = arith.mulf %slice3A_33, %slice3A_34 : vector<2048x3xf32>
    %reduce_sum3A = arith.constant dense<0.000000e+00> : vector<2048xf32>
    %reduce_sum3A_35 = vector.multi_reduction <add>, %mul3A, %reduce_sum3A [1] : vector<2048x3xf32> to vector<2048xf32>
    %broadcast_in_dim3A_36 = vector.shape_cast %reduce_sum3A_35 : vector<2048xf32> to vector<2048x1xf32>
    %mul3A_37 = arith.constant 0.0441941731 : f32
    %mul3A_38 = vector.broadcast %mul3A_37 : f32 to vector<2048x512xf32>
    %mul3A_39 = arith.mulf %mul3A_38, %bitcast_convert_type3A : vector<2048x512xf32>
    %mul3A_40 = arith.constant 5.000000e-01 : f32
    %mul3A_41 = vector.broadcast %mul3A_40 : f32 to vector<2048x512xf32>
    %mul3A_42 = arith.mulf %mul3A_41, %dot_general3A_32 : vector<2048x512xf32>
    %add3A_43 = arith.addf %mul3A_39, %mul3A_42 : vector<2048x512xf32>
    %mul3A_44 = arith.mulf %reshape3A, %add3A_43 : vector<2048x512xf32>
    %convert_element_type3A_45 = arith.truncf %mul3A_44 : vector<2048x512xf32> to vector<2048x512xbf16>
    %get3A_46 = arith.constant 0 : index
    %get3A_47 = arith.constant 0 : index
    %get3A_48 = vector.load %arg8[%get3A_46, %get3A_47] : memref<512x8xbf16, #tpu.memory_space<vmem>>, vector<512x8xbf16>
    %dot_general3A_49 = arith.constant dense<0.000000e+00> : vector<2048x8xf32>
    %dot_general3A_50 = tpu.matmul %convert_element_type3A_45, %get3A_48, %dot_general3A_49 {dimension_numbers = #tpu.dot_dimension_numbers<[1], [0], [0], [1], [0, 0, 1, 1], [], []>, transpose_lhs_hint = false} : vector<2048x512xbf16>, vector<512x8xbf16>, vector<2048x8xf32> -> vector<2048x8xf32>
    %mul3A_51 = arith.constant 3.000000e-01 : f32
    %mul3A_52 = vector.broadcast %mul3A_51 : f32 to vector<2048x1xf32>
    %mul3A_53 = arith.mulf %mul3A_52, %broadcast_in_dim3A_36 : vector<2048x1xf32>
    %slice3A_54 = vector.extract_strided_slice %reshape3A_21 {offsets = [0, 67], sizes = [2048, 8], strides = [1, 1]} : vector<2048x128xf32> to vector<2048x8xf32>
    %mul3A_55 = vector.broadcast %mul3A_53 : vector<2048x1xf32> to vector<2048x8xf32>
    %mul3A_56 = arith.mulf %mul3A_55, %slice3A_54 : vector<2048x8xf32>
    %add3A_57 = arith.addf %dot_general3A_50, %mul3A_56 : vector<2048x8xf32>
    %reshape3A_58 = vector.shape_cast %add3A_57 : vector<2048x8xf32> to vector<128x16x8xf32>
    %reduce_max3A = arith.constant dense<0xFF800000> : vector<128x8xf32>
    %reduce_max3A_59 = vector.multi_reduction <maximumf>, %reshape3A_58, %reduce_max3A [1] : vector<128x16x8xf32> to vector<128x8xf32>
    %broadcast_in_dim3A_60 = vector.shape_cast %reduce_max3A_59 : vector<128x8xf32> to vector<128x1x8xf32>
    %sub3A_61 = vector.broadcast %broadcast_in_dim3A_60 : vector<128x1x8xf32> to vector<128x16x8xf32>
    %sub3A_62 = arith.subf %reshape3A_58, %sub3A_61 : vector<128x16x8xf32>
    %exp3A = math.exp %sub3A_62 : vector<128x16x8xf32>
    %reduce_sum3A_63 = arith.constant dense<0.000000e+00> : vector<128x8xf32>
    %reduce_sum3A_64 = vector.multi_reduction <add>, %exp3A, %reduce_sum3A_63 [1] : vector<128x16x8xf32> to vector<128x8xf32>
    %broadcast_in_dim3A_65 = vector.shape_cast %reduce_sum3A_64 : vector<128x8xf32> to vector<128x1x8xf32>
    %div3A = vector.broadcast %broadcast_in_dim3A_65 : vector<128x1x8xf32> to vector<128x16x8xf32>
    %div3A_66 = arith.divf %exp3A, %div3A : vector<128x16x8xf32>
    %reshape3A_67 = vector.shape_cast %div3A_66 : vector<128x16x8xf32> to vector<2048x8xf32>
    %get3A_68 = arith.constant 0 : index
    %get3A_69 = arith.constant 0 : index
    %get3A_70 = vector.load %arg9[%get3A_68, %get3A_69] : memref<8x512xf32, #tpu.memory_space<vmem>>, vector<8x512xf32>
    %dot_general3A_71 = arith.constant dense<0.000000e+00> : vector<2048x512xf32>
    %dot_general3A_72 = tpu.matmul %reshape3A_67, %get3A_70, %dot_general3A_71 {dimension_numbers = #tpu.dot_dimension_numbers<[1], [0], [0], [1], [0, 0, 1, 1], [], []>, transpose_lhs_hint = false} : vector<2048x8xf32>, vector<8x512xf32>, vector<2048x512xf32> -> vector<2048x512xf32>
    %add3A_73 = arith.addf %bitcast_convert_type3A_12, %dot_general3A_32 : vector<2048x512xf32>
    %mul3A_74 = arith.mulf %dot_general3A_72, %add3A_73 : vector<2048x512xf32>
    %get3A_75 = arith.constant 0 : index
    %get3A_76 = arith.constant 0 : index
    %get3A_77 = vector.load %arg11[%get3A_75, %get3A_76] : memref<128x2048xbf16, #tpu.memory_space<vmem>>, vector<128x2048xbf16>
    %convert_element_type3A_78 = arith.truncf %mul3A_74 : vector<2048x512xf32> to vector<2048x512xbf16>
    %dot_general3A_79 = arith.constant dense<0.000000e+00> : vector<128x512xf32>
    %dot_general3A_80 = tpu.matmul %get3A_77, %convert_element_type3A_78, %dot_general3A_79 {dimension_numbers = #tpu.dot_dimension_numbers<[1], [0], [0], [1], [0, 0, 1, 1], [], []>, transpose_lhs_hint = false} : vector<128x2048xbf16>, vector<2048x512xbf16>, vector<128x512xf32> -> vector<128x512xf32>
    %convert_element_type3A_81 = arith.truncf %dot_general3A_80 : vector<128x512xf32> to vector<128x512xbf16>
    %get3A_82 = arith.constant 0 : index
    %get3A_83 = arith.constant 0 : index
    %get3A_84 = vector.load %arg5[%get3A_82, %get3A_83] : memref<512x512xf32, #tpu.memory_space<vmem>>, vector<512x512xf32>
    %convert_element_type3A_85 = arith.truncf %get3A_84 : vector<512x512xf32> to vector<512x512xbf16>
    %dot_general3A_86 = arith.constant dense<0.000000e+00> : vector<128x512xf32>
    %dot_general3A_87 = tpu.matmul %convert_element_type3A_81, %convert_element_type3A_85, %dot_general3A_86 {dimension_numbers = #tpu.dot_dimension_numbers<[1], [0], [0], [1], [0, 0, 1, 1], [], []>, transpose_lhs_hint = false} : vector<128x512xbf16>, vector<512x512xbf16>, vector<128x512xf32> -> vector<128x512xf32>
    %get3A_88 = arith.constant 0 : index
    %get3A_89 = arith.constant 0 : index
    %get3A_90 = vector.load %arg7[%get3A_88, %get3A_89] : memref<1x512xf32, #tpu.memory_space<vmem>>, vector<1x512xf32>
    %add3A_91 = vector.broadcast %get3A_90 : vector<1x512xf32> to vector<128x512xf32>
    %add3A_92 = arith.addf %dot_general3A_87, %add3A_91 : vector<128x512xf32>
    %swap3A = arith.constant 0 : index
    %swap3A_93 = arith.constant 0 : index
    %swap3A_94 = vector.load %arg12[%swap3A, %swap3A_93] : memref<128x512xf32, #tpu.memory_space<vmem>>, vector<128x512xf32>
    tpu.vector_store %arg12[%swap3A, %swap3A_93], %add3A_92 {strides = array<i32>} : memref<128x512xf32, #tpu.memory_space<vmem>>, vector<128x512xf32>,
    return
  }
  func.func @transform_0(%arg0: i32) -> (i32, i32) {
    %add3A = arith.constant 0 : i32
    %add3A_0 = arith.addi %add3A, %arg0 : i32
    %c0_i32 = arith.constant 0 : i32
    %c0_i32_1 = arith.constant 0 : i32
    return %add3A_0, %c0_i32 : i32, i32
  }
  func.func @transform_1(%arg0: i32) -> (i32, i32) {
    %add3A = arith.constant 0 : i32
    %add3A_0 = arith.addi %add3A, %arg0 : i32
    %c0_i32 = arith.constant 0 : i32
    %c0_i32_1 = arith.constant 0 : i32
    return %add3A_0, %c0_i32 : i32, i32
  }
  func.func @transform_2(%arg0: i32) -> (i32, i32) {
    %c0_i32 = arith.constant 0 : i32
    %c0_i32_0 = arith.constant 0 : i32
    return %arg0, %c0_i32 : i32, i32
  }
  func.func @transform_3(%arg0: i32) -> (i32, i32) {
    %c0_i32 = arith.constant 0 : i32
    %c0_i32_0 = arith.constant 0 : i32
    return %arg0, %c0_i32 : i32, i32
  }
  func.func @transform_4(%arg0: i32) -> (i32, i32) {
    %c0_i32 = arith.constant 0 : i32
    %c0_i32_0 = arith.constant 0 : i32
    %c0_i32_1 = arith.constant 0 : i32
    return %c0_i32, %c0_i32_0 : i32, i32
  }
  func.func @transform_5(%arg0: i32) -> (i32, i32) {
    %c0_i32 = arith.constant 0 : i32
    %c0_i32_0 = arith.constant 0 : i32
    %c0_i32_1 = arith.constant 0 : i32
    return %c0_i32, %c0_i32_0 : i32, i32
  }
  func.func @transform_6(%arg0: i32) -> (i32, i32) {
    %c0_i32 = arith.constant 0 : i32
    %c0_i32_0 = arith.constant 0 : i32
    %c0_i32_1 = arith.constant 0 : i32
    return %c0_i32, %c0_i32_0 : i32, i32
  }
  func.func @transform_7(%arg0: i32) -> (i32, i32) {
    %c0_i32 = arith.constant 0 : i32
    %c0_i32_0 = arith.constant 0 : i32
    %c0_i32_1 = arith.constant 0 : i32
    return %c0_i32, %c0_i32_0 : i32, i32
  }
  func.func @transform_8(%arg0: i32) -> (i32, i32) {
    %c0_i32 = arith.constant 0 : i32
    %c0_i32_0 = arith.constant 0 : i32
    %c0_i32_1 = arith.constant 0 : i32
    return %c0_i32, %c0_i32_0 : i32, i32
  }
  func.func @transform_9(%arg0: i32) -> (i32, i32) {
    %c0_i32 = arith.constant 0 : i32
    %c0_i32_0 = arith.constant 0 : i32
    %c0_i32_1 = arith.constant 0 : i32
    return %c0_i32, %c0_i32_0 : i32, i32
  }
  func.func @transform_10(%arg0: i32) -> (i32, i32) {
    %c0_i32 = arith.constant 0 : i32
    %c0_i32_0 = arith.constant 0 : i32
    %c0_i32_1 = arith.constant 0 : i32
    return %c0_i32, %c0_i32_0 : i32, i32
  }
  func.func @transform_11(%arg0: i32) -> (i32, i32) {
    %c0_i32 = arith.constant 0 : i32
    %c0_i32_0 = arith.constant 0 : i32
    return %arg0, %c0_i32 : i32, i32
  }
}

</mosaic_0001>

<sc_bundles>
// kernel: kernel.15.cloned.1.call-start
scs
__scs_entry_jumppad:
0x0: {  	(pc) =	sbr.rel $0x88, $3  }
0x1: {  	(tag) =	ssettag $0x0;
	lr =	simm.s32 $0x1  }
0x2: {  	[smem:$0x3F97] =	sst lr;
	_ =	strace $0xD0000000  }
0x3: {  	_ = 	snop  }
0x4: {  	_ = 	snop  }
0x5: {  	_ = 	snop  }
0x6: {  	_ = 	snop  }
0x7: {  	_ = 	snop  }
__scs_overlays_trampoline_lowered:
0x8: {  	[smem:$0x3FA6] =	sst s0  }
0x9: {  	[smem:$0x3FA7] =	sst s1  }
0xa: {  	[smem:$0x3FA8] =	sst s2  }
0xb: {  	[smem:$0x3FA9] =	sst s3  }
0xc: {  	[smem:$0x3FAA] =	sst s4  }
0xd: {  	[smem:$0x3FAB] =	sst s5  }
0xe: {  	[smem:$0x3FAC] =	sst s6  }
0xf: {  	[smem:$0x3FAD] =	sst s7  }
0x10: {  	[smem:$0x3FAE] =	sst s8  }
0x11: {  	[smem:$0x3FAF] =	sst s9;
	s0 =	simm.s32 @!p0 $0x0  }
0x12: {  	s1 =	sld [smem:$0x3F95];
	s0 =	simm.s32 @p0 $0x1  }
0x13: {  	[smem:$0x3FB0] =	sst s0;
	s0 =	simm.s32 @!p1 $0x0  }
0x14: {  	s2 =	sld [smem:$0x3F94];
	s0 =	simm.s32 @p1 $0x1  }
0x15: {  	[smem:$0x3FB1] =	sst s0;
	s0 =	simm.s32 @!p2 $0x0  }
0x16: {  	s3 =	sld [smem:$0x3FDB];
	s0 =	simm.s32 @p2 $0x1  }
0x17: {  	s4 =	simm.s32 $0x1BF5;
	[smem:$0x3FB3] =	sst s0  }
0x18: {  	s0 =	sld [smem:$0x3F96];
	_ =	swait.ge [sflag:s4], $0x0  }
0x19: {  	s7 =	sld [smem:$0x3F97]  }
0x1a: {  	s8 =	sadd.s32 $0xFFFFE003, lr  }
0x1b: {  	s9 =	sadd.s32 $0xFFFFFEF7, lr;
	s5 =	simm.s32 $0xFFFFFFFF;
	p2 =	slt.u32 s8, $0xFFFFF086  }
0x1c: {  	p1 =	slt.u32 s9, $0xF7A;
	s5 =	simm.s32 @!p2 $0x0  }
0x1d: {  	s5 =	simm.s32 @p1 $0x1;
	p0 =	seq.s32 s7, s2  }
0x1e: {  	s7 =	smul.u32 @!p0 $0xF7A, s2;
	p2 =	seq.s32 @!p0 s5, $0x0  }
0x1f: {  	s9 =	smul.u32 $0xF7A, s1;
	s8 =	simm.s32 @!p0 $0x1BF5;
	p2 =	por !p2, p0  }
0x20: {  	[sflag:s8] =	ssyncset.s32 @!p0 $0xFFFFF086;
	s6 =	sadd.s32 @!p0 s3, s7;
	s7 =	simm.s32 @!p0 $0x108  }
0x21: {  	s3 =	sadd.s32 s3, s9;
	s6 =	sadd.s32 @!p0 $0x88, s6;
	s7 =	simm.s32 @p2 $0x1082  }
0x22: {  	[simem:s7], [sflag:s8] =	dma.local @!p0 [hbm:s6], $0xF7A  }
0x23: {  	s9 =	sor.u32 $0xD0000000, s2;
	s6 =	simm.s32 $0x108;
	_ =	swait.ge @!p0 [sflag:s8], $0x0  }
0x24: {  	s3 =	sadd.s32 $0x88, s3;
	s6 =	simm.s32 @!p1 $0x1082;
	[sflag:s4] =	ssyncset.s32 $0xFFFFF086  }
0x25: {  	[simem:s6], [sflag:s4] =	dma.local [hbm:s3], $0xF7A  }
0x26: {  	[smem:$0x3F97] =	sst s1;
	(tag) =	ssettag s2;
	_ =	strace s9  }
0x27: {  	s1 =	sld [smem:$0x3FA7]  }
0x28: {  	s2 =	sld [smem:$0x3FA8]  }
0x29: {  	s4 =	sld [smem:$0x3FAA]  }
0x2a: {  	p0 =	seq.s32 s5, $0x0;
	s5 =	sld [smem:$0x3FAB]  }
0x2b: {  	s6 =	sld [smem:$0x3FAC]  }
0x2c: {  	s7 =	sld [smem:$0x3FAD]  }
0x2d: {  	s3 =	simm.s32 $0x108;
	s8 =	sld [smem:$0x3FAE]  }
0x2e: {  	s3 =	simm.s32 @!p0 $0x1082;
	s9 =	sld [smem:$0x3FAF]  }
0x2f: {  	lr =	sadd.s32 s0, s3;
	s0 =	sld [smem:$0x3FA6]  }
0x30: {  	s3 =	sld [smem:$0x3FA9]  }
0x31: {  	[smem:$0x3FB2] =	sst s10  }
0x32: {  	s10 =	sld [smem:$0x3FB0];
	_ =	sdelay $0x3  }
0x33: {  	p0 =	seq.s32 s10, $0x1;
	s10 =	sld [smem:$0x3FB2];
	_ =	sdelay $0x3  }
0x34: {  	[smem:$0x3FB2] =	sst s10  }
0x35: {  	s10 =	sld [smem:$0x3FB1];
	_ =	sdelay $0x3  }
0x36: {  	p1 =	seq.s32 s10, $0x1;
	s10 =	sld [smem:$0x3FB2];
	_ =	sdelay $0x3  }
0x37: {  	[smem:$0x3FB2] =	sst s10  }
0x38: {  	s10 =	sld [smem:$0x3FB3]  }
0x39: {  	_ = 	snop;
	(pc) =	sbr.ind lr, $3  }
0x3a: {  	_ = 	snop  }
0x3b: {  	_ = 	snop  }
0x3c: {  	p2 =	seq.s32 s10, $0x1;
	s10 =	sld [smem:$0x3FB2]  }
0x3d: {  	_ =	shalt  }
0x3e: {  	_ =	shalt  }
0x3f: {  	_ =	shalt  }
0x40: {  	_ =	shalt  }
0x41: {  	_ =	shalt  }
0x42: {  	_ =	shalt  }
0x43: {  	_ =	shalt  }
0x44: {  	_ =	shalt  }
0x45: {  	_ =	shalt  }
0x46: {  	_ =	shalt  }
0x47: {  	_ =	shalt  }
0x48: {  	_ =	shalt  }
0x49: {  	_ =	shalt  }
0x4a: {  	_ =	shalt  }
0x4b: {  	_ =	shalt  }
0x4c: {  	_ =	shalt  }
0x4d: {  	_ =	shalt  }
0x4e: {  	_ =	shalt  }
0x4f: {  	_ =	shalt  }
0x50: {  	_ =	shalt  }
0x51: {  	_ =	shalt  }
0x52: {  	_ =	shalt  }
0x53: {  	_ =	shalt  }
0x54: {  	_ =	shalt  }
0x55: {  	_ =	shalt  }
0x56: {  	_ =	shalt  }
0x57: {  	_ =	shalt  }
0x58: {  	_ =	shalt  }
0x59: {  	_ =	shalt  }
0x5a: {  	_ =	shalt  }
0x5b: {  	_ =	shalt  }
0x5c: {  	_ =	shalt  }
0x5d: {  	_ =	shalt  }
0x5e: {  	_ =	shalt  }
0x5f: {  	_ =	shalt  }
0x60: {  	_ =	shalt  }
0x61: {  	_ =	shalt  }
0x62: {  	_ =	shalt  }
0x63: {  	_ =	shalt  }
0x64: {  	_ =	shalt  }
0x65: {  	_ =	shalt  }
0x66: {  	_ =	shalt  }
0x67: {  	_ =	shalt  }
0x68: {  	_ =	shalt  }
0x69: {  	_ =	shalt  }
0x6a: {  	_ =	shalt  }
0x6b: {  	_ =	shalt  }
0x6c: {  	_ =	shalt  }
0x6d: {  	_ =	shalt  }
0x6e: {  	_ =	shalt  }
0x6f: {  	_ =	shalt  }
0x70: {  	_ =	shalt  }
0x71: {  	_ =	shalt  }
0x72: {  	_ =	shalt  }
0x73: {  	_ =	shalt  }
0x74: {  	_ =	shalt  }
0x75: {  	_ =	shalt  }
0x76: {  	_ =	shalt  }
0x77: {  	_ =	shalt  }
0x78: {  	_ =	shalt  }
0x79: {  	_ =	shalt  }
0x7a: {  	_ =	shalt  }
0x7b: {  	_ =	shalt  }
0x7c: {  	_ =	shalt  }
0x7d: {  	_ =	shalt  }
0x7e: {  	_ =	shalt  }
0x7f: {  	_ =	shalt  }
0x80: {  	_ =	shalt  }
0x81: {  	_ =	shalt  }
0x82: {  	_ =	shalt  }
0x83: {  	_ =	shalt  }
0x84: {  	_ =	shalt  }
0x85: {  	_ =	shalt  }
0x86: {  	_ =	shalt  }
0x87: {  	_ =	shalt  }
.Lfunc_end0:
.L_simem_size_0:
called_computation_lowered:
.L_overlay_start_0:
0x88: {  	s2 =	sld [smem:$0x3FD9]  }
0x89: {  	s3 =	sld [smem:$0x3FFE];
	_ =	sdelay $0x1  }
0x8a: {  	s1 =	srdreg.scid  }
0x8b: {  	s0 =	sand.u32 $0x1, s1  }
0x8c: {  	s17 =	sshll.u32 s0, $0xA;
	s2 =	sadd.s32 s3, s2  }
0x8d: {  	s2 =	sadd.s32 s2, s17  }
0x8e: {  	[smem:$0x3FBE] =	sst s2  }
0x8f: {  	_ = 	snop  }
0x90: {  	(tm) =	ssettm $0x1  }
0x91: {  	s18 =	sld [smem:$0x3FFB];
	_ =	sdelay $0x3  }
0x92: {  	_ =	strace s18  }
0x93: {  	s2 =	sld [smem:$0x3FFC];
	_ =	sdelay $0x3  }
0x94: {  	_ =	strace s2  }
0x95: {  	s2 =	sld [smem:$0x3FFD];
	_ =	sdelay $0x3  }
0x96: {  	_ =	strace s2  }
0x97: {  	_ =	strace $0x8FFFFFFF  }
0x98: {  	s19 =	sld [smem:$0x3FDB];
	_ =	sdelay $0x1  }
0x99: {  	s20 =	simm.s32 $_scs_section_size  }
0x9a: {  	s4 =	simm.s32 $_size__tile_overlayer_lowered;
	s5 =	simm.s32 $_tile_overlayer_lowered  }
0x9b: {  	s6 =	simm.s32 $0x1BFF;
	s21 =	sshll.u32 s5, $0x1;
	s3 =	sadd.s32 s20, s19  }
0x9c: {  	s22 =	simm.s32 $0x0;
	s4 =	sshll.u32 s4, $0x1;
	s5 =	sadd.s32 s21, s3  }
0x9d: {  	[timem:s22], [sflag:s6] =	dma.local [hbm:s5], s4  }
0x9e: {  	_ =	swait.ge [sflag:s6], s4  }
0x9f: {  	s4 =	ssub.s32 $0x0, s4;
	[sflag:s6] =	ssyncset.done $0x0  }
0xa0: {  	[sflag:s6] =	ssyncadd.s32 s4;
	_ =	sdelay $0x1  }
0xa1: {  	s23 =	simm.s32 $0x1B8B  }
0xa2: {  	_ =	swait.ge [sflag:s23], $0x1  }
0xa3: {  	[sflag:s23] =	ssyncset.done $0x0  }
0xa4: {  	[sflag:s23] =	ssyncadd.s32 $0xFFFFFFFF  }
0xa5: {  	s4 =	sld [smem:$0x0]  }
0xa6: {  	s5 =	sand.u32 $0xFFFFFFFE, s1  }
0xa7: {  	p0 =	sne.s32 s1, s5  }
0xa8: {  	s5 =	sshll.u32 @p0 s5, $0xE  }
0xa9: {  	s5 =	sadd.s32 @p0 $0x11B8D, s5;
	s6 =	sshll.u32 @p0 s4, $0x11  }
0xaa: {  	s5 =	sor.u32 @p0 s6, s5  }
0xab: {  	[sflag:s5] =	ssyncadd.remote.s32 @p0 $0x1;
	_ =	sdelay $0x1  }
0xac: {  	s5 =	simm.s32 @p0 $0x1B8D  }
0xad: {  	_ =	swait.eq @p0 [sflag:s5], $0x1  }
0xae: {  	[sflag:s5] =	ssyncadd.s32 @p0 $0xFFFFFFFF  }
0xaf: {  	s6 =	sshll.u32 @!p0 s1, $0xE  }
0xb0: {  	s6 =	sor.u32 @!p0 $0x4000, s6;
	s5 =	simm.s32 @!p0 $0x1B8D  }
0xb1: {  	s4 =	sshll.u32 @!p0 s4, $0x11;
	s6 =	sadd.s32 @!p0 $0x11B8D, s6;
	_ =	swait.eq @!p0 [sflag:s5], $0x1  }
0xb2: {  	s4 =	sor.u32 @!p0 s4, s6;
	[sflag:s5] =	ssyncadd.s32 @!p0 $0xFFFFFFFF  }
0xb3: {  	s25 =	simm.s32 $0x1B8E;
	s24 =	sld [smem:$0x3FFE];
	[sflag:s4] =	ssyncadd.remote.s32 @!p0 $0x1  }
0xb4: {  	s26 =	simm.s32 $execute0_lowered;
	[smem:$0x3FD2] =	sst s25  }
0xb5: {  	s5 =	sshll.u32 s26, $0x1;
	_ =	strace $0x8000004F;
	[dreg:$0x1] =	wrdreg $0xFFFFFFFF  }
0xb6: {  	s28 =	simm.s32 $_size_execute0_lowered;
	s3 =	sadd.s32 s3, s5;
	[dreg:$0x0] =	wrdreg $0x0  }
0xb7: {  	s5 =	sshll.u32 s28, $0x1;
	[dreg:$0x2] =	wrdreg s3  }
0xb8: {  	[dreg:$0x3] =	wrdreg s5  }
0xb9: {  	[dreg:$0x4] =	wrdreg $0xC0  }
0xba: {  	_ =	task [dreg:s22], $0x5FFFF  }
0xbb: {  	[dreg:$0x1] =	wrdreg $0xFFFFFFFF  }
0xbc: {  	[dreg:$0x0] =	wrdreg $0x60  }
0xbd: {  	[dreg:$0x2] =	wrdreg s24  }
0xbe: {  	[dreg:$0x3] =	wrdreg $0x9  }
0xbf: {  	_ =	task.clear_ibuf [dreg:s22], $0x4FFFF;
	_ =	strace $0x9000004F  }
0xc0: {  	s29 =	simm.s32 $0x9;
	_ =	strace $0x80000051  }
0xc1: {  	_ =	swait.ge [sflag:s29], $0x1  }
0xc2: {  	[sflag:s29] =	ssyncadd.s32 $0xFFFFFFFF  }
0xc3: {  	_ =	strace $0x90000051  }
0xc4: {  	_ =	sfence  }
0xc5: {  	s30 =	sld [smem:$0x0];
	_ =	sdelay $0x2  }
0xc6: {  	s31 =	sshll.u32 s1, $0xD;
	s1 =	sshrl.u32 s1, $0x2  }
0xc7: {  	s4 =	sand.u32 $0x4000, s31;
	s1 =	sadd.s32 s1, s30  }
0xc8: {  	s0 =	sor.u32 s4, s0;
	s1 =	sshll.u32 s1, $0x11  }
0xc9: {  	s0 =	sor.u32 s1, s0  }
0xca: {  	s0 =	sadd.s32 $0x8F2B, s0  }
0xcb: {  	[sflag:s0] =	ssyncadd.remote.s32 $0x1  }
0xcc: {  	_ =	sfence.sel $0xFFFF  }
0xcd: {  	[dreg:$0x0] =	wrdreg $0xFFFFFFFF;
	(pc) =	sbr.abs _section_cstart, $3  }
0xce: {  	[dreg:$0x1] =	wrdreg $0xFFFFFFFF  }
0xcf: {  	_ =	task.clear_ibuf [dreg:s22], $0x2FFFF;
	_ =	strace $0x9FFFFFFF  }
0xd0: {  	(tm) =	ssettm $0x7FFFFFFF  }
0xd1: {  	_ =	shalt  }
tec
execute0_lowered:
.L_overlay_start_1:
0x0: {  	(tag) =	ssettag $0x1  }
0x1: {  	s0 =	rddreg [dreg:$0x0]  }
0x2: {  	s1 =	srdreg.scid;
	s2 =	simm.s32 $0x0;
	s7 =	stileid.u32  }
0x3: {  	s24 =	simm.s32 $0xC00;
	s25 =	simm.s32 $0x1400;
	[smem:$0x7FF] =	sst s2  }
0x4: {  	s26 =	simm.s32 $0x1C00;
	_ =	strace $0x80000050;
	[dreg:$0x2] =	wrdreg s24  }
0x5: {  	s31 =	simm.s32 $0x2400;
	s11 =	simm.s32 $0x2C00;
	[dreg:$0x3] =	wrdreg s25  }
0x6: {  	s12 =	simm.s32 $0x3400;
	s13 =	simm.s32 $0x3C00;
	[dreg:$0x4] =	wrdreg s26  }
0x7: {  	s14 =	simm.s32 $0x4400;
	s16 =	simm.s32 $0x4C00;
	[dreg:$0x5] =	wrdreg s31  }
0x8: {  	s18 =	simm.s32 $0x5400;
	s19 =	simm.s32 $0x5C00;
	[dreg:$0x6] =	wrdreg s11  }
0x9: {  	s20 =	simm.s32 $0x6400;
	s21 =	simm.s32 $0x6C00;
	[dreg:$0x7] =	wrdreg s12  }
0xa: {  	s22 =	simm.s32 $0x7400;
	s23 =	simm.s32 $0x7C00;
	[dreg:$0x8] =	wrdreg s13  }
0xb: {  	s28 =	simm.s32 $0x2;
	s29 =	simm.s32 $0x0;
	[dreg:$0x9] =	wrdreg s14  }
0xc: {  	s1 =	sand.u32 $0x1, s1;
	s4 =	sshll.u32 s7, $0xB;
	[dreg:$0xa] =	wrdreg s16  }
0xd: {  	s3 =	sadd.s32 $0x4800, s0;
	s6 =	sshll.u32 s7, $0x11;
	[dreg:$0xb] =	wrdreg s18  }
0xe: {  	s7 =	sshll.u32 s7, $0xF;
	s5 =	sshll.u32 s1, $0xA;
	[dreg:$0xc] =	wrdreg s19  }
0xf: {  	s9 =	sadd.s32 s6, s0;
	s8 =	sadd.s32 s7, s0;
	[dreg:$0xd] =	wrdreg s20  }
0x10: {  	s30 =	ssub.s32 $0x2, s1;
	s6 =	sadd.s32 $0x4900, s0;
	[dreg:$0xe] =	wrdreg s21  }
0x11: {  	s17 =	sshll.u32 s1, $0xE;
	s1 =	sshll.u32 s1, $0x10;
	[dreg:$0xf] =	wrdreg s22  }
0x12: {  	[dreg:$0x10] =	wrdreg s23;
	s24 =	simm.s32 $0x8C00;
	s11 =	simm.s32 $0x400  }
0x13: {  	s25 =	simm.s32 $0x9400;
	s12 =	simm.s32 $0x40;
	s26 =	simm.s32 $0x9C00  }
0x14: {  	s13 =	simm.s32 $0x10400;
	s14 =	simm.s32 $0x8400;
	s31 =	simm.s32 $0xAC00  }
0x15: {  	s16 =	simm.s32 $0xBC00;
	s18 =	simm.s32 $0xCC00;
	s19 =	simm.s32 $0xD400  }
0x16: {  	s20 =	simm.s32 $0xDC00;
	s21 =	simm.s32 $0xE400;
	s22 =	simm.s32 $0xEC00  }
0x17: {  	s23 =	simm.s32 $0xF400;
	s5 =	sor.u32 s5, s4;
	[dreg:$0x11] =	wrdreg s24  }
0x18: {  	s4 =	sadd.s32 $0x84800, s0;
	s10 =	sshrl.u32 s30, $0x1;
	[dreg:$0x12] =	wrdreg s25  }
0x19: {  	s8 =	sadd.s32 s17, s8;
	s1 =	sadd.s32 s1, s9;
	[dreg:$0x13] =	wrdreg s26  }
0x1a: {  	[dreg:$0x15] =	wrdreg s31;
	s17 =	simm.s32 $0xC400;
	s24 =	simm.s32 $0xFC00  }
0x1b: {  	s25 =	simm.s32 $0x12400;
	s26 =	simm.s32 $0x1;
	s5 =	sshrl.u32 s5, $0x3  }
0x1c: {  	s7 =	ssub.s32 s30, s10;
	s8 =	sadd.s32 $0xA27800, s8;
	s30 =	simm.s32 $0xA400  }
0x1d: {  	v2 =	vlaneseq.u32;
	s5 =	sadd.s32 s5, s0;
	s15 =	smax.u32 s7, $0x1;
	[dreg:$0x14] =	wrdreg s30  }
0x1e: {  	vm0 =	vmmov $0xffff;
	v1 =	vshrl.u32 v2, $0x3;
	s9 =	sadd.s32 $0x827800, s1;
	s5 =	sadd.s32 $0x826800, s5;
	[dreg:$0x17] =	wrdreg s15  }
0x1f: {  	v0 =	vand.u32 $0x7, v2;
	v2 =	vor.u32 $0x8, v2;
	v1 =	vmul.u32 $0x8, v1;
	s10 =	simm.s32 $0x3;
	s15 =	simm.s32 $0xB400;
	[dreg:$0x16] =	wrdreg s5  }
.LBB2_1:
0x20: {  	s0 =	rddreg [dreg:$0x16]  }
0x21: {  	[tilespmem:s2], [sflag:$0x3] =	stream.linear.gather [hbm4b:s0+s2], $0x400, $0x38;
	[tilespmem:$0x14400] =	vst v63  }
0x22: {  	_ =	swait.ge [sflag:s10], $0x400  }
0x23: {  	s30 =	smov.u32 s9;
	[sflag:s10] =	ssyncset.done $0x0  }
0x24: {  	s31 =	smov.u32 s8;
	s0 =	simm.s32 $0x0;
	[sflag:s10] =	ssyncadd.s32 $0xFFFFFC00  }
.LBB2_2:
0x25: {  	s1 =	sshra.s32 s0, $0x2  }
0x26: {  	v3 =	vld [tilespmem:s1+$0x0];
	_ =	sdelay $0x4  }
0x27: {  	v4 =	vshll.u32 v3, $0x2  }
0x28: {  	v3 =	vand.u32 $0x7, v3;
	v4 =	vand.u32 $0xFFFFFFE0, v4  }
0x29: {  	v3 =	vor.u32 v3, v4  }
0x2a: {  	v4 =	vperm.xlane v3, v0;
	_ =	sdelay $0x1  }
0x2b: {  	v4 =	vadd.s32 v1, v4;
	_ =	sdelay $0x1  }
0x2c: {  	v3 =	vperm.xlane v3, v2;
	_ =	sdelay $0x1  }
0x2d: {  	v3 =	vadd.s32 v1, v3  }
0x2e: {  	[tilespmem:s11], [sflag:$0x1] =	stream.indirect_vreg.gather [hbm4b:s3+s2], $0x80, v4, vm0, $0xb8;
	[tilespmem:$0x14400] =	vst v63  }
0x2f: {  	s5 =	rddreg [dreg:$0x2]  }
0x30: {  	[tilespmem:s5], [sflag:$0x1] =	stream.indirect_vreg.gather [hbm4b:s6+s2], $0x80, v4, vm0, $0xb8;
	[tilespmem:$0x14400] =	vst v63  }
0x31: {  	s7 =	rddreg [dreg:$0x3]  }
0x32: {  	[tilespmem:s7], [sflag:$0x1] =	stream.indirect_vreg.gather [hbm4b:s3+s2], $0x80, v3, vm0, $0xb8;
	[tilespmem:$0x14400] =	vst v63  }
0x33: {  	s5 =	rddreg [dreg:$0x4]  }
0x34: {  	[tilespmem:s5], [sflag:$0x1] =	stream.indirect_vreg.gather [hbm4b:s6+s2], $0x80, v3, vm0, $0xb8;
	[tilespmem:$0x14400] =	vst v63  }
0x35: {  	v3 =	vld [tilespmem:s1+$0x10];
	_ =	sdelay $0x4  }
0x36: {  	v57 =	vshll.u32 v3, $0x2  }
0x37: {  	v3 =	vand.u32 $0x7, v3;
	v4 =	vand.u32 $0xFFFFFFE0, v57  }
0x38: {  	v3 =	vor.u32 v3, v4  }
0x39: {  	v4 =	vperm.xlane v3, v0;
	_ =	sdelay $0x1  }
0x3a: {  	v4 =	vadd.s32 v1, v4;
	_ =	sdelay $0x1  }
0x3b: {  	v3 =	vperm.xlane v3, v2;
	_ =	sdelay $0x1  }
0x3c: {  	s5 =	rddreg [dreg:$0x5];
	v3 =	vadd.s32 v1, v3  }
0x3d: {  	[tilespmem:s5], [sflag:$0x1] =	stream.indirect_vreg.gather [hbm4b:s3+s2], $0x80, v4, vm0, $0xb8;
	[tilespmem:$0x14400] =	vst v63  }
0x3e: {  	s7 =	rddreg [dreg:$0x6]  }
0x3f: {  	[tilespmem:s7], [sflag:$0x1] =	stream.indirect_vreg.gather [hbm4b:s6+s2], $0x80, v4, vm0, $0xb8;
	[tilespmem:$0x14400] =	vst v63  }
0x40: {  	s5 =	rddreg [dreg:$0x7]  }
0x41: {  	[tilespmem:s5], [sflag:$0x1] =	stream.indirect_vreg.gather [hbm4b:s3+s2], $0x80, v3, vm0, $0xb8;
	[tilespmem:$0x14400] =	vst v63  }
0x42: {  	s7 =	rddreg [dreg:$0x8]  }
0x43: {  	[tilespmem:s7], [sflag:$0x1] =	stream.indirect_vreg.gather [hbm4b:s6+s2], $0x80, v3, vm0, $0xb8;
	[tilespmem:$0x14400] =	vst v63  }
0x44: {  	v3 =	vld [tilespmem:s1+$0x20];
	_ =	sdelay $0x4  }
0x45: {  	v58 =	vshll.u32 v3, $0x2  }
0x46: {  	v3 =	vand.u32 $0x7, v3;
	v4 =	vand.u32 $0xFFFFFFE0, v58  }
0x47: {  	v3 =	vor.u32 v3, v4  }
0x48: {  	v4 =	vperm.xlane v3, v0;
	_ =	sdelay $0x1  }
0x49: {  	v4 =	vadd.s32 v1, v4;
	_ =	sdelay $0x1  }
0x4a: {  	v3 =	vperm.xlane v3, v2;
	_ =	sdelay $0x1  }
0x4b: {  	s5 =	rddreg [dreg:$0x9];
	v3 =	vadd.s32 v1, v3  }
0x4c: {  	[tilespmem:s5], [sflag:$0x1] =	stream.indirect_vreg.gather [hbm4b:s3+s2], $0x80, v4, vm0, $0xb8;
	[tilespmem:$0x14400] =	vst v63  }
0x4d: {  	s7 =	rddreg [dreg:$0xa]  }
0x4e: {  	[tilespmem:s7], [sflag:$0x1] =	stream.indirect_vreg.gather [hbm4b:s6+s2], $0x80, v4, vm0, $0xb8;
	[tilespmem:$0x14400] =	vst v63  }
0x4f: {  	s5 =	rddreg [dreg:$0xb]  }
0x50: {  	[tilespmem:s5], [sflag:$0x1] =	stream.indirect_vreg.gather [hbm4b:s3+s2], $0x80, v3, vm0, $0xb8;
	[tilespmem:$0x14400] =	vst v63  }
0x51: {  	s7 =	rddreg [dreg:$0xc]  }
0x52: {  	[tilespmem:s7], [sflag:$0x1] =	stream.indirect_vreg.gather [hbm4b:s6+s2], $0x80, v3, vm0, $0xb8;
	[tilespmem:$0x14400] =	vst v63  }
0x53: {  	v3 =	vld [tilespmem:s1+$0x30];
	_ =	sdelay $0x4  }
0x54: {  	v59 =	vshll.u32 v3, $0x2  }
0x55: {  	v3 =	vand.u32 $0x7, v3;
	v4 =	vand.u32 $0xFFFFFFE0, v59  }
0x56: {  	v3 =	vor.u32 v3, v4  }
0x57: {  	v4 =	vperm.xlane v3, v0;
	_ =	sdelay $0x1  }
0x58: {  	v4 =	vadd.s32 v1, v4;
	_ =	sdelay $0x1  }
0x59: {  	v3 =	vperm.xlane v3, v2;
	_ =	sdelay $0x1  }
0x5a: {  	s5 =	rddreg [dreg:$0xd];
	v3 =	vadd.s32 v1, v3  }
0x5b: {  	[tilespmem:s5], [sflag:$0x1] =	stream.indirect_vreg.gather [hbm4b:s3+s2], $0x80, v4, vm0, $0xb8;
	[tilespmem:$0x14400] =	vst v63  }
0x5c: {  	s7 =	rddreg [dreg:$0xe]  }
0x5d: {  	[tilespmem:s7], [sflag:$0x1] =	stream.indirect_vreg.gather [hbm4b:s6+s2], $0x80, v4, vm0, $0xb8;
	[tilespmem:$0x14400] =	vst v63  }
0x5e: {  	s5 =	rddreg [dreg:$0xf]  }
0x5f: {  	[tilespmem:s5], [sflag:$0x1] =	stream.indirect_vreg.gather [hbm4b:s3+s2], $0x80, v3, vm0, $0xb8;
	[tilespmem:$0x14400] =	vst v63  }
0x60: {  	s7 =	rddreg [dreg:$0x10]  }
0x61: {  	[tilespmem:s7], [sflag:$0x1] =	stream.indirect_vreg.gather [hbm4b:s6+s2], $0x80, v3, vm0, $0xb8;
	[tilespmem:$0x14400] =	vst v63  }
0x62: {  	_ = 	snop  }
0x63: {  	[tilespmem:s13], [sflag:$0x1] =	stream.indirect.gather [hbm4b:s4+s12], $0x80, s1, s12, $0xb8;
	[tilespmem:$0x14400] =	vst v63  }
0x64: {  	v3 =	vld [tilespmem:s1+$0x40];
	_ =	sdelay $0x4  }
0x65: {  	v60 =	vshll.u32 v3, $0x2  }
0x66: {  	v3 =	vand.u32 $0x7, v3;
	v4 =	vand.u32 $0xFFFFFFE0, v60  }
0x67: {  	v3 =	vor.u32 v3, v4  }
0x68: {  	v4 =	vperm.xlane v3, v0;
	_ =	sdelay $0x1  }
0x69: {  	v4 =	vadd.s32 v1, v4;
	_ =	sdelay $0x1  }
0x6a: {  	v3 =	vperm.xlane v3, v2;
	_ =	sdelay $0x1  }
0x6b: {  	v3 =	vadd.s32 v1, v3  }
0x6c: {  	[tilespmem:s14], [sflag:$0x2] =	stream.indirect_vreg.gather [hbm4b:s3+s2], $0x80, v4, vm0, $0xb8;
	[tilespmem:$0x14400] =	vst v63  }
0x6d: {  	s5 =	rddreg [dreg:$0x11]  }
0x6e: {  	[tilespmem:s5], [sflag:$0x2] =	stream.indirect_vreg.gather [hbm4b:s6+s2], $0x80, v4, vm0, $0xb8;
	[tilespmem:$0x14400] =	vst v63  }
0x6f: {  	s7 =	rddreg [dreg:$0x12]  }
0x70: {  	[tilespmem:s7], [sflag:$0x2] =	stream.indirect_vreg.gather [hbm4b:s3+s2], $0x80, v3, vm0, $0xb8;
	[tilespmem:$0x14400] =	vst v63  }
0x71: {  	s5 =	rddreg [dreg:$0x13]  }
0x72: {  	[tilespmem:s5], [sflag:$0x2] =	stream.indirect_vreg.gather [hbm4b:s6+s2], $0x80, v3, vm0, $0xb8;
	[tilespmem:$0x14400] =	vst v63  }
0x73: {  	v3 =	vld [tilespmem:s1+$0x50];
	_ =	sdelay $0x4  }
0x74: {  	v61 =	vshll.u32 v3, $0x2  }
0x75: {  	v3 =	vand.u32 $0x7, v3;
	v4 =	vand.u32 $0xFFFFFFE0, v61  }
0x76: {  	v3 =	vor.u32 v3, v4  }
0x77: {  	v4 =	vperm.xlane v3, v0;
	_ =	sdelay $0x1  }
0x78: {  	v4 =	vadd.s32 v1, v4;
	_ =	sdelay $0x1  }
0x79: {  	v3 =	vperm.xlane v3, v2;
	_ =	sdelay $0x1  }
0x7a: {  	s5 =	rddreg [dreg:$0x14];
	v3 =	vadd.s32 v1, v3  }
0x7b: {  	[tilespmem:s5], [sflag:$0x2] =	stream.indirect_vreg.gather [hbm4b:s3+s2], $0x80, v4, vm0, $0xb8;
	[tilespmem:$0x14400] =	vst v63  }
0x7c: {  	s7 =	rddreg [dreg:$0x15]  }
0x7d: {  	[tilespmem:s7], [sflag:$0x2] =	stream.indirect_vreg.gather [hbm4b:s6+s2], $0x80, v4, vm0, $0xb8;
	[tilespmem:$0x14400] =	vst v63  }
0x7e: {  	_ = 	snop  }
0x7f: {  	[tilespmem:s15], [sflag:$0x2] =	stream.indirect_vreg.gather [hbm4b:s3+s2], $0x80, v3, vm0, $0xb8;
	[tilespmem:$0x14400] =	vst v63  }
0x80: {  	_ = 	snop  }
0x81: {  	[tilespmem:s16], [sflag:$0x2] =	stream.indirect_vreg.gather [hbm4b:s6+s2], $0x80, v3, vm0, $0xb8;
	[tilespmem:$0x14400] =	vst v63  }
0x82: {  	v3 =	vld [tilespmem:s1+$0x60];
	_ =	sdelay $0x4  }
0x83: {  	v62 =	vshll.u32 v3, $0x2  }
0x84: {  	v3 =	vand.u32 $0x7, v3;
	v4 =	vand.u32 $0xFFFFFFE0, v62  }
0x85: {  	v3 =	vor.u32 v3, v4  }
0x86: {  	v4 =	vperm.xlane v3, v0;
	_ =	sdelay $0x1  }
0x87: {  	v4 =	vadd.s32 v1, v4;
	_ =	sdelay $0x1  }
0x88: {  	v3 =	vperm.xlane v3, v2;
	_ =	sdelay $0x1  }
0x89: {  	v3 =	vadd.s32 v1, v3  }
0x8a: {  	[tilespmem:s17], [sflag:$0x2] =	stream.indirect_vreg.gather [hbm4b:s3+s2], $0x80, v4, vm0, $0xb8;
	[tilespmem:$0x14400] =	vst v63  }
0x8b: {  	_ = 	snop  }
0x8c: {  	[tilespmem:s18], [sflag:$0x2] =	stream.indirect_vreg.gather [hbm4b:s6+s2], $0x80, v4, vm0, $0xb8;
	[tilespmem:$0x14400] =	vst v63  }
0x8d: {  	_ = 	snop  }
0x8e: {  	[tilespmem:s19], [sflag:$0x2] =	stream.indirect_vreg.gather [hbm4b:s3+s2], $0x80, v3, vm0, $0xb8;
	[tilespmem:$0x14400] =	vst v63  }
0x8f: {  	_ = 	snop  }
0x90: {  	[tilespmem:s20], [sflag:$0x2] =	stream.indirect_vreg.gather [hbm4b:s6+s2], $0x80, v3, vm0, $0xb8;
	[tilespmem:$0x14400] =	vst v63  }
0x91: {  	v3 =	vld [tilespmem:s1+$0x70];
	_ =	sdelay $0x4  }
0x92: {  	v63 =	vshll.u32 v3, $0x2  }
0x93: {  	v3 =	vand.u32 $0x7, v3;
	v4 =	vand.u32 $0xFFFFFFE0, v63  }
0x94: {  	v3 =	vor.u32 v3, v4  }
0x95: {  	v4 =	vperm.xlane v3, v0;
	_ =	sdelay $0x1  }
0x96: {  	v4 =	vadd.s32 v1, v4;
	_ =	sdelay $0x1  }
0x97: {  	v3 =	vperm.xlane v3, v2;
	_ =	sdelay $0x1  }
0x98: {  	v3 =	vadd.s32 v1, v3  }
0x99: {  	[tilespmem:s21], [sflag:$0x2] =	stream.indirect_vreg.gather [hbm4b:s3+s2], $0x80, v4, vm0, $0xb8;
	[tilespmem:$0x14400] =	vst v63  }
0x9a: {  	_ = 	snop  }
0x9b: {  	[tilespmem:s22], [sflag:$0x2] =	stream.indirect_vreg.gather [hbm4b:s6+s2], $0x80, v4, vm0, $0xb8;
	[tilespmem:$0x14400] =	vst v63  }
0x9c: {  	_ = 	snop  }
0x9d: {  	[tilespmem:s23], [sflag:$0x2] =	stream.indirect_vreg.gather [hbm4b:s3+s2], $0x80, v3, vm0, $0xb8;
	[tilespmem:$0x14400] =	vst v63  }
0x9e: {  	_ = 	snop  }
0x9f: {  	[tilespmem:s24], [sflag:$0x2] =	stream.indirect_vreg.gather [hbm4b:s6+s2], $0x80, v3, vm0, $0xb8;
	[tilespmem:$0x14400] =	vst v63  }
0xa0: {  	s1 =	sadd.s32 $0x40, s1  }
0xa1: {  	[tilespmem:s25], [sflag:$0x2] =	stream.indirect.gather [hbm4b:s4+s12], $0x80, s1, s12, $0xb8;
	[tilespmem:$0x14400] =	vst v63  }
0xa2: {  	_ =	swait.ge [sflag:s26], $0x8000  }
0xa3: {  	[sflag:s26] =	ssyncset.done $0x0  }
0xa4: {  	[sflag:s26] =	ssyncadd.s32 $0xFFFF8000  }
0xa5: {  	_ =	swait.ge [sflag:s26], $0x2000  }
0xa6: {  	[sflag:s26] =	ssyncset.done $0x0  }
0xa7: {  	[sflag:s26] =	ssyncadd.s32 $0xFFFFE000  }
0xa8: {  	[hbm4b:s30+s2] =	stream.linear.scatter [tilespmem:s11], [sflag:$0x3], $0x8000, $0x38;
	[tilespmem:$0x14400] =	vst v63  }
0xa9: {  	_ =	swait.ge [sflag:s10], $0x8000  }
0xaa: {  	[sflag:s10] =	ssyncset.done $0x0  }
0xab: {  	[sflag:s10] =	ssyncadd.s32 $0xFFFF8000  }
0xac: {  	[hbm4b:s31+s2] =	stream.linear.scatter [tilespmem:s13], [sflag:$0x3], $0x2000, $0x38;
	[tilespmem:$0x14400] =	vst v63  }
0xad: {  	_ =	swait.ge [sflag:s10], $0x2000  }
0xae: {  	[sflag:s10] =	ssyncset.done $0x0  }
0xaf: {  	[sflag:s10] =	ssyncadd.s32 $0xFFFFE000  }
0xb0: {  	_ =	swait.ge [sflag:s28], $0x8000  }
0xb1: {  	[sflag:s28] =	ssyncset.done $0x0  }
0xb2: {  	[sflag:s28] =	ssyncadd.s32 $0xFFFF8000  }
0xb3: {  	_ =	swait.ge [sflag:s28], $0x2000  }
0xb4: {  	[sflag:s28] =	ssyncset.done $0x0  }
0xb5: {  	s5 =	sadd.s32 $0x1000, s30;
	[sflag:s28] =	ssyncadd.s32 $0xFFFFE000  }
0xb6: {  	[hbm4b:s5+s2] =	stream.linear.scatter [tilespmem:s14], [sflag:$0x3], $0x8000, $0x38;
	[tilespmem:$0x14400] =	vst v63  }
0xb7: {  	_ =	swait.ge [sflag:s10], $0x8000  }
0xb8: {  	p0 =	sne.s32 s0, $0xE00;
	[sflag:s10] =	ssyncset.done $0x0  }
.Ltmp0:
0xb9: {  	s7 =	sadd.s32 $0x400, s31;
	[sflag:s10] =	ssyncadd.s32 $0xFFFF8000;
	(pc) =	sbr.rel @p0 .LBB2_2-.Ltmp0, $4  }
0xba: {  	[hbm4b:s7+s2] =	stream.linear.scatter [tilespmem:s25], [sflag:$0x3], $0x2000, $0x38;
	[tilespmem:$0x14400] =	vst v63  }
0xbb: {  	_ =	swait.ge [sflag:s10], $0x2000  }
0xbc: {  	s0 =	sadd.s32 $0x200, s0;
	[sflag:s10] =	ssyncset.done $0x0  }
0xbd: {  	s30 =	sadd.s32 $0x2000, s30;
	s31 =	sadd.s32 $0x800, s31;
	[sflag:s10] =	ssyncadd.s32 $0xFFFFE000  }
0xbe: {  	s29 =	sadd.s32 $0x1, s29;
	s0 =	rddreg [dreg:$0x17]  }
0xbf: {  	p0 =	sne.s32 s29, s0  }
.Ltmp1:
0xc0: {  	_ = 	snop;
	(pc) =	sbr.rel @p0 .LBB2_1-.Ltmp1, $1  }
0xc1: {  	_ =	sdelay $0x3  }
0xc2: {  	_ =	sfence.sel $0x180000  }
0xc3: {  	[bflag:$0x0] =	sbarrier.arrive $0xFFFF  }
0xc4: {  	_ =	strace $0x90000050  }
0xc5: {  	s0 =	stileid.u32;
	[bflag:$0x2] =	sbarrier.arrive $0xFFFF  }
0xc6: {  	p0 =	sne.s32 s0, $0x0;
	s0 =	rddreg [dreg:$0x1]  }
0xc7: {  	s0 =	sadd.s32 @!p0 $0x100000, s0  }
0xc8: {  	[sflag:s0] =	ssyncadd.tile.s32 @!p0 $0x1;
	_ =	shalt  }
.Lfunc_end2:
_tile_overlayer_lowered:
.L_overlay_start_2:
0xc9: {  	(tag) =	ssettag $0x2  }
0xca: {  	s0 =	rddreg [dreg:$0x0];
	s2 =	stileid.u32  }
0xcb: {  	s1 =	rddreg [dreg:$0x1];
	p0 =	sne.s32 s2, $0x0  }
0xcc: {  	s3 =	rddreg [dreg:$0x2];
	[bflag:$0x3] =	sbarrier.arrive $0xFFFF;
	s2 =	simm.s32 @!p0 $0x1C03  }
0xcd: {  	[timem:s3], [sflag:s2] =	dma.local @!p0 [hbm:s0], s1  }
0xce: {  	s0 =	simm.s32 @!p0 $0x3  }
0xcf: {  	_ =	swait.ge @!p0 [sflag:s0], s1  }
0xd0: {  	s1 =	ssub.s32 @!p0 $0x0, s1;
	[sflag:s0] =	ssyncset.done @!p0 $0x0  }
0xd1: {  	[sflag:s0] =	ssyncadd.s32 @!p0 s1  }
0xd2: {  	[bflag:$0x3] =	sbarrier.arrive $0xFFFF  }
0xd3: {  	_ =	shalt  }

// kernel: kernel.18.cloned.1.call-start
scs
__scs_entry_jumppad:
0x0: {  	(pc) =	sbr.rel $0x88, $3  }
0x1: {  	(tag) =	ssettag $0x0;
	lr =	simm.s32 $0x1  }
0x2: {  	[smem:$0x3F97] =	sst lr;
	_ =	strace $0xD0000000  }
0x3: {  	_ = 	snop  }
0x4: {  	_ = 	snop  }
0x5: {  	_ = 	snop  }
0x6: {  	_ = 	snop  }
0x7: {  	_ = 	snop  }
__scs_overlays_trampoline_lowered:
0x8: {  	[smem:$0x3FA6] =	sst s0  }
0x9: {  	[smem:$0x3FA7] =	sst s1  }
0xa: {  	[smem:$0x3FA8] =	sst s2  }
0xb: {  	[smem:$0x3FA9] =	sst s3  }
0xc: {  	[smem:$0x3FAA] =	sst s4  }
0xd: {  	[smem:$0x3FAB] =	sst s5  }
0xe: {  	[smem:$0x3FAC] =	sst s6  }
0xf: {  	[smem:$0x3FAD] =	sst s7  }
0x10: {  	[smem:$0x3FAE] =	sst s8  }
0x11: {  	[smem:$0x3FAF] =	sst s9;
	s0 =	simm.s32 @!p0 $0x0  }
0x12: {  	s1 =	sld [smem:$0x3F95];
	s0 =	simm.s32 @p0 $0x1  }
0x13: {  	[smem:$0x3FB0] =	sst s0;
	s0 =	simm.s32 @!p1 $0x0  }
0x14: {  	s2 =	sld [smem:$0x3F94];
	s0 =	simm.s32 @p1 $0x1  }
0x15: {  	[smem:$0x3FB1] =	sst s0;
	s0 =	simm.s32 @!p2 $0x0  }
0x16: {  	s3 =	sld [smem:$0x3FDB];
	s0 =	simm.s32 @p2 $0x1  }
0x17: {  	s4 =	simm.s32 $0x1BF5;
	[smem:$0x3FB3] =	sst s0  }
0x18: {  	s0 =	sld [smem:$0x3F96];
	_ =	swait.ge [sflag:s4], $0x0  }
0x19: {  	s7 =	sld [smem:$0x3F97]  }
0x1a: {  	s8 =	sadd.s32 $0xFFFFE003, lr  }
0x1b: {  	s9 =	sadd.s32 $0xFFFFFEF7, lr;
	s5 =	simm.s32 $0xFFFFFFFF;
	p2 =	slt.u32 s8, $0xFFFFF086  }
0x1c: {  	p1 =	slt.u32 s9, $0xF7A;
	s5 =	simm.s32 @!p2 $0x0  }
0x1d: {  	s5 =	simm.s32 @p1 $0x1;
	p0 =	seq.s32 s7, s2  }
0x1e: {  	s7 =	smul.u32 @!p0 $0xF7A, s2;
	p2 =	seq.s32 @!p0 s5, $0x0  }
0x1f: {  	s9 =	smul.u32 $0xF7A, s1;
	s8 =	simm.s32 @!p0 $0x1BF5;
	p2 =	por !p2, p0  }
0x20: {  	[sflag:s8] =	ssyncset.s32 @!p0 $0xFFFFF086;
	s6 =	sadd.s32 @!p0 s3, s7;
	s7 =	simm.s32 @!p0 $0x108  }
0x21: {  	s3 =	sadd.s32 s3, s9;
	s6 =	sadd.s32 @!p0 $0x88, s6;
	s7 =	simm.s32 @p2 $0x1082  }
0x22: {  	[simem:s7], [sflag:s8] =	dma.local @!p0 [hbm:s6], $0xF7A  }
0x23: {  	s9 =	sor.u32 $0xD0000000, s2;
	s6 =	simm.s32 $0x108;
	_ =	swait.ge @!p0 [sflag:s8], $0x0  }
0x24: {  	s3 =	sadd.s32 $0x88, s3;
	s6 =	simm.s32 @!p1 $0x1082;
	[sflag:s4] =	ssyncset.s32 $0xFFFFF086  }
0x25: {  	[simem:s6], [sflag:s4] =	dma.local [hbm:s3], $0xF7A  }
0x26: {  	[smem:$0x3F97] =	sst s1;
	(tag) =	ssettag s2;
	_ =	strace s9  }
0x27: {  	s1 =	sld [smem:$0x3FA7]  }
0x28: {  	s2 =	sld [smem:$0x3FA8]  }
0x29: {  	s4 =	sld [smem:$0x3FAA]  }
0x2a: {  	p0 =	seq.s32 s5, $0x0;
	s5 =	sld [smem:$0x3FAB]  }
0x2b: {  	s6 =	sld [smem:$0x3FAC]  }
0x2c: {  	s7 =	sld [smem:$0x3FAD]  }
0x2d: {  	s3 =	simm.s32 $0x108;
	s8 =	sld [smem:$0x3FAE]  }
0x2e: {  	s3 =	simm.s32 @!p0 $0x1082;
	s9 =	sld [smem:$0x3FAF]  }
0x2f: {  	lr =	sadd.s32 s0, s3;
	s0 =	sld [smem:$0x3FA6]  }
0x30: {  	s3 =	sld [smem:$0x3FA9]  }
0x31: {  	[smem:$0x3FB2] =	sst s10  }
0x32: {  	s10 =	sld [smem:$0x3FB0];
	_ =	sdelay $0x3  }
0x33: {  	p0 =	seq.s32 s10, $0x1;
	s10 =	sld [smem:$0x3FB2];
	_ =	sdelay $0x3  }
0x34: {  	[smem:$0x3FB2] =	sst s10  }
0x35: {  	s10 =	sld [smem:$0x3FB1];
	_ =	sdelay $0x3  }
0x36: {  	p1 =	seq.s32 s10, $0x1;
	s10 =	sld [smem:$0x3FB2];
	_ =	sdelay $0x3  }
0x37: {  	[smem:$0x3FB2] =	sst s10  }
0x38: {  	s10 =	sld [smem:$0x3FB3]  }
0x39: {  	_ = 	snop;
	(pc) =	sbr.ind lr, $3  }
0x3a: {  	_ = 	snop  }
0x3b: {  	_ = 	snop  }
0x3c: {  	p2 =	seq.s32 s10, $0x1;
	s10 =	sld [smem:$0x3FB2]  }
0x3d: {  	_ =	shalt  }
0x3e: {  	_ =	shalt  }
0x3f: {  	_ =	shalt  }
0x40: {  	_ =	shalt  }
0x41: {  	_ =	shalt  }
0x42: {  	_ =	shalt  }
0x43: {  	_ =	shalt  }
0x44: {  	_ =	shalt  }
0x45: {  	_ =	shalt  }
0x46: {  	_ =	shalt  }
0x47: {  	_ =	shalt  }
0x48: {  	_ =	shalt  }
0x49: {  	_ =	shalt  }
0x4a: {  	_ =	shalt  }
0x4b: {  	_ =	shalt  }
0x4c: {  	_ =	shalt  }
0x4d: {  	_ =	shalt  }
0x4e: {  	_ =	shalt  }
0x4f: {  	_ =	shalt  }
0x50: {  	_ =	shalt  }
0x51: {  	_ =	shalt  }
0x52: {  	_ =	shalt  }
0x53: {  	_ =	shalt  }
0x54: {  	_ =	shalt  }
0x55: {  	_ =	shalt  }
0x56: {  	_ =	shalt  }
0x57: {  	_ =	shalt  }
0x58: {  	_ =	shalt  }
0x59: {  	_ =	shalt  }
0x5a: {  	_ =	shalt  }
0x5b: {  	_ =	shalt  }
0x5c: {  	_ =	shalt  }
0x5d: {  	_ =	shalt  }
0x5e: {  	_ =	shalt  }
0x5f: {  	_ =	shalt  }
0x60: {  	_ =	shalt  }
0x61: {  	_ =	shalt  }
0x62: {  	_ =	shalt  }
0x63: {  	_ =	shalt  }
0x64: {  	_ =	shalt  }
0x65: {  	_ =	shalt  }
0x66: {  	_ =	shalt  }
0x67: {  	_ =	shalt  }
0x68: {  	_ =	shalt  }
0x69: {  	_ =	shalt  }
0x6a: {  	_ =	shalt  }
0x6b: {  	_ =	shalt  }
0x6c: {  	_ =	shalt  }
0x6d: {  	_ =	shalt  }
0x6e: {  	_ =	shalt  }
0x6f: {  	_ =	shalt  }
0x70: {  	_ =	shalt  }
0x71: {  	_ =	shalt  }
0x72: {  	_ =	shalt  }
0x73: {  	_ =	shalt  }
0x74: {  	_ =	shalt  }
0x75: {  	_ =	shalt  }
0x76: {  	_ =	shalt  }
0x77: {  	_ =	shalt  }
0x78: {  	_ =	shalt  }
0x79: {  	_ =	shalt  }
0x7a: {  	_ =	shalt  }
0x7b: {  	_ =	shalt  }
0x7c: {  	_ =	shalt  }
0x7d: {  	_ =	shalt  }
0x7e: {  	_ =	shalt  }
0x7f: {  	_ =	shalt  }
0x80: {  	_ =	shalt  }
0x81: {  	_ =	shalt  }
0x82: {  	_ =	shalt  }
0x83: {  	_ =	shalt  }
0x84: {  	_ =	shalt  }
0x85: {  	_ =	shalt  }
0x86: {  	_ =	shalt  }
0x87: {  	_ =	shalt  }
.Lfunc_end0:
.L_simem_size_0:
called_computation.1_lowered:
.L_overlay_start_0:
0x88: {  	s2 =	sld [smem:$0x3FD9]  }
0x89: {  	s3 =	sld [smem:$0x3FFE];
	_ =	sdelay $0x1  }
0x8a: {  	s1 =	srdreg.scid  }
0x8b: {  	s0 =	sand.u32 $0x1, s1  }
0x8c: {  	s17 =	sshll.u32 s0, $0xA;
	s2 =	sadd.s32 s3, s2  }
0x8d: {  	s2 =	sadd.s32 s2, s17  }
0x8e: {  	[smem:$0x3FBE] =	sst s2  }
0x8f: {  	_ = 	snop  }
0x90: {  	(tm) =	ssettm $0x1  }
0x91: {  	s18 =	sld [smem:$0x3FFB];
	_ =	sdelay $0x3  }
0x92: {  	_ =	strace s18  }
0x93: {  	s2 =	sld [smem:$0x3FFC];
	_ =	sdelay $0x3  }
0x94: {  	_ =	strace s2  }
0x95: {  	s2 =	sld [smem:$0x3FFD];
	_ =	sdelay $0x3  }
0x96: {  	_ =	strace s2  }
0x97: {  	_ =	strace $0x8FFFFFFF  }
0x98: {  	s19 =	sld [smem:$0x3FDB];
	_ =	sdelay $0x1  }
0x99: {  	s20 =	simm.s32 $_scs_section_size  }
0x9a: {  	s4 =	simm.s32 $_size__tile_overlayer_lowered;
	s5 =	simm.s32 $_tile_overlayer_lowered  }
0x9b: {  	s6 =	simm.s32 $0x1BFF;
	s21 =	sshll.u32 s5, $0x1;
	s3 =	sadd.s32 s20, s19  }
0x9c: {  	s22 =	simm.s32 $0x0;
	s4 =	sshll.u32 s4, $0x1;
	s5 =	sadd.s32 s21, s3  }
0x9d: {  	[timem:s22], [sflag:s6] =	dma.local [hbm:s5], s4  }
0x9e: {  	_ =	swait.ge [sflag:s6], s4  }
0x9f: {  	s4 =	ssub.s32 $0x0, s4;
	[sflag:s6] =	ssyncset.done $0x0  }
0xa0: {  	[sflag:s6] =	ssyncadd.s32 s4;
	_ =	sdelay $0x1  }
0xa1: {  	s23 =	simm.s32 $0x1B8B  }
0xa2: {  	_ =	swait.ge [sflag:s23], $0x1  }
0xa3: {  	[sflag:s23] =	ssyncset.done $0x0  }
0xa4: {  	[sflag:s23] =	ssyncadd.s32 $0xFFFFFFFF  }
0xa5: {  	s4 =	sld [smem:$0x0]  }
0xa6: {  	s5 =	sand.u32 $0xFFFFFFFE, s1  }
0xa7: {  	p0 =	sne.s32 s1, s5  }
0xa8: {  	s5 =	sshll.u32 @p0 s5, $0xE  }
0xa9: {  	s5 =	sadd.s32 @p0 $0x11B8D, s5;
	s6 =	sshll.u32 @p0 s4, $0x11  }
0xaa: {  	s5 =	sor.u32 @p0 s6, s5  }
0xab: {  	[sflag:s5] =	ssyncadd.remote.s32 @p0 $0x1;
	_ =	sdelay $0x1  }
0xac: {  	s5 =	simm.s32 @p0 $0x1B8D  }
0xad: {  	_ =	swait.eq @p0 [sflag:s5], $0x1  }
0xae: {  	[sflag:s5] =	ssyncadd.s32 @p0 $0xFFFFFFFF  }
0xaf: {  	s6 =	sshll.u32 @!p0 s1, $0xE  }
0xb0: {  	s6 =	sor.u32 @!p0 $0x4000, s6;
	s5 =	simm.s32 @!p0 $0x1B8D  }
0xb1: {  	s4 =	sshll.u32 @!p0 s4, $0x11;
	s6 =	sadd.s32 @!p0 $0x11B8D, s6;
	_ =	swait.eq @!p0 [sflag:s5], $0x1  }
0xb2: {  	s4 =	sor.u32 @!p0 s4, s6;
	[sflag:s5] =	ssyncadd.s32 @!p0 $0xFFFFFFFF  }
0xb3: {  	s25 =	simm.s32 $0x1B8E;
	s24 =	sld [smem:$0x3FFE];
	[sflag:s4] =	ssyncadd.remote.s32 @!p0 $0x1  }
0xb4: {  	s26 =	simm.s32 $execute0_lowered;
	[smem:$0x3FD2] =	sst s25  }
0xb5: {  	s5 =	sshll.u32 s26, $0x1;
	_ =	strace $0x8000004C;
	[dreg:$0x1] =	wrdreg $0xFFFFFFFF  }
0xb6: {  	s28 =	simm.s32 $_size_execute0_lowered;
	s3 =	sadd.s32 s3, s5;
	[dreg:$0x0] =	wrdreg $0x0  }
0xb7: {  	s5 =	sshll.u32 s28, $0x1;
	[dreg:$0x2] =	wrdreg s3  }
0xb8: {  	[dreg:$0x3] =	wrdreg s5  }
0xb9: {  	[dreg:$0x4] =	wrdreg $0xC0  }
0xba: {  	_ =	task [dreg:s22], $0x5FFFF  }
0xbb: {  	[dreg:$0x1] =	wrdreg $0xFFFFFFFF  }
0xbc: {  	[dreg:$0x0] =	wrdreg $0x60  }
0xbd: {  	[dreg:$0x2] =	wrdreg s24  }
0xbe: {  	[dreg:$0x3] =	wrdreg $0xA  }
0xbf: {  	_ =	task.clear_ibuf [dreg:s22], $0x4FFFF;
	_ =	strace $0x9000004C  }
0xc0: {  	s29 =	simm.s32 $0xA;
	_ =	strace $0x8000004E  }
0xc1: {  	_ =	swait.ge [sflag:s29], $0x1  }
0xc2: {  	[sflag:s29] =	ssyncadd.s32 $0xFFFFFFFF  }
0xc3: {  	_ =	strace $0x9000004E  }
0xc4: {  	_ =	sfence  }
0xc5: {  	s30 =	sld [smem:$0x0];
	_ =	sdelay $0x2  }
0xc6: {  	s31 =	sshll.u32 s1, $0xD;
	s1 =	sshrl.u32 s1, $0x2  }
0xc7: {  	s4 =	sand.u32 $0x4000, s31;
	s1 =	sadd.s32 s1, s30  }
0xc8: {  	s0 =	sor.u32 s4, s0;
	s1 =	sshll.u32 s1, $0x11  }
0xc9: {  	s0 =	sor.u32 s1, s0  }
0xca: {  	s0 =	sadd.s32 $0x8F2B, s0  }
0xcb: {  	[sflag:s0] =	ssyncadd.remote.s32 $0x1  }
0xcc: {  	_ =	sfence.sel $0xFFFF  }
0xcd: {  	[dreg:$0x0] =	wrdreg $0xFFFFFFFF;
	(pc) =	sbr.abs _section_cstart, $3  }
0xce: {  	[dreg:$0x1] =	wrdreg $0xFFFFFFFF  }
0xcf: {  	_ =	task.clear_ibuf [dreg:s22], $0x2FFFF;
	_ =	strace $0x9FFFFFFF  }
0xd0: {  	(tm) =	ssettm $0x7FFFFFFF  }
0xd1: {  	_ =	shalt  }
tec
execute0_lowered:
.L_overlay_start_1:
0x0: {  	(tag) =	ssettag $0x1  }
0x1: {  	s0 =	rddreg [dreg:$0x0]  }
0x2: {  	s1 =	srdreg.scid;
	s2 =	simm.s32 $0x0;
	s7 =	stileid.u32  }
0x3: {  	s24 =	simm.s32 $0xC00;
	s25 =	simm.s32 $0x1400;
	[smem:$0x7FF] =	sst s2  }
0x4: {  	s26 =	simm.s32 $0x1C00;
	_ =	strace $0x8000004D;
	[dreg:$0x2] =	wrdreg s24  }
0x5: {  	s31 =	simm.s32 $0x2400;
	s11 =	simm.s32 $0x2C00;
	[dreg:$0x3] =	wrdreg s25  }
0x6: {  	s12 =	simm.s32 $0x3400;
	s13 =	simm.s32 $0x3C00;
	[dreg:$0x4] =	wrdreg s26  }
0x7: {  	s14 =	simm.s32 $0x4400;
	s16 =	simm.s32 $0x4C00;
	[dreg:$0x5] =	wrdreg s31  }
0x8: {  	s18 =	simm.s32 $0x5400;
	s19 =	simm.s32 $0x5C00;
	[dreg:$0x6] =	wrdreg s11  }
0x9: {  	s20 =	simm.s32 $0x6400;
	s21 =	simm.s32 $0x6C00;
	[dreg:$0x7] =	wrdreg s12  }
0xa: {  	s22 =	simm.s32 $0x7400;
	s23 =	simm.s32 $0x7C00;
	[dreg:$0x8] =	wrdreg s13  }
0xb: {  	s28 =	simm.s32 $0x2;
	s29 =	simm.s32 $0x0;
	[dreg:$0x9] =	wrdreg s14  }
0xc: {  	s1 =	sand.u32 $0x1, s1;
	s4 =	sshll.u32 s7, $0xB;
	[dreg:$0xa] =	wrdreg s16  }
0xd: {  	s3 =	sadd.s32 $0x4800, s0;
	s6 =	sshll.u32 s7, $0x11;
	[dreg:$0xb] =	wrdreg s18  }
0xe: {  	s7 =	sshll.u32 s7, $0xF;
	s5 =	sshll.u32 s1, $0xA;
	[dreg:$0xc] =	wrdreg s19  }
0xf: {  	s9 =	sadd.s32 s6, s0;
	s8 =	sadd.s32 s7, s0;
	[dreg:$0xd] =	wrdreg s20  }
0x10: {  	s30 =	ssub.s32 $0x2, s1;
	s6 =	sadd.s32 $0x4900, s0;
	[dreg:$0xe] =	wrdreg s21  }
0x11: {  	s17 =	sshll.u32 s1, $0xE;
	s1 =	sshll.u32 s1, $0x10;
	[dreg:$0xf] =	wrdreg s22  }
0x12: {  	[dreg:$0x10] =	wrdreg s23;
	s24 =	simm.s32 $0x8C00;
	s11 =	simm.s32 $0x400  }
0x13: {  	s25 =	simm.s32 $0x9400;
	s12 =	simm.s32 $0x40;
	s26 =	simm.s32 $0x9C00  }
0x14: {  	s13 =	simm.s32 $0x10400;
	s14 =	simm.s32 $0x8400;
	s31 =	simm.s32 $0xAC00  }
0x15: {  	s16 =	simm.s32 $0xBC00;
	s18 =	simm.s32 $0xCC00;
	s19 =	simm.s32 $0xD400  }
0x16: {  	s20 =	simm.s32 $0xDC00;
	s21 =	simm.s32 $0xE400;
	s22 =	simm.s32 $0xEC00  }
0x17: {  	s23 =	simm.s32 $0xF400;
	s5 =	sor.u32 s5, s4;
	[dreg:$0x11] =	wrdreg s24  }
0x18: {  	s4 =	sadd.s32 $0x84800, s0;
	s10 =	sshrl.u32 s30, $0x1;
	[dreg:$0x12] =	wrdreg s25  }
0x19: {  	s8 =	sadd.s32 s17, s8;
	s1 =	sadd.s32 s1, s9;
	[dreg:$0x13] =	wrdreg s26  }
0x1a: {  	[dreg:$0x15] =	wrdreg s31;
	s17 =	simm.s32 $0xC400;
	s24 =	simm.s32 $0xFC00  }
0x1b: {  	s25 =	simm.s32 $0x12400;
	s26 =	simm.s32 $0x1;
	s5 =	sshrl.u32 s5, $0x3  }
0x1c: {  	s7 =	ssub.s32 s30, s10;
	s8 =	sadd.s32 $0x7A6800, s8;
	s30 =	simm.s32 $0xA400  }
0x1d: {  	v2 =	vlaneseq.u32;
	s5 =	sadd.s32 s5, s0;
	s15 =	smax.u32 s7, $0x1;
	[dreg:$0x14] =	wrdreg s30  }
0x1e: {  	vm0 =	vmmov $0xffff;
	v1 =	vshrl.u32 v2, $0x3;
	s9 =	sadd.s32 $0x5A6800, s1;
	s5 =	sadd.s32 $0x5A5800, s5;
	[dreg:$0x17] =	wrdreg s15  }
0x1f: {  	v0 =	vand.u32 $0x7, v2;
	v2 =	vor.u32 $0x8, v2;
	v1 =	vmul.u32 $0x8, v1;
	s10 =	simm.s32 $0x3;
	s15 =	simm.s32 $0xB400;
	[dreg:$0x16] =	wrdreg s5  }
.LBB2_1:
0x20: {  	s0 =	rddreg [dreg:$0x16]  }
0x21: {  	[tilespmem:s2], [sflag:$0x3] =	stream.linear.gather [hbm4b:s0+s2], $0x400, $0x38;
	[tilespmem:$0x14400] =	vst v63  }
0x22: {  	_ =	swait.ge [sflag:s10], $0x400  }
0x23: {  	s30 =	smov.u32 s9;
	[sflag:s10] =	ssyncset.done $0x0  }
0x24: {  	s31 =	smov.u32 s8;
	s0 =	simm.s32 $0x0;
	[sflag:s10] =	ssyncadd.s32 $0xFFFFFC00  }
.LBB2_2:
0x25: {  	s1 =	sshra.s32 s0, $0x2  }
0x26: {  	v3 =	vld [tilespmem:s1+$0x0];
	_ =	sdelay $0x4  }
0x27: {  	v4 =	vshll.u32 v3, $0x2  }
0x28: {  	v3 =	vand.u32 $0x7, v3;
	v4 =	vand.u32 $0xFFFFFFE0, v4  }
0x29: {  	v3 =	vor.u32 v3, v4  }
0x2a: {  	v4 =	vperm.xlane v3, v0;
	_ =	sdelay $0x1  }
0x2b: {  	v4 =	vadd.s32 v1, v4;
	_ =	sdelay $0x1  }
0x2c: {  	v3 =	vperm.xlane v3, v2;
	_ =	sdelay $0x1  }
0x2d: {  	v3 =	vadd.s32 v1, v3  }
0x2e: {  	[tilespmem:s11], [sflag:$0x1] =	stream.indirect_vreg.gather [hbm4b:s3+s2], $0x80, v4, vm0, $0xb8;
	[tilespmem:$0x14400] =	vst v63  }
0x2f: {  	s5 =	rddreg [dreg:$0x2]  }
0x30: {  	[tilespmem:s5], [sflag:$0x1] =	stream.indirect_vreg.gather [hbm4b:s6+s2], $0x80, v4, vm0, $0xb8;
	[tilespmem:$0x14400] =	vst v63  }
0x31: {  	s7 =	rddreg [dreg:$0x3]  }
0x32: {  	[tilespmem:s7], [sflag:$0x1] =	stream.indirect_vreg.gather [hbm4b:s3+s2], $0x80, v3, vm0, $0xb8;
	[tilespmem:$0x14400] =	vst v63  }
0x33: {  	s5 =	rddreg [dreg:$0x4]  }
0x34: {  	[tilespmem:s5], [sflag:$0x1] =	stream.indirect_vreg.gather [hbm4b:s6+s2], $0x80, v3, vm0, $0xb8;
	[tilespmem:$0x14400] =	vst v63  }
0x35: {  	v3 =	vld [tilespmem:s1+$0x10];
	_ =	sdelay $0x4  }
0x36: {  	v57 =	vshll.u32 v3, $0x2  }
0x37: {  	v3 =	vand.u32 $0x7, v3;
	v4 =	vand.u32 $0xFFFFFFE0, v57  }
0x38: {  	v3 =	vor.u32 v3, v4  }
0x39: {  	v4 =	vperm.xlane v3, v0;
	_ =	sdelay $0x1  }
0x3a: {  	v4 =	vadd.s32 v1, v4;
	_ =	sdelay $0x1  }
0x3b: {  	v3 =	vperm.xlane v3, v2;
	_ =	sdelay $0x1  }
0x3c: {  	s5 =	rddreg [dreg:$0x5];
	v3 =	vadd.s32 v1, v3  }
0x3d: {  	[tilespmem:s5], [sflag:$0x1] =	stream.indirect_vreg.gather [hbm4b:s3+s2], $0x80, v4, vm0, $0xb8;
	[tilespmem:$0x14400] =	vst v63  }
0x3e: {  	s7 =	rddreg [dreg:$0x6]  }
0x3f: {  	[tilespmem:s7], [sflag:$0x1] =	stream.indirect_vreg.gather [hbm4b:s6+s2], $0x80, v4, vm0, $0xb8;
	[tilespmem:$0x14400] =	vst v63  }
0x40: {  	s5 =	rddreg [dreg:$0x7]  }
0x41: {  	[tilespmem:s5], [sflag:$0x1] =	stream.indirect_vreg.gather [hbm4b:s3+s2], $0x80, v3, vm0, $0xb8;
	[tilespmem:$0x14400] =	vst v63  }
0x42: {  	s7 =	rddreg [dreg:$0x8]  }
0x43: {  	[tilespmem:s7], [sflag:$0x1] =	stream.indirect_vreg.gather [hbm4b:s6+s2], $0x80, v3, vm0, $0xb8;
	[tilespmem:$0x14400] =	vst v63  }
0x44: {  	v3 =	vld [tilespmem:s1+$0x20];
	_ =	sdelay $0x4  }
0x45: {  	v58 =	vshll.u32 v3, $0x2  }
0x46: {  	v3 =	vand.u32 $0x7, v3;
	v4 =	vand.u32 $0xFFFFFFE0, v58  }
0x47: {  	v3 =	vor.u32 v3, v4  }
0x48: {  	v4 =	vperm.xlane v3, v0;
	_ =	sdelay $0x1  }
0x49: {  	v4 =	vadd.s32 v1, v4;
	_ =	sdelay $0x1  }
0x4a: {  	v3 =	vperm.xlane v3, v2;
	_ =	sdelay $0x1  }
0x4b: {  	s5 =	rddreg [dreg:$0x9];
	v3 =	vadd.s32 v1, v3  }
0x4c: {  	[tilespmem:s5], [sflag:$0x1] =	stream.indirect_vreg.gather [hbm4b:s3+s2], $0x80, v4, vm0, $0xb8;
	[tilespmem:$0x14400] =	vst v63  }
0x4d: {  	s7 =	rddreg [dreg:$0xa]  }
0x4e: {  	[tilespmem:s7], [sflag:$0x1] =	stream.indirect_vreg.gather [hbm4b:s6+s2], $0x80, v4, vm0, $0xb8;
	[tilespmem:$0x14400] =	vst v63  }
0x4f: {  	s5 =	rddreg [dreg:$0xb]  }
0x50: {  	[tilespmem:s5], [sflag:$0x1] =	stream.indirect_vreg.gather [hbm4b:s3+s2], $0x80, v3, vm0, $0xb8;
	[tilespmem:$0x14400] =	vst v63  }
0x51: {  	s7 =	rddreg [dreg:$0xc]  }
0x52: {  	[tilespmem:s7], [sflag:$0x1] =	stream.indirect_vreg.gather [hbm4b:s6+s2], $0x80, v3, vm0, $0xb8;
	[tilespmem:$0x14400] =	vst v63  }
0x53: {  	v3 =	vld [tilespmem:s1+$0x30];
	_ =	sdelay $0x4  }
0x54: {  	v59 =	vshll.u32 v3, $0x2  }
0x55: {  	v3 =	vand.u32 $0x7, v3;
	v4 =	vand.u32 $0xFFFFFFE0, v59  }
0x56: {  	v3 =	vor.u32 v3, v4  }
0x57: {  	v4 =	vperm.xlane v3, v0;
	_ =	sdelay $0x1  }
0x58: {  	v4 =	vadd.s32 v1, v4;
	_ =	sdelay $0x1  }
0x59: {  	v3 =	vperm.xlane v3, v2;
	_ =	sdelay $0x1  }
0x5a: {  	s5 =	rddreg [dreg:$0xd];
	v3 =	vadd.s32 v1, v3  }
0x5b: {  	[tilespmem:s5], [sflag:$0x1] =	stream.indirect_vreg.gather [hbm4b:s3+s2], $0x80, v4, vm0, $0xb8;
	[tilespmem:$0x14400] =	vst v63  }
0x5c: {  	s7 =	rddreg [dreg:$0xe]  }
0x5d: {  	[tilespmem:s7], [sflag:$0x1] =	stream.indirect_vreg.gather [hbm4b:s6+s2], $0x80, v4, vm0, $0xb8;
	[tilespmem:$0x14400] =	vst v63  }
0x5e: {  	s5 =	rddreg [dreg:$0xf]  }
0x5f: {  	[tilespmem:s5], [sflag:$0x1] =	stream.indirect_vreg.gather [hbm4b:s3+s2], $0x80, v3, vm0, $0xb8;
	[tilespmem:$0x14400] =	vst v63  }
0x60: {  	s7 =	rddreg [dreg:$0x10]  }
0x61: {  	[tilespmem:s7], [sflag:$0x1] =	stream.indirect_vreg.gather [hbm4b:s6+s2], $0x80, v3, vm0, $0xb8;
	[tilespmem:$0x14400] =	vst v63  }
0x62: {  	_ = 	snop  }
0x63: {  	[tilespmem:s13], [sflag:$0x1] =	stream.indirect.gather [hbm4b:s4+s12], $0x80, s1, s12, $0xb8;
	[tilespmem:$0x14400] =	vst v63  }
0x64: {  	v3 =	vld [tilespmem:s1+$0x40];
	_ =	sdelay $0x4  }
0x65: {  	v60 =	vshll.u32 v3, $0x2  }
0x66: {  	v3 =	vand.u32 $0x7, v3;
	v4 =	vand.u32 $0xFFFFFFE0, v60  }
0x67: {  	v3 =	vor.u32 v3, v4  }
0x68: {  	v4 =	vperm.xlane v3, v0;
	_ =	sdelay $0x1  }
0x69: {  	v4 =	vadd.s32 v1, v4;
	_ =	sdelay $0x1  }
0x6a: {  	v3 =	vperm.xlane v3, v2;
	_ =	sdelay $0x1  }
0x6b: {  	v3 =	vadd.s32 v1, v3  }
0x6c: {  	[tilespmem:s14], [sflag:$0x2] =	stream.indirect_vreg.gather [hbm4b:s3+s2], $0x80, v4, vm0, $0xb8;
	[tilespmem:$0x14400] =	vst v63  }
0x6d: {  	s5 =	rddreg [dreg:$0x11]  }
0x6e: {  	[tilespmem:s5], [sflag:$0x2] =	stream.indirect_vreg.gather [hbm4b:s6+s2], $0x80, v4, vm0, $0xb8;
	[tilespmem:$0x14400] =	vst v63  }
0x6f: {  	s7 =	rddreg [dreg:$0x12]  }
0x70: {  	[tilespmem:s7], [sflag:$0x2] =	stream.indirect_vreg.gather [hbm4b:s3+s2], $0x80, v3, vm0, $0xb8;
	[tilespmem:$0x14400] =	vst v63  }
0x71: {  	s5 =	rddreg [dreg:$0x13]  }
0x72: {  	[tilespmem:s5], [sflag:$0x2] =	stream.indirect_vreg.gather [hbm4b:s6+s2], $0x80, v3, vm0, $0xb8;
	[tilespmem:$0x14400] =	vst v63  }
0x73: {  	v3 =	vld [tilespmem:s1+$0x50];
	_ =	sdelay $0x4  }
0x74: {  	v61 =	vshll.u32 v3, $0x2  }
0x75: {  	v3 =	vand.u32 $0x7, v3;
	v4 =	vand.u32 $0xFFFFFFE0, v61  }
0x76: {  	v3 =	vor.u32 v3, v4  }
0x77: {  	v4 =	vperm.xlane v3, v0;
	_ =	sdelay $0x1  }
0x78: {  	v4 =	vadd.s32 v1, v4;
	_ =	sdelay $0x1  }
0x79: {  	v3 =	vperm.xlane v3, v2;
	_ =	sdelay $0x1  }
0x7a: {  	s5 =	rddreg [dreg:$0x14];
	v3 =	vadd.s32 v1, v3  }
0x7b: {  	[tilespmem:s5], [sflag:$0x2] =	stream.indirect_vreg.gather [hbm4b:s3+s2], $0x80, v4, vm0, $0xb8;
	[tilespmem:$0x14400] =	vst v63  }
0x7c: {  	s7 =	rddreg [dreg:$0x15]  }
0x7d: {  	[tilespmem:s7], [sflag:$0x2] =	stream.indirect_vreg.gather [hbm4b:s6+s2], $0x80, v4, vm0, $0xb8;
	[tilespmem:$0x14400] =	vst v63  }
0x7e: {  	_ = 	snop  }
0x7f: {  	[tilespmem:s15], [sflag:$0x2] =	stream.indirect_vreg.gather [hbm4b:s3+s2], $0x80, v3, vm0, $0xb8;
	[tilespmem:$0x14400] =	vst v63  }
0x80: {  	_ = 	snop  }
0x81: {  	[tilespmem:s16], [sflag:$0x2] =	stream.indirect_vreg.gather [hbm4b:s6+s2], $0x80, v3, vm0, $0xb8;
	[tilespmem:$0x14400] =	vst v63  }
0x82: {  	v3 =	vld [tilespmem:s1+$0x60];
	_ =	sdelay $0x4  }
0x83: {  	v62 =	vshll.u32 v3, $0x2  }
0x84: {  	v3 =	vand.u32 $0x7, v3;
	v4 =	vand.u32 $0xFFFFFFE0, v62  }
0x85: {  	v3 =	vor.u32 v3, v4  }
0x86: {  	v4 =	vperm.xlane v3, v0;
	_ =	sdelay $0x1  }
0x87: {  	v4 =	vadd.s32 v1, v4;
	_ =	sdelay $0x1  }
0x88: {  	v3 =	vperm.xlane v3, v2;
	_ =	sdelay $0x1  }
0x89: {  	v3 =	vadd.s32 v1, v3  }
0x8a: {  	[tilespmem:s17], [sflag:$0x2] =	stream.indirect_vreg.gather [hbm4b:s3+s2], $0x80, v4, vm0, $0xb8;
	[tilespmem:$0x14400] =	vst v63  }
0x8b: {  	_ = 	snop  }
0x8c: {  	[tilespmem:s18], [sflag:$0x2] =	stream.indirect_vreg.gather [hbm4b:s6+s2], $0x80, v4, vm0, $0xb8;
	[tilespmem:$0x14400] =	vst v63  }
0x8d: {  	_ = 	snop  }
0x8e: {  	[tilespmem:s19], [sflag:$0x2] =	stream.indirect_vreg.gather [hbm4b:s3+s2], $0x80, v3, vm0, $0xb8;
	[tilespmem:$0x14400] =	vst v63  }
0x8f: {  	_ = 	snop  }
0x90: {  	[tilespmem:s20], [sflag:$0x2] =	stream.indirect_vreg.gather [hbm4b:s6+s2], $0x80, v3, vm0, $0xb8;
	[tilespmem:$0x14400] =	vst v63  }
0x91: {  	v3 =	vld [tilespmem:s1+$0x70];
	_ =	sdelay $0x4  }
0x92: {  	v63 =	vshll.u32 v3, $0x2  }
0x93: {  	v3 =	vand.u32 $0x7, v3;
	v4 =	vand.u32 $0xFFFFFFE0, v63  }
0x94: {  	v3 =	vor.u32 v3, v4  }
0x95: {  	v4 =	vperm.xlane v3, v0;
	_ =	sdelay $0x1  }
0x96: {  	v4 =	vadd.s32 v1, v4;
	_ =	sdelay $0x1  }
0x97: {  	v3 =	vperm.xlane v3, v2;
	_ =	sdelay $0x1  }
0x98: {  	v3 =	vadd.s32 v1, v3  }
0x99: {  	[tilespmem:s21], [sflag:$0x2] =	stream.indirect_vreg.gather [hbm4b:s3+s2], $0x80, v4, vm0, $0xb8;
	[tilespmem:$0x14400] =	vst v63  }
0x9a: {  	_ = 	snop  }
0x9b: {  	[tilespmem:s22], [sflag:$0x2] =	stream.indirect_vreg.gather [hbm4b:s6+s2], $0x80, v4, vm0, $0xb8;
	[tilespmem:$0x14400] =	vst v63  }
0x9c: {  	_ = 	snop  }
0x9d: {  	[tilespmem:s23], [sflag:$0x2] =	stream.indirect_vreg.gather [hbm4b:s3+s2], $0x80, v3, vm0, $0xb8;
	[tilespmem:$0x14400] =	vst v63  }
0x9e: {  	_ = 	snop  }
0x9f: {  	[tilespmem:s24], [sflag:$0x2] =	stream.indirect_vreg.gather [hbm4b:s6+s2], $0x80, v3, vm0, $0xb8;
	[tilespmem:$0x14400] =	vst v63  }
0xa0: {  	s1 =	sadd.s32 $0x40, s1  }
0xa1: {  	[tilespmem:s25], [sflag:$0x2] =	stream.indirect.gather [hbm4b:s4+s12], $0x80, s1, s12, $0xb8;
	[tilespmem:$0x14400] =	vst v63  }
0xa2: {  	_ =	swait.ge [sflag:s26], $0x8000  }
0xa3: {  	[sflag:s26] =	ssyncset.done $0x0  }
0xa4: {  	[sflag:s26] =	ssyncadd.s32 $0xFFFF8000  }
0xa5: {  	_ =	swait.ge [sflag:s26], $0x2000  }
0xa6: {  	[sflag:s26] =	ssyncset.done $0x0  }
0xa7: {  	[sflag:s26] =	ssyncadd.s32 $0xFFFFE000  }
0xa8: {  	[hbm4b:s30+s2] =	stream.linear.scatter [tilespmem:s11], [sflag:$0x3], $0x8000, $0x38;
	[tilespmem:$0x14400] =	vst v63  }
0xa9: {  	_ =	swait.ge [sflag:s10], $0x8000  }
0xaa: {  	[sflag:s10] =	ssyncset.done $0x0  }
0xab: {  	[sflag:s10] =	ssyncadd.s32 $0xFFFF8000  }
0xac: {  	[hbm4b:s31+s2] =	stream.linear.scatter [tilespmem:s13], [sflag:$0x3], $0x2000, $0x38;
	[tilespmem:$0x14400] =	vst v63  }
0xad: {  	_ =	swait.ge [sflag:s10], $0x2000  }
0xae: {  	[sflag:s10] =	ssyncset.done $0x0  }
0xaf: {  	[sflag:s10] =	ssyncadd.s32 $0xFFFFE000  }
0xb0: {  	_ =	swait.ge [sflag:s28], $0x8000  }
0xb1: {  	[sflag:s28] =	ssyncset.done $0x0  }
0xb2: {  	[sflag:s28] =	ssyncadd.s32 $0xFFFF8000  }
0xb3: {  	_ =	swait.ge [sflag:s28], $0x2000  }
0xb4: {  	[sflag:s28] =	ssyncset.done $0x0  }
0xb5: {  	s5 =	sadd.s32 $0x1000, s30;
	[sflag:s28] =	ssyncadd.s32 $0xFFFFE000  }
0xb6: {  	[hbm4b:s5+s2] =	stream.linear.scatter [tilespmem:s14], [sflag:$0x3], $0x8000, $0x38;
	[tilespmem:$0x14400] =	vst v63  }
0xb7: {  	_ =	swait.ge [sflag:s10], $0x8000  }
0xb8: {  	p0 =	sne.s32 s0, $0xE00;
	[sflag:s10] =	ssyncset.done $0x0  }
.Ltmp0:
0xb9: {  	s7 =	sadd.s32 $0x400, s31;
	[sflag:s10] =	ssyncadd.s32 $0xFFFF8000;
	(pc) =	sbr.rel @p0 .LBB2_2-.Ltmp0, $4  }
0xba: {  	[hbm4b:s7+s2] =	stream.linear.scatter [tilespmem:s25], [sflag:$0x3], $0x2000, $0x38;
	[tilespmem:$0x14400] =	vst v63  }
0xbb: {  	_ =	swait.ge [sflag:s10], $0x2000  }
0xbc: {  	s0 =	sadd.s32 $0x200, s0;
	[sflag:s10] =	ssyncset.done $0x0  }
0xbd: {  	s30 =	sadd.s32 $0x2000, s30;
	s31 =	sadd.s32 $0x800, s31;
	[sflag:s10] =	ssyncadd.s32 $0xFFFFE000  }
0xbe: {  	s29 =	sadd.s32 $0x1, s29;
	s0 =	rddreg [dreg:$0x17]  }
0xbf: {  	p0 =	sne.s32 s29, s0  }
.Ltmp1:
0xc0: {  	_ = 	snop;
	(pc) =	sbr.rel @p0 .LBB2_1-.Ltmp1, $1  }
0xc1: {  	_ =	sdelay $0x3  }
0xc2: {  	_ =	sfence.sel $0x180000  }
0xc3: {  	[bflag:$0x0] =	sbarrier.arrive $0xFFFF  }
0xc4: {  	_ =	strace $0x9000004D  }
0xc5: {  	s0 =	stileid.u32;
	[bflag:$0x2] =	sbarrier.arrive $0xFFFF  }
0xc6: {  	p0 =	sne.s32 s0, $0x0;
	s0 =	rddreg [dreg:$0x1]  }
0xc7: {  	s0 =	sadd.s32 @!p0 $0x100000, s0  }
0xc8: {  	[sflag:s0] =	ssyncadd.tile.s32 @!p0 $0x1;
	_ =	shalt  }
.Lfunc_end2:
_tile_overlayer_lowered:
.L_overlay_start_2:
0xc9: {  	(tag) =	ssettag $0x2  }
0xca: {  	s0 =	rddreg [dreg:$0x0];
	s2 =	stileid.u32  }
0xcb: {  	s1 =	rddreg [dreg:$0x1];
	p0 =	sne.s32 s2, $0x0  }
0xcc: {  	s3 =	rddreg [dreg:$0x2];
	[bflag:$0x3] =	sbarrier.arrive $0xFFFF;
	s2 =	simm.s32 @!p0 $0x1C03  }
0xcd: {  	[timem:s3], [sflag:s2] =	dma.local @!p0 [hbm:s0], s1  }
0xce: {  	s0 =	simm.s32 @!p0 $0x3  }
0xcf: {  	_ =	swait.ge @!p0 [sflag:s0], s1  }
0xd0: {  	s1 =	ssub.s32 @!p0 $0x0, s1;
	[sflag:s0] =	ssyncset.done @!p0 $0x0  }
0xd1: {  	[sflag:s0] =	ssyncadd.s32 @!p0 s1  }
0xd2: {  	[bflag:$0x3] =	sbarrier.arrive $0xFFFF  }
0xd3: {  	_ =	shalt  }

// kernel: kernel.21.cloned.1.call-start
scs
__scs_entry_jumppad:
0x0: {  	(pc) =	sbr.rel $0x88, $3  }
0x1: {  	(tag) =	ssettag $0x0;
	lr =	simm.s32 $0x1  }
0x2: {  	[smem:$0x3F97] =	sst lr;
	_ =	strace $0xD0000000  }
0x3: {  	_ = 	snop  }
0x4: {  	_ = 	snop  }
0x5: {  	_ = 	snop  }
0x6: {  	_ = 	snop  }
0x7: {  	_ = 	snop  }
__scs_overlays_trampoline_lowered:
0x8: {  	[smem:$0x3FA6] =	sst s0  }
0x9: {  	[smem:$0x3FA7] =	sst s1  }
0xa: {  	[smem:$0x3FA8] =	sst s2  }
0xb: {  	[smem:$0x3FA9] =	sst s3  }
0xc: {  	[smem:$0x3FAA] =	sst s4  }
0xd: {  	[smem:$0x3FAB] =	sst s5  }
0xe: {  	[smem:$0x3FAC] =	sst s6  }
0xf: {  	[smem:$0x3FAD] =	sst s7  }
0x10: {  	[smem:$0x3FAE] =	sst s8  }
0x11: {  	[smem:$0x3FAF] =	sst s9;
	s0 =	simm.s32 @!p0 $0x0  }
0x12: {  	s1 =	sld [smem:$0x3F95];
	s0 =	simm.s32 @p0 $0x1  }
0x13: {  	[smem:$0x3FB0] =	sst s0;
	s0 =	simm.s32 @!p1 $0x0  }
0x14: {  	s2 =	sld [smem:$0x3F94];
	s0 =	simm.s32 @p1 $0x1  }
0x15: {  	[smem:$0x3FB1] =	sst s0;
	s0 =	simm.s32 @!p2 $0x0  }
0x16: {  	s3 =	sld [smem:$0x3FDB];
	s0 =	simm.s32 @p2 $0x1  }
0x17: {  	s4 =	simm.s32 $0x1BF5;
	[smem:$0x3FB3] =	sst s0  }
0x18: {  	s0 =	sld [smem:$0x3F96];
	_ =	swait.ge [sflag:s4], $0x0  }
0x19: {  	s7 =	sld [smem:$0x3F97]  }
0x1a: {  	s8 =	sadd.s32 $0xFFFFE003, lr  }
0x1b: {  	s9 =	sadd.s32 $0xFFFFFEF7, lr;
	s5 =	simm.s32 $0xFFFFFFFF;
	p2 =	slt.u32 s8, $0xFFFFF086  }
0x1c: {  	p1 =	slt.u32 s9, $0xF7A;
	s5 =	simm.s32 @!p2 $0x0  }
0x1d: {  	s5 =	simm.s32 @p1 $0x1;
	p0 =	seq.s32 s7, s2  }
0x1e: {  	s7 =	smul.u32 @!p0 $0xF7A, s2;
	p2 =	seq.s32 @!p0 s5, $0x0  }
0x1f: {  	s9 =	smul.u32 $0xF7A, s1;
	s8 =	simm.s32 @!p0 $0x1BF5;
	p2 =	por !p2, p0  }
0x20: {  	[sflag:s8] =	ssyncset.s32 @!p0 $0xFFFFF086;
	s6 =	sadd.s32 @!p0 s3, s7;
	s7 =	simm.s32 @!p0 $0x108  }
0x21: {  	s3 =	sadd.s32 s3, s9;
	s6 =	sadd.s32 @!p0 $0x88, s6;
	s7 =	simm.s32 @p2 $0x1082  }
0x22: {  	[simem:s7], [sflag:s8] =	dma.local @!p0 [hbm:s6], $0xF7A  }
0x23: {  	s9 =	sor.u32 $0xD0000000, s2;
	s6 =	simm.s32 $0x108;
	_ =	swait.ge @!p0 [sflag:s8], $0x0  }
0x24: {  	s3 =	sadd.s32 $0x88, s3;
	s6 =	simm.s32 @!p1 $0x1082;
	[sflag:s4] =	ssyncset.s32 $0xFFFFF086  }
0x25: {  	[simem:s6], [sflag:s4] =	dma.local [hbm:s3], $0xF7A  }
0x26: {  	[smem:$0x3F97] =	sst s1;
	(tag) =	ssettag s2;
	_ =	strace s9  }
0x27: {  	s1 =	sld [smem:$0x3FA7]  }
0x28: {  	s2 =	sld [smem:$0x3FA8]  }
0x29: {  	s4 =	sld [smem:$0x3FAA]  }
0x2a: {  	p0 =	seq.s32 s5, $0x0;
	s5 =	sld [smem:$0x3FAB]  }
0x2b: {  	s6 =	sld [smem:$0x3FAC]  }
0x2c: {  	s7 =	sld [smem:$0x3FAD]  }
0x2d: {  	s3 =	simm.s32 $0x108;
	s8 =	sld [smem:$0x3FAE]  }
0x2e: {  	s3 =	simm.s32 @!p0 $0x1082;
	s9 =	sld [smem:$0x3FAF]  }
0x2f: {  	lr =	sadd.s32 s0, s3;
	s0 =	sld [smem:$0x3FA6]  }
0x30: {  	s3 =	sld [smem:$0x3FA9]  }
0x31: {  	[smem:$0x3FB2] =	sst s10  }
0x32: {  	s10 =	sld [smem:$0x3FB0];
	_ =	sdelay $0x3  }
0x33: {  	p0 =	seq.s32 s10, $0x1;
	s10 =	sld [smem:$0x3FB2];
	_ =	sdelay $0x3  }
0x34: {  	[smem:$0x3FB2] =	sst s10  }
0x35: {  	s10 =	sld [smem:$0x3FB1];
	_ =	sdelay $0x3  }
0x36: {  	p1 =	seq.s32 s10, $0x1;
	s10 =	sld [smem:$0x3FB2];
	_ =	sdelay $0x3  }
0x37: {  	[smem:$0x3FB2] =	sst s10  }
0x38: {  	s10 =	sld [smem:$0x3FB3]  }
0x39: {  	_ = 	snop;
	(pc) =	sbr.ind lr, $3  }
0x3a: {  	_ = 	snop  }
0x3b: {  	_ = 	snop  }
0x3c: {  	p2 =	seq.s32 s10, $0x1;
	s10 =	sld [smem:$0x3FB2]  }
0x3d: {  	_ =	shalt  }
0x3e: {  	_ =	shalt  }
0x3f: {  	_ =	shalt  }
0x40: {  	_ =	shalt  }
0x41: {  	_ =	shalt  }
0x42: {  	_ =	shalt  }
0x43: {  	_ =	shalt  }
0x44: {  	_ =	shalt  }
0x45: {  	_ =	shalt  }
0x46: {  	_ =	shalt  }
0x47: {  	_ =	shalt  }
0x48: {  	_ =	shalt  }
0x49: {  	_ =	shalt  }
0x4a: {  	_ =	shalt  }
0x4b: {  	_ =	shalt  }
0x4c: {  	_ =	shalt  }
0x4d: {  	_ =	shalt  }
0x4e: {  	_ =	shalt  }
0x4f: {  	_ =	shalt  }
0x50: {  	_ =	shalt  }
0x51: {  	_ =	shalt  }
0x52: {  	_ =	shalt  }
0x53: {  	_ =	shalt  }
0x54: {  	_ =	shalt  }
0x55: {  	_ =	shalt  }
0x56: {  	_ =	shalt  }
0x57: {  	_ =	shalt  }
0x58: {  	_ =	shalt  }
0x59: {  	_ =	shalt  }
0x5a: {  	_ =	shalt  }
0x5b: {  	_ =	shalt  }
0x5c: {  	_ =	shalt  }
0x5d: {  	_ =	shalt  }
0x5e: {  	_ =	shalt  }
0x5f: {  	_ =	shalt  }
0x60: {  	_ =	shalt  }
0x61: {  	_ =	shalt  }
0x62: {  	_ =	shalt  }
0x63: {  	_ =	shalt  }
0x64: {  	_ =	shalt  }
0x65: {  	_ =	shalt  }
0x66: {  	_ =	shalt  }
0x67: {  	_ =	shalt  }
0x68: {  	_ =	shalt  }
0x69: {  	_ =	shalt  }
0x6a: {  	_ =	shalt  }
0x6b: {  	_ =	shalt  }
0x6c: {  	_ =	shalt  }
0x6d: {  	_ =	shalt  }
0x6e: {  	_ =	shalt  }
0x6f: {  	_ =	shalt  }
0x70: {  	_ =	shalt  }
0x71: {  	_ =	shalt  }
0x72: {  	_ =	shalt  }
0x73: {  	_ =	shalt  }
0x74: {  	_ =	shalt  }
0x75: {  	_ =	shalt  }
0x76: {  	_ =	shalt  }
0x77: {  	_ =	shalt  }
0x78: {  	_ =	shalt  }
0x79: {  	_ =	shalt  }
0x7a: {  	_ =	shalt  }
0x7b: {  	_ =	shalt  }
0x7c: {  	_ =	shalt  }
0x7d: {  	_ =	shalt  }
0x7e: {  	_ =	shalt  }
0x7f: {  	_ =	shalt  }
0x80: {  	_ =	shalt  }
0x81: {  	_ =	shalt  }
0x82: {  	_ =	shalt  }
0x83: {  	_ =	shalt  }
0x84: {  	_ =	shalt  }
0x85: {  	_ =	shalt  }
0x86: {  	_ =	shalt  }
0x87: {  	_ =	shalt  }
.Lfunc_end0:
.L_simem_size_0:
called_computation.2_lowered:
.L_overlay_start_0:
0x88: {  	s2 =	sld [smem:$0x3FD9]  }
0x89: {  	s3 =	sld [smem:$0x3FFE];
	_ =	sdelay $0x1  }
0x8a: {  	s1 =	srdreg.scid  }
0x8b: {  	s0 =	sand.u32 $0x1, s1  }
0x8c: {  	s17 =	sshll.u32 s0, $0xA;
	s2 =	sadd.s32 s3, s2  }
0x8d: {  	s2 =	sadd.s32 s2, s17  }
0x8e: {  	[smem:$0x3FBE] =	sst s2  }
0x8f: {  	_ = 	snop  }
0x90: {  	(tm) =	ssettm $0x1  }
0x91: {  	s18 =	sld [smem:$0x3FFB];
	_ =	sdelay $0x3  }
0x92: {  	_ =	strace s18  }
0x93: {  	s2 =	sld [smem:$0x3FFC];
	_ =	sdelay $0x3  }
0x94: {  	_ =	strace s2  }
0x95: {  	s2 =	sld [smem:$0x3FFD];
	_ =	sdelay $0x3  }
0x96: {  	_ =	strace s2  }
0x97: {  	_ =	strace $0x8FFFFFFF  }
0x98: {  	s19 =	sld [smem:$0x3FDB];
	_ =	sdelay $0x1  }
0x99: {  	s20 =	simm.s32 $_scs_section_size  }
0x9a: {  	s4 =	simm.s32 $_size__tile_overlayer_lowered;
	s5 =	simm.s32 $_tile_overlayer_lowered  }
0x9b: {  	s6 =	simm.s32 $0x1BFF;
	s21 =	sshll.u32 s5, $0x1;
	s3 =	sadd.s32 s20, s19  }
0x9c: {  	s22 =	simm.s32 $0x0;
	s4 =	sshll.u32 s4, $0x1;
	s5 =	sadd.s32 s21, s3  }
0x9d: {  	[timem:s22], [sflag:s6] =	dma.local [hbm:s5], s4  }
0x9e: {  	_ =	swait.ge [sflag:s6], s4  }
0x9f: {  	s4 =	ssub.s32 $0x0, s4;
	[sflag:s6] =	ssyncset.done $0x0  }
0xa0: {  	[sflag:s6] =	ssyncadd.s32 s4;
	_ =	sdelay $0x1  }
0xa1: {  	s23 =	simm.s32 $0x1B8B  }
0xa2: {  	_ =	swait.ge [sflag:s23], $0x1  }
0xa3: {  	[sflag:s23] =	ssyncset.done $0x0  }
0xa4: {  	[sflag:s23] =	ssyncadd.s32 $0xFFFFFFFF  }
0xa5: {  	s4 =	sld [smem:$0x0]  }
0xa6: {  	s5 =	sand.u32 $0xFFFFFFFE, s1  }
0xa7: {  	p0 =	sne.s32 s1, s5  }
0xa8: {  	s5 =	sshll.u32 @p0 s5, $0xE  }
0xa9: {  	s5 =	sadd.s32 @p0 $0x11B8D, s5;
	s6 =	sshll.u32 @p0 s4, $0x11  }
0xaa: {  	s5 =	sor.u32 @p0 s6, s5  }
0xab: {  	[sflag:s5] =	ssyncadd.remote.s32 @p0 $0x1;
	_ =	sdelay $0x1  }
0xac: {  	s5 =	simm.s32 @p0 $0x1B8D  }
0xad: {  	_ =	swait.eq @p0 [sflag:s5], $0x1  }
0xae: {  	[sflag:s5] =	ssyncadd.s32 @p0 $0xFFFFFFFF  }
0xaf: {  	s6 =	sshll.u32 @!p0 s1, $0xE  }
0xb0: {  	s6 =	sor.u32 @!p0 $0x4000, s6;
	s5 =	simm.s32 @!p0 $0x1B8D  }
0xb1: {  	s4 =	sshll.u32 @!p0 s4, $0x11;
	s6 =	sadd.s32 @!p0 $0x11B8D, s6;
	_ =	swait.eq @!p0 [sflag:s5], $0x1  }
0xb2: {  	s4 =	sor.u32 @!p0 s4, s6;
	[sflag:s5] =	ssyncadd.s32 @!p0 $0xFFFFFFFF  }
0xb3: {  	s25 =	simm.s32 $0x1B8E;
	s24 =	sld [smem:$0x3FFE];
	[sflag:s4] =	ssyncadd.remote.s32 @!p0 $0x1  }
0xb4: {  	s26 =	simm.s32 $execute0_lowered;
	[smem:$0x3FD2] =	sst s25  }
0xb5: {  	s5 =	sshll.u32 s26, $0x1;
	_ =	strace $0x80000049;
	[dreg:$0x1] =	wrdreg $0xFFFFFFFF  }
0xb6: {  	s28 =	simm.s32 $_size_execute0_lowered;
	s3 =	sadd.s32 s3, s5;
	[dreg:$0x0] =	wrdreg $0x0  }
0xb7: {  	s5 =	sshll.u32 s28, $0x1;
	[dreg:$0x2] =	wrdreg s3  }
0xb8: {  	[dreg:$0x3] =	wrdreg s5  }
0xb9: {  	[dreg:$0x4] =	wrdreg $0xC0  }
0xba: {  	_ =	task [dreg:s22], $0x5FFFF  }
0xbb: {  	[dreg:$0x1] =	wrdreg $0xFFFFFFFF  }
0xbc: {  	[dreg:$0x0] =	wrdreg $0x60  }
0xbd: {  	[dreg:$0x2] =	wrdreg s24  }
0xbe: {  	[dreg:$0x3] =	wrdreg $0xB  }
0xbf: {  	_ =	task.clear_ibuf [dreg:s22], $0x4FFFF;
	_ =	strace $0x90000049  }
0xc0: {  	s29 =	simm.s32 $0xB;
	_ =	strace $0x8000004B  }
0xc1: {  	_ =	swait.ge [sflag:s29], $0x1  }
0xc2: {  	[sflag:s29] =	ssyncadd.s32 $0xFFFFFFFF  }
0xc3: {  	_ =	strace $0x9000004B  }
0xc4: {  	_ =	sfence  }
0xc5: {  	s30 =	sld [smem:$0x0];
	_ =	sdelay $0x2  }
0xc6: {  	s31 =	sshll.u32 s1, $0xD;
	s1 =	sshrl.u32 s1, $0x2  }
0xc7: {  	s4 =	sand.u32 $0x4000, s31;
	s1 =	sadd.s32 s1, s30  }
0xc8: {  	s0 =	sor.u32 s4, s0;
	s1 =	sshll.u32 s1, $0x11  }
0xc9: {  	s0 =	sor.u32 s1, s0  }
0xca: {  	s0 =	sadd.s32 $0x8F2B, s0  }
0xcb: {  	[sflag:s0] =	ssyncadd.remote.s32 $0x1  }
0xcc: {  	_ =	sfence.sel $0xFFFF  }
0xcd: {  	[dreg:$0x0] =	wrdreg $0xFFFFFFFF;
	(pc) =	sbr.abs _section_cstart, $3  }
0xce: {  	[dreg:$0x1] =	wrdreg $0xFFFFFFFF  }
0xcf: {  	_ =	task.clear_ibuf [dreg:s22], $0x2FFFF;
	_ =	strace $0x9FFFFFFF  }
0xd0: {  	(tm) =	ssettm $0x7FFFFFFF  }
0xd1: {  	_ =	shalt  }
tec
execute0_lowered:
.L_overlay_start_1:
0x0: {  	(tag) =	ssettag $0x1  }
0x1: {  	s0 =	rddreg [dreg:$0x0]  }
0x2: {  	s1 =	srdreg.scid;
	s2 =	simm.s32 $0x0;
	s7 =	stileid.u32  }
0x3: {  	s24 =	simm.s32 $0xC00;
	s25 =	simm.s32 $0x1400;
	[smem:$0x7FF] =	sst s2  }
0x4: {  	s26 =	simm.s32 $0x1C00;
	_ =	strace $0x8000004A;
	[dreg:$0x2] =	wrdreg s24  }
0x5: {  	s31 =	simm.s32 $0x2400;
	s11 =	simm.s32 $0x2C00;
	[dreg:$0x3] =	wrdreg s25  }
0x6: {  	s12 =	simm.s32 $0x3400;
	s13 =	simm.s32 $0x3C00;
	[dreg:$0x4] =	wrdreg s26  }
0x7: {  	s14 =	simm.s32 $0x4400;
	s16 =	simm.s32 $0x4C00;
	[dreg:$0x5] =	wrdreg s31  }
0x8: {  	s18 =	simm.s32 $0x5400;
	s19 =	simm.s32 $0x5C00;
	[dreg:$0x6] =	wrdreg s11  }
0x9: {  	s20 =	simm.s32 $0x6400;
	s21 =	simm.s32 $0x6C00;
	[dreg:$0x7] =	wrdreg s12  }
0xa: {  	s22 =	simm.s32 $0x7400;
	s23 =	simm.s32 $0x7C00;
	[dreg:$0x8] =	wrdreg s13  }
0xb: {  	s28 =	simm.s32 $0x2;
	s29 =	simm.s32 $0x0;
	[dreg:$0x9] =	wrdreg s14  }
0xc: {  	s1 =	sand.u32 $0x1, s1;
	s4 =	sshll.u32 s7, $0xB;
	[dreg:$0xa] =	wrdreg s16  }
0xd: {  	s3 =	sadd.s32 $0x4800, s0;
	s6 =	sshll.u32 s7, $0x11;
	[dreg:$0xb] =	wrdreg s18  }
0xe: {  	s7 =	sshll.u32 s7, $0xF;
	s5 =	sshll.u32 s1, $0xA;
	[dreg:$0xc] =	wrdreg s19  }
0xf: {  	s9 =	sadd.s32 s6, s0;
	s8 =	sadd.s32 s7, s0;
	[dreg:$0xd] =	wrdreg s20  }
0x10: {  	s30 =	ssub.s32 $0x2, s1;
	s6 =	sadd.s32 $0x4900, s0;
	[dreg:$0xe] =	wrdreg s21  }
0x11: {  	s17 =	sshll.u32 s1, $0xE;
	s1 =	sshll.u32 s1, $0x10;
	[dreg:$0xf] =	wrdreg s22  }
0x12: {  	[dreg:$0x10] =	wrdreg s23;
	s24 =	simm.s32 $0x8C00;
	s11 =	simm.s32 $0x400  }
0x13: {  	s25 =	simm.s32 $0x9400;
	s12 =	simm.s32 $0x40;
	s26 =	simm.s32 $0x9C00  }
0x14: {  	s13 =	simm.s32 $0x10400;
	s14 =	simm.s32 $0x8400;
	s31 =	simm.s32 $0xAC00  }
0x15: {  	s16 =	simm.s32 $0xBC00;
	s18 =	simm.s32 $0xCC00;
	s19 =	simm.s32 $0xD400  }
0x16: {  	s20 =	simm.s32 $0xDC00;
	s21 =	simm.s32 $0xE400;
	s22 =	simm.s32 $0xEC00  }
0x17: {  	s23 =	simm.s32 $0xF400;
	s5 =	sor.u32 s5, s4;
	[dreg:$0x11] =	wrdreg s24  }
0x18: {  	s4 =	sadd.s32 $0x84800, s0;
	s10 =	sshrl.u32 s30, $0x1;
	[dreg:$0x12] =	wrdreg s25  }
0x19: {  	s8 =	sadd.s32 s17, s8;
	s1 =	sadd.s32 s1, s9;
	[dreg:$0x13] =	wrdreg s26  }
0x1a: {  	[dreg:$0x15] =	wrdreg s31;
	s17 =	simm.s32 $0xC400;
	s24 =	simm.s32 $0xFC00  }
0x1b: {  	s25 =	simm.s32 $0x12400;
	s26 =	simm.s32 $0x1;
	s5 =	sshrl.u32 s5, $0x3  }
0x1c: {  	s7 =	ssub.s32 s30, s10;
	s8 =	sadd.s32 $0x525800, s8;
	s30 =	simm.s32 $0xA400  }
0x1d: {  	v2 =	vlaneseq.u32;
	s5 =	sadd.s32 s5, s0;
	s15 =	smax.u32 s7, $0x1;
	[dreg:$0x14] =	wrdreg s30  }
0x1e: {  	vm0 =	vmmov $0xffff;
	v1 =	vshrl.u32 v2, $0x3;
	s9 =	sadd.s32 $0x325800, s1;
	s5 =	sadd.s32 $0x324800, s5;
	[dreg:$0x17] =	wrdreg s15  }
0x1f: {  	v0 =	vand.u32 $0x7, v2;
	v2 =	vor.u32 $0x8, v2;
	v1 =	vmul.u32 $0x8, v1;
	s10 =	simm.s32 $0x3;
	s15 =	simm.s32 $0xB400;
	[dreg:$0x16] =	wrdreg s5  }
.LBB2_1:
0x20: {  	s0 =	rddreg [dreg:$0x16]  }
0x21: {  	[tilespmem:s2], [sflag:$0x3] =	stream.linear.gather [hbm4b:s0+s2], $0x400, $0x38;
	[tilespmem:$0x14400] =	vst v63  }
0x22: {  	_ =	swait.ge [sflag:s10], $0x400  }
0x23: {  	s30 =	smov.u32 s9;
	[sflag:s10] =	ssyncset.done $0x0  }
0x24: {  	s31 =	smov.u32 s8;
	s0 =	simm.s32 $0x0;
	[sflag:s10] =	ssyncadd.s32 $0xFFFFFC00  }
.LBB2_2:
0x25: {  	s1 =	sshra.s32 s0, $0x2  }
0x26: {  	v3 =	vld [tilespmem:s1+$0x0];
	_ =	sdelay $0x4  }
0x27: {  	v4 =	vshll.u32 v3, $0x2  }
0x28: {  	v3 =	vand.u32 $0x7, v3;
	v4 =	vand.u32 $0xFFFFFFE0, v4  }
0x29: {  	v3 =	vor.u32 v3, v4  }
0x2a: {  	v4 =	vperm.xlane v3, v0;
	_ =	sdelay $0x1  }
0x2b: {  	v4 =	vadd.s32 v1, v4;
	_ =	sdelay $0x1  }
0x2c: {  	v3 =	vperm.xlane v3, v2;
	_ =	sdelay $0x1  }
0x2d: {  	v3 =	vadd.s32 v1, v3  }
0x2e: {  	[tilespmem:s11], [sflag:$0x1] =	stream.indirect_vreg.gather [hbm4b:s3+s2], $0x80, v4, vm0, $0xb8;
	[tilespmem:$0x14400] =	vst v63  }
0x2f: {  	s5 =	rddreg [dreg:$0x2]  }
0x30: {  	[tilespmem:s5], [sflag:$0x1] =	stream.indirect_vreg.gather [hbm4b:s6+s2], $0x80, v4, vm0, $0xb8;
	[tilespmem:$0x14400] =	vst v63  }
0x31: {  	s7 =	rddreg [dreg:$0x3]  }
0x32: {  	[tilespmem:s7], [sflag:$0x1] =	stream.indirect_vreg.gather [hbm4b:s3+s2], $0x80, v3, vm0, $0xb8;
	[tilespmem:$0x14400] =	vst v63  }
0x33: {  	s5 =	rddreg [dreg:$0x4]  }
0x34: {  	[tilespmem:s5], [sflag:$0x1] =	stream.indirect_vreg.gather [hbm4b:s6+s2], $0x80, v3, vm0, $0xb8;
	[tilespmem:$0x14400] =	vst v63  }
0x35: {  	v3 =	vld [tilespmem:s1+$0x10];
	_ =	sdelay $0x4  }
0x36: {  	v57 =	vshll.u32 v3, $0x2  }
0x37: {  	v3 =	vand.u32 $0x7, v3;
	v4 =	vand.u32 $0xFFFFFFE0, v57  }
0x38: {  	v3 =	vor.u32 v3, v4  }
0x39: {  	v4 =	vperm.xlane v3, v0;
	_ =	sdelay $0x1  }
0x3a: {  	v4 =	vadd.s32 v1, v4;
	_ =	sdelay $0x1  }
0x3b: {  	v3 =	vperm.xlane v3, v2;
	_ =	sdelay $0x1  }
0x3c: {  	s5 =	rddreg [dreg:$0x5];
	v3 =	vadd.s32 v1, v3  }
0x3d: {  	[tilespmem:s5], [sflag:$0x1] =	stream.indirect_vreg.gather [hbm4b:s3+s2], $0x80, v4, vm0, $0xb8;
	[tilespmem:$0x14400] =	vst v63  }
0x3e: {  	s7 =	rddreg [dreg:$0x6]  }
0x3f: {  	[tilespmem:s7], [sflag:$0x1] =	stream.indirect_vreg.gather [hbm4b:s6+s2], $0x80, v4, vm0, $0xb8;
	[tilespmem:$0x14400] =	vst v63  }
0x40: {  	s5 =	rddreg [dreg:$0x7]  }
0x41: {  	[tilespmem:s5], [sflag:$0x1] =	stream.indirect_vreg.gather [hbm4b:s3+s2], $0x80, v3, vm0, $0xb8;
	[tilespmem:$0x14400] =	vst v63  }
0x42: {  	s7 =	rddreg [dreg:$0x8]  }
0x43: {  	[tilespmem:s7], [sflag:$0x1] =	stream.indirect_vreg.gather [hbm4b:s6+s2], $0x80, v3, vm0, $0xb8;
	[tilespmem:$0x14400] =	vst v63  }
0x44: {  	v3 =	vld [tilespmem:s1+$0x20];
	_ =	sdelay $0x4  }
0x45: {  	v58 =	vshll.u32 v3, $0x2  }
0x46: {  	v3 =	vand.u32 $0x7, v3;
	v4 =	vand.u32 $0xFFFFFFE0, v58  }
0x47: {  	v3 =	vor.u32 v3, v4  }
0x48: {  	v4 =	vperm.xlane v3, v0;
	_ =	sdelay $0x1  }
0x49: {  	v4 =	vadd.s32 v1, v4;
	_ =	sdelay $0x1  }
0x4a: {  	v3 =	vperm.xlane v3, v2;
	_ =	sdelay $0x1  }
0x4b: {  	s5 =	rddreg [dreg:$0x9];
	v3 =	vadd.s32 v1, v3  }
0x4c: {  	[tilespmem:s5], [sflag:$0x1] =	stream.indirect_vreg.gather [hbm4b:s3+s2], $0x80, v4, vm0, $0xb8;
	[tilespmem:$0x14400] =	vst v63  }
0x4d: {  	s7 =	rddreg [dreg:$0xa]  }
0x4e: {  	[tilespmem:s7], [sflag:$0x1] =	stream.indirect_vreg.gather [hbm4b:s6+s2], $0x80, v4, vm0, $0xb8;
	[tilespmem:$0x14400] =	vst v63  }
0x4f: {  	s5 =	rddreg [dreg:$0xb]  }
0x50: {  	[tilespmem:s5], [sflag:$0x1] =	stream.indirect_vreg.gather [hbm4b:s3+s2], $0x80, v3, vm0, $0xb8;
	[tilespmem:$0x14400] =	vst v63  }
0x51: {  	s7 =	rddreg [dreg:$0xc]  }
0x52: {  	[tilespmem:s7], [sflag:$0x1] =	stream.indirect_vreg.gather [hbm4b:s6+s2], $0x80, v3, vm0, $0xb8;
	[tilespmem:$0x14400] =	vst v63  }
0x53: {  	v3 =	vld [tilespmem:s1+$0x30];
	_ =	sdelay $0x4  }
0x54: {  	v59 =	vshll.u32 v3, $0x2  }
0x55: {  	v3 =	vand.u32 $0x7, v3;
	v4 =	vand.u32 $0xFFFFFFE0, v59  }
0x56: {  	v3 =	vor.u32 v3, v4  }
0x57: {  	v4 =	vperm.xlane v3, v0;
	_ =	sdelay $0x1  }
0x58: {  	v4 =	vadd.s32 v1, v4;
	_ =	sdelay $0x1  }
0x59: {  	v3 =	vperm.xlane v3, v2;
	_ =	sdelay $0x1  }
0x5a: {  	s5 =	rddreg [dreg:$0xd];
	v3 =	vadd.s32 v1, v3  }
0x5b: {  	[tilespmem:s5], [sflag:$0x1] =	stream.indirect_vreg.gather [hbm4b:s3+s2], $0x80, v4, vm0, $0xb8;
	[tilespmem:$0x14400] =	vst v63  }
0x5c: {  	s7 =	rddreg [dreg:$0xe]  }
0x5d: {  	[tilespmem:s7], [sflag:$0x1] =	stream.indirect_vreg.gather [hbm4b:s6+s2], $0x80, v4, vm0, $0xb8;
	[tilespmem:$0x14400] =	vst v63  }
0x5e: {  	s5 =	rddreg [dreg:$0xf]  }
0x5f: {  	[tilespmem:s5], [sflag:$0x1] =	stream.indirect_vreg.gather [hbm4b:s3+s2], $0x80, v3, vm0, $0xb8;
	[tilespmem:$0x14400] =	vst v63  }
0x60: {  	s7 =	rddreg [dreg:$0x10]  }
0x61: {  	[tilespmem:s7], [sflag:$0x1] =	stream.indirect_vreg.gather [hbm4b:s6+s2], $0x80, v3, vm0, $0xb8;
	[tilespmem:$0x14400] =	vst v63  }
0x62: {  	_ = 	snop  }
0x63: {  	[tilespmem:s13], [sflag:$0x1] =	stream.indirect.gather [hbm4b:s4+s12], $0x80, s1, s12, $0xb8;
	[tilespmem:$0x14400] =	vst v63  }
0x64: {  	v3 =	vld [tilespmem:s1+$0x40];
	_ =	sdelay $0x4  }
0x65: {  	v60 =	vshll.u32 v3, $0x2  }
0x66: {  	v3 =	vand.u32 $0x7, v3;
	v4 =	vand.u32 $0xFFFFFFE0, v60  }
0x67: {  	v3 =	vor.u32 v3, v4  }
0x68: {  	v4 =	vperm.xlane v3, v0;
	_ =	sdelay $0x1  }
0x69: {  	v4 =	vadd.s32 v1, v4;
	_ =	sdelay $0x1  }
0x6a: {  	v3 =	vperm.xlane v3, v2;
	_ =	sdelay $0x1  }
0x6b: {  	v3 =	vadd.s32 v1, v3  }
0x6c: {  	[tilespmem:s14], [sflag:$0x2] =	stream.indirect_vreg.gather [hbm4b:s3+s2], $0x80, v4, vm0, $0xb8;
	[tilespmem:$0x14400] =	vst v63  }
0x6d: {  	s5 =	rddreg [dreg:$0x11]  }
0x6e: {  	[tilespmem:s5], [sflag:$0x2] =	stream.indirect_vreg.gather [hbm4b:s6+s2], $0x80, v4, vm0, $0xb8;
	[tilespmem:$0x14400] =	vst v63  }
0x6f: {  	s7 =	rddreg [dreg:$0x12]  }
0x70: {  	[tilespmem:s7], [sflag:$0x2] =	stream.indirect_vreg.gather [hbm4b:s3+s2], $0x80, v3, vm0, $0xb8;
	[tilespmem:$0x14400] =	vst v63  }
0x71: {  	s5 =	rddreg [dreg:$0x13]  }
0x72: {  	[tilespmem:s5], [sflag:$0x2] =	stream.indirect_vreg.gather [hbm4b:s6+s2], $0x80, v3, vm0, $0xb8;
	[tilespmem:$0x14400] =	vst v63  }
0x73: {  	v3 =	vld [tilespmem:s1+$0x50];
	_ =	sdelay $0x4  }
0x74: {  	v61 =	vshll.u32 v3, $0x2  }
0x75: {  	v3 =	vand.u32 $0x7, v3;
	v4 =	vand.u32 $0xFFFFFFE0, v61  }
0x76: {  	v3 =	vor.u32 v3, v4  }
0x77: {  	v4 =	vperm.xlane v3, v0;
	_ =	sdelay $0x1  }
0x78: {  	v4 =	vadd.s32 v1, v4;
	_ =	sdelay $0x1  }
0x79: {  	v3 =	vperm.xlane v3, v2;
	_ =	sdelay $0x1  }
0x7a: {  	s5 =	rddreg [dreg:$0x14];
	v3 =	vadd.s32 v1, v3  }
0x7b: {  	[tilespmem:s5], [sflag:$0x2] =	stream.indirect_vreg.gather [hbm4b:s3+s2], $0x80, v4, vm0, $0xb8;
	[tilespmem:$0x14400] =	vst v63  }
0x7c: {  	s7 =	rddreg [dreg:$0x15]  }
0x7d: {  	[tilespmem:s7], [sflag:$0x2] =	stream.indirect_vreg.gather [hbm4b:s6+s2], $0x80, v4, vm0, $0xb8;
	[tilespmem:$0x14400] =	vst v63  }
0x7e: {  	_ = 	snop  }
0x7f: {  	[tilespmem:s15], [sflag:$0x2] =	stream.indirect_vreg.gather [hbm4b:s3+s2], $0x80, v3, vm0, $0xb8;
	[tilespmem:$0x14400] =	vst v63  }
0x80: {  	_ = 	snop  }
0x81: {  	[tilespmem:s16], [sflag:$0x2] =	stream.indirect_vreg.gather [hbm4b:s6+s2], $0x80, v3, vm0, $0xb8;
	[tilespmem:$0x14400] =	vst v63  }
0x82: {  	v3 =	vld [tilespmem:s1+$0x60];
	_ =	sdelay $0x4  }
0x83: {  	v62 =	vshll.u32 v3, $0x2  }
0x84: {  	v3 =	vand.u32 $0x7, v3;
	v4 =	vand.u32 $0xFFFFFFE0, v62  }
0x85: {  	v3 =	vor.u32 v3, v4  }
0x86: {  	v4 =	vperm.xlane v3, v0;
	_ =	sdelay $0x1  }
0x87: {  	v4 =	vadd.s32 v1, v4;
	_ =	sdelay $0x1  }
0x88: {  	v3 =	vperm.xlane v3, v2;
	_ =	sdelay $0x1  }
0x89: {  	v3 =	vadd.s32 v1, v3  }
0x8a: {  	[tilespmem:s17], [sflag:$0x2] =	stream.indirect_vreg.gather [hbm4b:s3+s2], $0x80, v4, vm0, $0xb8;
	[tilespmem:$0x14400] =	vst v63  }
0x8b: {  	_ = 	snop  }
0x8c: {  	[tilespmem:s18], [sflag:$0x2] =	stream.indirect_vreg.gather [hbm4b:s6+s2], $0x80, v4, vm0, $0xb8;
	[tilespmem:$0x14400] =	vst v63  }
0x8d: {  	_ = 	snop  }
0x8e: {  	[tilespmem:s19], [sflag:$0x2] =	stream.indirect_vreg.gather [hbm4b:s3+s2], $0x80, v3, vm0, $0xb8;
	[tilespmem:$0x14400] =	vst v63  }
0x8f: {  	_ = 	snop  }
0x90: {  	[tilespmem:s20], [sflag:$0x2] =	stream.indirect_vreg.gather [hbm4b:s6+s2], $0x80, v3, vm0, $0xb8;
	[tilespmem:$0x14400] =	vst v63  }
0x91: {  	v3 =	vld [tilespmem:s1+$0x70];
	_ =	sdelay $0x4  }
0x92: {  	v63 =	vshll.u32 v3, $0x2  }
0x93: {  	v3 =	vand.u32 $0x7, v3;
	v4 =	vand.u32 $0xFFFFFFE0, v63  }
0x94: {  	v3 =	vor.u32 v3, v4  }
0x95: {  	v4 =	vperm.xlane v3, v0;
	_ =	sdelay $0x1  }
0x96: {  	v4 =	vadd.s32 v1, v4;
	_ =	sdelay $0x1  }
0x97: {  	v3 =	vperm.xlane v3, v2;
	_ =	sdelay $0x1  }
0x98: {  	v3 =	vadd.s32 v1, v3  }
0x99: {  	[tilespmem:s21], [sflag:$0x2] =	stream.indirect_vreg.gather [hbm4b:s3+s2], $0x80, v4, vm0, $0xb8;
	[tilespmem:$0x14400] =	vst v63  }
0x9a: {  	_ = 	snop  }
0x9b: {  	[tilespmem:s22], [sflag:$0x2] =	stream.indirect_vreg.gather [hbm4b:s6+s2], $0x80, v4, vm0, $0xb8;
	[tilespmem:$0x14400] =	vst v63  }
0x9c: {  	_ = 	snop  }
0x9d: {  	[tilespmem:s23], [sflag:$0x2] =	stream.indirect_vreg.gather [hbm4b:s3+s2], $0x80, v3, vm0, $0xb8;
	[tilespmem:$0x14400] =	vst v63  }
0x9e: {  	_ = 	snop  }
0x9f: {  	[tilespmem:s24], [sflag:$0x2] =	stream.indirect_vreg.gather [hbm4b:s6+s2], $0x80, v3, vm0, $0xb8;
	[tilespmem:$0x14400] =	vst v63  }
0xa0: {  	s1 =	sadd.s32 $0x40, s1  }
0xa1: {  	[tilespmem:s25], [sflag:$0x2] =	stream.indirect.gather [hbm4b:s4+s12], $0x80, s1, s12, $0xb8;
	[tilespmem:$0x14400] =	vst v63  }
0xa2: {  	_ =	swait.ge [sflag:s26], $0x8000  }
0xa3: {  	[sflag:s26] =	ssyncset.done $0x0  }
0xa4: {  	[sflag:s26] =	ssyncadd.s32 $0xFFFF8000  }
0xa5: {  	_ =	swait.ge [sflag:s26], $0x2000  }
0xa6: {  	[sflag:s26] =	ssyncset.done $0x0  }
0xa7: {  	[sflag:s26] =	ssyncadd.s32 $0xFFFFE000  }
0xa8: {  	[hbm4b:s30+s2] =	stream.linear.scatter [tilespmem:s11], [sflag:$0x3], $0x8000, $0x38;
	[tilespmem:$0x14400] =	vst v63  }
0xa9: {  	_ =	swait.ge [sflag:s10], $0x8000  }
0xaa: {  	[sflag:s10] =	ssyncset.done $0x0  }
0xab: {  	[sflag:s10] =	ssyncadd.s32 $0xFFFF8000  }
0xac: {  	[hbm4b:s31+s2] =	stream.linear.scatter [tilespmem:s13], [sflag:$0x3], $0x2000, $0x38;
	[tilespmem:$0x14400] =	vst v63  }
0xad: {  	_ =	swait.ge [sflag:s10], $0x2000  }
0xae: {  	[sflag:s10] =	ssyncset.done $0x0  }
0xaf: {  	[sflag:s10] =	ssyncadd.s32 $0xFFFFE000  }
0xb0: {  	_ =	swait.ge [sflag:s28], $0x8000  }
0xb1: {  	[sflag:s28] =	ssyncset.done $0x0  }
0xb2: {  	[sflag:s28] =	ssyncadd.s32 $0xFFFF8000  }
0xb3: {  	_ =	swait.ge [sflag:s28], $0x2000  }
0xb4: {  	[sflag:s28] =	ssyncset.done $0x0  }
0xb5: {  	s5 =	sadd.s32 $0x1000, s30;
	[sflag:s28] =	ssyncadd.s32 $0xFFFFE000  }
0xb6: {  	[hbm4b:s5+s2] =	stream.linear.scatter [tilespmem:s14], [sflag:$0x3], $0x8000, $0x38;
	[tilespmem:$0x14400] =	vst v63  }
0xb7: {  	_ =	swait.ge [sflag:s10], $0x8000  }
0xb8: {  	p0 =	sne.s32 s0, $0xE00;
	[sflag:s10] =	ssyncset.done $0x0  }
.Ltmp0:
0xb9: {  	s7 =	sadd.s32 $0x400, s31;
	[sflag:s10] =	ssyncadd.s32 $0xFFFF8000;
	(pc) =	sbr.rel @p0 .LBB2_2-.Ltmp0, $4  }
0xba: {  	[hbm4b:s7+s2] =	stream.linear.scatter [tilespmem:s25], [sflag:$0x3], $0x2000, $0x38;
	[tilespmem:$0x14400] =	vst v63  }
0xbb: {  	_ =	swait.ge [sflag:s10], $0x2000  }
0xbc: {  	s0 =	sadd.s32 $0x200, s0;
	[sflag:s10] =	ssyncset.done $0x0  }
0xbd: {  	s30 =	sadd.s32 $0x2000, s30;
	s31 =	sadd.s32 $0x800, s31;
	[sflag:s10] =	ssyncadd.s32 $0xFFFFE000  }
0xbe: {  	s29 =	sadd.s32 $0x1, s29;
	s0 =	rddreg [dreg:$0x17]  }
0xbf: {  	p0 =	sne.s32 s29, s0  }
.Ltmp1:
0xc0: {  	_ = 	snop;
	(pc) =	sbr.rel @p0 .LBB2_1-.Ltmp1, $1  }
0xc1: {  	_ =	sdelay $0x3  }
0xc2: {  	_ =	sfence.sel $0x180000  }
0xc3: {  	[bflag:$0x0] =	sbarrier.arrive $0xFFFF  }
0xc4: {  	_ =	strace $0x9000004A  }
0xc5: {  	s0 =	stileid.u32;
	[bflag:$0x2] =	sbarrier.arrive $0xFFFF  }
0xc6: {  	p0 =	sne.s32 s0, $0x0;
	s0 =	rddreg [dreg:$0x1]  }
0xc7: {  	s0 =	sadd.s32 @!p0 $0x100000, s0  }
0xc8: {  	[sflag:s0] =	ssyncadd.tile.s32 @!p0 $0x1;
	_ =	shalt  }
.Lfunc_end2:
_tile_overlayer_lowered:
.L_overlay_start_2:
0xc9: {  	(tag) =	ssettag $0x2  }
0xca: {  	s0 =	rddreg [dreg:$0x0];
	s2 =	stileid.u32  }
0xcb: {  	s1 =	rddreg [dreg:$0x1];
	p0 =	sne.s32 s2, $0x0  }
0xcc: {  	s3 =	rddreg [dreg:$0x2];
	[bflag:$0x3] =	sbarrier.arrive $0xFFFF;
	s2 =	simm.s32 @!p0 $0x1C03  }
0xcd: {  	[timem:s3], [sflag:s2] =	dma.local @!p0 [hbm:s0], s1  }
0xce: {  	s0 =	simm.s32 @!p0 $0x3  }
0xcf: {  	_ =	swait.ge @!p0 [sflag:s0], s1  }
0xd0: {  	s1 =	ssub.s32 @!p0 $0x0, s1;
	[sflag:s0] =	ssyncset.done @!p0 $0x0  }
0xd1: {  	[sflag:s0] =	ssyncadd.s32 @!p0 s1  }
0xd2: {  	[bflag:$0x3] =	sbarrier.arrive $0xFFFF  }
0xd3: {  	_ =	shalt  }

// kernel: kernel.24.cloned.1.call-start
scs
__scs_entry_jumppad:
0x0: {  	(pc) =	sbr.rel $0x88, $3  }
0x1: {  	(tag) =	ssettag $0x0;
	lr =	simm.s32 $0x1  }
0x2: {  	[smem:$0x3F97] =	sst lr;
	_ =	strace $0xD0000000  }
0x3: {  	_ = 	snop  }
0x4: {  	_ = 	snop  }
0x5: {  	_ = 	snop  }
0x6: {  	_ = 	snop  }
0x7: {  	_ = 	snop  }
__scs_overlays_trampoline_lowered:
0x8: {  	[smem:$0x3FA6] =	sst s0  }
0x9: {  	[smem:$0x3FA7] =	sst s1  }
0xa: {  	[smem:$0x3FA8] =	sst s2  }
0xb: {  	[smem:$0x3FA9] =	sst s3  }
0xc: {  	[smem:$0x3FAA] =	sst s4  }
0xd: {  	[smem:$0x3FAB] =	sst s5  }
0xe: {  	[smem:$0x3FAC] =	sst s6  }
0xf: {  	[smem:$0x3FAD] =	sst s7  }
0x10: {  	[smem:$0x3FAE] =	sst s8  }
0x11: {  	[smem:$0x3FAF] =	sst s9;
	s0 =	simm.s32 @!p0 $0x0  }
0x12: {  	s1 =	sld [smem:$0x3F95];
	s0 =	simm.s32 @p0 $0x1  }
0x13: {  	[smem:$0x3FB0] =	sst s0;
	s0 =	simm.s32 @!p1 $0x0  }
0x14: {  	s2 =	sld [smem:$0x3F94];
	s0 =	simm.s32 @p1 $0x1  }
0x15: {  	[smem:$0x3FB1] =	sst s0;
	s0 =	simm.s32 @!p2 $0x0  }
0x16: {  	s3 =	sld [smem:$0x3FDB];
	s0 =	simm.s32 @p2 $0x1  }
0x17: {  	s4 =	simm.s32 $0x1BF5;
	[smem:$0x3FB3] =	sst s0  }
0x18: {  	s0 =	sld [smem:$0x3F96];
	_ =	swait.ge [sflag:s4], $0x0  }
0x19: {  	s7 =	sld [smem:$0x3F97]  }
0x1a: {  	s8 =	sadd.s32 $0xFFFFE003, lr  }
0x1b: {  	s9 =	sadd.s32 $0xFFFFFEF7, lr;
	s5 =	simm.s32 $0xFFFFFFFF;
	p2 =	slt.u32 s8, $0xFFFFF086  }
0x1c: {  	p1 =	slt.u32 s9, $0xF7A;
	s5 =	simm.s32 @!p2 $0x0  }
0x1d: {  	s5 =	simm.s32 @p1 $0x1;
	p0 =	seq.s32 s7, s2  }
0x1e: {  	s7 =	smul.u32 @!p0 $0xF7A, s2;
	p2 =	seq.s32 @!p0 s5, $0x0  }
0x1f: {  	s9 =	smul.u32 $0xF7A, s1;
	s8 =	simm.s32 @!p0 $0x1BF5;
	p2 =	por !p2, p0  }
0x20: {  	[sflag:s8] =	ssyncset.s32 @!p0 $0xFFFFF086;
	s6 =	sadd.s32 @!p0 s3, s7;
	s7 =	simm.s32 @!p0 $0x108  }
0x21: {  	s3 =	sadd.s32 s3, s9;
	s6 =	sadd.s32 @!p0 $0x88, s6;
	s7 =	simm.s32 @p2 $0x1082  }
0x22: {  	[simem:s7], [sflag:s8] =	dma.local @!p0 [hbm:s6], $0xF7A  }
0x23: {  	s9 =	sor.u32 $0xD0000000, s2;
	s6 =	simm.s32 $0x108;
	_ =	swait.ge @!p0 [sflag:s8], $0x0  }
0x24: {  	s3 =	sadd.s32 $0x88, s3;
	s6 =	simm.s32 @!p1 $0x1082;
	[sflag:s4] =	ssyncset.s32 $0xFFFFF086  }
0x25: {  	[simem:s6], [sflag:s4] =	dma.local [hbm:s3], $0xF7A  }
0x26: {  	[smem:$0x3F97] =	sst s1;
	(tag) =	ssettag s2;
	_ =	strace s9  }
0x27: {  	s1 =	sld [smem:$0x3FA7]  }
0x28: {  	s2 =	sld [smem:$0x3FA8]  }
0x29: {  	s4 =	sld [smem:$0x3FAA]  }
0x2a: {  	p0 =	seq.s32 s5, $0x0;
	s5 =	sld [smem:$0x3FAB]  }
0x2b: {  	s6 =	sld [smem:$0x3FAC]  }
0x2c: {  	s7 =	sld [smem:$0x3FAD]  }
0x2d: {  	s3 =	simm.s32 $0x108;
	s8 =	sld [smem:$0x3FAE]  }
0x2e: {  	s3 =	simm.s32 @!p0 $0x1082;
	s9 =	sld [smem:$0x3FAF]  }
0x2f: {  	lr =	sadd.s32 s0, s3;
	s0 =	sld [smem:$0x3FA6]  }
0x30: {  	s3 =	sld [smem:$0x3FA9]  }
0x31: {  	[smem:$0x3FB2] =	sst s10  }
0x32: {  	s10 =	sld [smem:$0x3FB0];
	_ =	sdelay $0x3  }
0x33: {  	p0 =	seq.s32 s10, $0x1;
	s10 =	sld [smem:$0x3FB2];
	_ =	sdelay $0x3  }
0x34: {  	[smem:$0x3FB2] =	sst s10  }
0x35: {  	s10 =	sld [smem:$0x3FB1];
	_ =	sdelay $0x3  }
0x36: {  	p1 =	seq.s32 s10, $0x1;
	s10 =	sld [smem:$0x3FB2];
	_ =	sdelay $0x3  }
0x37: {  	[smem:$0x3FB2] =	sst s10  }
0x38: {  	s10 =	sld [smem:$0x3FB3]  }
0x39: {  	_ = 	snop;
	(pc) =	sbr.ind lr, $3  }
0x3a: {  	_ = 	snop  }
0x3b: {  	_ = 	snop  }
0x3c: {  	p2 =	seq.s32 s10, $0x1;
	s10 =	sld [smem:$0x3FB2]  }
0x3d: {  	_ =	shalt  }
0x3e: {  	_ =	shalt  }
0x3f: {  	_ =	shalt  }
0x40: {  	_ =	shalt  }
0x41: {  	_ =	shalt  }
0x42: {  	_ =	shalt  }
0x43: {  	_ =	shalt  }
0x44: {  	_ =	shalt  }
0x45: {  	_ =	shalt  }
0x46: {  	_ =	shalt  }
0x47: {  	_ =	shalt  }
0x48: {  	_ =	shalt  }
0x49: {  	_ =	shalt  }
0x4a: {  	_ =	shalt  }
0x4b: {  	_ =	shalt  }
0x4c: {  	_ =	shalt  }
0x4d: {  	_ =	shalt  }
0x4e: {  	_ =	shalt  }
0x4f: {  	_ =	shalt  }
0x50: {  	_ =	shalt  }
0x51: {  	_ =	shalt  }
0x52: {  	_ =	shalt  }
0x53: {  	_ =	shalt  }
0x54: {  	_ =	shalt  }
0x55: {  	_ =	shalt  }
0x56: {  	_ =	shalt  }
0x57: {  	_ =	shalt  }
0x58: {  	_ =	shalt  }
0x59: {  	_ =	shalt  }
0x5a: {  	_ =	shalt  }
0x5b: {  	_ =	shalt  }
0x5c: {  	_ =	shalt  }
0x5d: {  	_ =	shalt  }
0x5e: {  	_ =	shalt  }
0x5f: {  	_ =	shalt  }
0x60: {  	_ =	shalt  }
0x61: {  	_ =	shalt  }
0x62: {  	_ =	shalt  }
0x63: {  	_ =	shalt  }
0x64: {  	_ =	shalt  }
0x65: {  	_ =	shalt  }
0x66: {  	_ =	shalt  }
0x67: {  	_ =	shalt  }
0x68: {  	_ =	shalt  }
0x69: {  	_ =	shalt  }
0x6a: {  	_ =	shalt  }
0x6b: {  	_ =	shalt  }
0x6c: {  	_ =	shalt  }
0x6d: {  	_ =	shalt  }
0x6e: {  	_ =	shalt  }
0x6f: {  	_ =	shalt  }
0x70: {  	_ =	shalt  }
0x71: {  	_ =	shalt  }
0x72: {  	_ =	shalt  }
0x73: {  	_ =	shalt  }
0x74: {  	_ =	shalt  }
0x75: {  	_ =	shalt  }
0x76: {  	_ =	shalt  }
0x77: {  	_ =	shalt  }
0x78: {  	_ =	shalt  }
0x79: {  	_ =	shalt  }
0x7a: {  	_ =	shalt  }
0x7b: {  	_ =	shalt  }
0x7c: {  	_ =	shalt  }
0x7d: {  	_ =	shalt  }
0x7e: {  	_ =	shalt  }
0x7f: {  	_ =	shalt  }
0x80: {  	_ =	shalt  }
0x81: {  	_ =	shalt  }
0x82: {  	_ =	shalt  }
0x83: {  	_ =	shalt  }
0x84: {  	_ =	shalt  }
0x85: {  	_ =	shalt  }
0x86: {  	_ =	shalt  }
0x87: {  	_ =	shalt  }
.Lfunc_end0:
.L_simem_size_0:
called_computation.3_lowered:
.L_overlay_start_0:
0x88: {  	s2 =	sld [smem:$0x3FD9]  }
0x89: {  	s3 =	sld [smem:$0x3FFE];
	_ =	sdelay $0x1  }
0x8a: {  	s1 =	srdreg.scid  }
0x8b: {  	s0 =	sand.u32 $0x1, s1  }
0x8c: {  	s16 =	sshll.u32 s0, $0xA;
	s2 =	sadd.s32 s3, s2  }
0x8d: {  	s2 =	sadd.s32 s2, s16  }
0x8e: {  	[smem:$0x3FBE] =	sst s2  }
0x8f: {  	_ = 	snop  }
0x90: {  	(tm) =	ssettm $0x1  }
0x91: {  	s17 =	sld [smem:$0x3FFB];
	_ =	sdelay $0x3  }
0x92: {  	_ =	strace s17  }
0x93: {  	s2 =	sld [smem:$0x3FFC];
	_ =	sdelay $0x3  }
0x94: {  	_ =	strace s2  }
0x95: {  	s2 =	sld [smem:$0x3FFD];
	_ =	sdelay $0x3  }
0x96: {  	_ =	strace s2  }
0x97: {  	_ =	strace $0x8FFFFFFF  }
0x98: {  	s18 =	sld [smem:$0x3FDB];
	_ =	sdelay $0x1  }
0x99: {  	s19 =	simm.s32 $_scs_section_size  }
0x9a: {  	s4 =	simm.s32 $_size__tile_overlayer_lowered;
	s5 =	simm.s32 $_tile_overlayer_lowered  }
0x9b: {  	s22 =	simm.s32 $0x1BFF;
	s21 =	sshll.u32 s5, $0x1;
	s2 =	sadd.s32 s19, s18  }
0x9c: {  	s6 =	simm.s32 $0x0;
	s20 =	sshll.u32 s4, $0x1;
	s4 =	sadd.s32 s21, s2  }
0x9d: {  	[timem:s6], [sflag:s22] =	dma.local [hbm:s4], s20  }
0x9e: {  	_ =	swait.ge [sflag:s22], s20  }
0x9f: {  	s3 =	ssub.s32 $0x0, s20;
	[sflag:s22] =	ssyncset.done $0x0  }
0xa0: {  	[sflag:s22] =	ssyncadd.s32 s3;
	_ =	sdelay $0x1  }
0xa1: {  	s23 =	simm.s32 $0x1B8B  }
0xa2: {  	_ =	swait.ge [sflag:s23], $0x1  }
0xa3: {  	[sflag:s23] =	ssyncset.done $0x0  }
0xa4: {  	s25 =	simm.s32 $0x1B8E;
	s24 =	sld [smem:$0x3FFE];
	[sflag:s23] =	ssyncadd.s32 $0xFFFFFFFF  }
0xa5: {  	s26 =	simm.s32 $execute0_lowered;
	[smem:$0x3FD2] =	sst s25  }
0xa6: {  	s4 =	sshll.u32 s26, $0x1;
	_ =	strace $0x80000046;
	[dreg:$0x1] =	wrdreg $0xFFFFFFFF  }
0xa7: {  	s28 =	simm.s32 $_size_execute0_lowered;
	s2 =	sadd.s32 s2, s4;
	[dreg:$0x0] =	wrdreg $0x0  }
0xa8: {  	s4 =	sshll.u32 s28, $0x1;
	[dreg:$0x2] =	wrdreg s2  }
0xa9: {  	[dreg:$0x3] =	wrdreg s4  }
0xaa: {  	[dreg:$0x4] =	wrdreg $0xC0  }
0xab: {  	_ =	task [dreg:s6], $0x5FFFF  }
0xac: {  	[dreg:$0x1] =	wrdreg $0xFFFFFFFF  }
0xad: {  	[dreg:$0x0] =	wrdreg $0x60  }
0xae: {  	[dreg:$0x2] =	wrdreg s24  }
0xaf: {  	[dreg:$0x3] =	wrdreg $0xC  }
0xb0: {  	_ =	task.clear_ibuf [dreg:s6], $0x4FFFF;
	_ =	strace $0x90000046  }
0xb1: {  	s29 =	simm.s32 $0xC;
	_ =	strace $0x80000048  }
0xb2: {  	_ =	swait.ge [sflag:s29], $0x1  }
0xb3: {  	[sflag:s29] =	ssyncadd.s32 $0xFFFFFFFF  }
0xb4: {  	_ =	strace $0x90000048  }
0xb5: {  	_ =	sfence  }
0xb6: {  	s30 =	sld [smem:$0x0];
	_ =	sdelay $0x2  }
0xb7: {  	s31 =	sshll.u32 s1, $0xD;
	s1 =	sshrl.u32 s1, $0x2  }
0xb8: {  	s3 =	sand.u32 $0x4000, s31;
	s1 =	sadd.s32 s1, s30  }
0xb9: {  	s0 =	sor.u32 s3, s0;
	s1 =	sshll.u32 s1, $0x11  }
0xba: {  	s0 =	sor.u32 s1, s0  }
0xbb: {  	s0 =	sadd.s32 $0x8F2B, s0  }
0xbc: {  	[sflag:s0] =	ssyncadd.remote.s32 $0x1  }
0xbd: {  	_ =	sfence.sel $0xFFFF  }
0xbe: {  	[dreg:$0x0] =	wrdreg $0xFFFFFFFF;
	(pc) =	sbr.abs _section_cstart, $3  }
0xbf: {  	[dreg:$0x1] =	wrdreg $0xFFFFFFFF  }
0xc0: {  	_ =	task.clear_ibuf [dreg:s6], $0x2FFFF;
	_ =	strace $0x9FFFFFFF  }
0xc1: {  	(tm) =	ssettm $0x7FFFFFFF  }
tec
execute0_lowered:
.L_overlay_start_1:
0x0: {  	(tag) =	ssettag $0x1  }
0x1: {  	s0 =	rddreg [dreg:$0x0]  }
0x2: {  	s1 =	srdreg.scid;
	s2 =	simm.s32 $0x0;
	s7 =	stileid.u32  }
0x3: {  	s24 =	simm.s32 $0xC00;
	s25 =	simm.s32 $0x1400;
	[smem:$0x7FF] =	sst s2  }
0x4: {  	s26 =	simm.s32 $0x1C00;
	_ =	strace $0x80000047;
	[dreg:$0x2] =	wrdreg s24  }
0x5: {  	s31 =	simm.s32 $0x2400;
	s11 =	simm.s32 $0x2C00;
	[dreg:$0x3] =	wrdreg s25  }
0x6: {  	s12 =	simm.s32 $0x3400;
	s13 =	simm.s32 $0x3C00;
	[dreg:$0x4] =	wrdreg s26  }
0x7: {  	s14 =	simm.s32 $0x4400;
	s16 =	simm.s32 $0x4C00;
	[dreg:$0x5] =	wrdreg s31  }
0x8: {  	s18 =	simm.s32 $0x5400;
	s19 =	simm.s32 $0x5C00;
	[dreg:$0x6] =	wrdreg s11  }
0x9: {  	s20 =	simm.s32 $0x6400;
	s21 =	simm.s32 $0x6C00;
	[dreg:$0x7] =	wrdreg s12  }
0xa: {  	s22 =	simm.s32 $0x7400;
	s23 =	simm.s32 $0x7C00;
	[dreg:$0x8] =	wrdreg s13  }
0xb: {  	s28 =	simm.s32 $0x2;
	s29 =	simm.s32 $0x0;
	[dreg:$0x9] =	wrdreg s14  }
0xc: {  	s1 =	sand.u32 $0x1, s1;
	s4 =	sshll.u32 s7, $0xB;
	[dreg:$0xa] =	wrdreg s16  }
0xd: {  	s3 =	sadd.s32 $0x4800, s0;
	s6 =	sshll.u32 s7, $0x11;
	[dreg:$0xb] =	wrdreg s18  }
0xe: {  	s7 =	sshll.u32 s7, $0xF;
	s5 =	sshll.u32 s1, $0xA;
	[dreg:$0xc] =	wrdreg s19  }
0xf: {  	s9 =	sadd.s32 s6, s0;
	s8 =	sadd.s32 s7, s0;
	[dreg:$0xd] =	wrdreg s20  }
0x10: {  	s30 =	ssub.s32 $0x2, s1;
	s6 =	sadd.s32 $0x4900, s0;
	[dreg:$0xe] =	wrdreg s21  }
0x11: {  	s17 =	sshll.u32 s1, $0xE;
	s1 =	sshll.u32 s1, $0x10;
	[dreg:$0xf] =	wrdreg s22  }
0x12: {  	[dreg:$0x10] =	wrdreg s23;
	s24 =	simm.s32 $0x8C00;
	s11 =	simm.s32 $0x400  }
0x13: {  	s25 =	simm.s32 $0x9400;
	s12 =	simm.s32 $0x40;
	s26 =	simm.s32 $0x9C00  }
0x14: {  	s13 =	simm.s32 $0x10400;
	s14 =	simm.s32 $0x8400;
	s31 =	simm.s32 $0xAC00  }
0x15: {  	s16 =	simm.s32 $0xBC00;
	s18 =	simm.s32 $0xCC00;
	s19 =	simm.s32 $0xD400  }
0x16: {  	s20 =	simm.s32 $0xDC00;
	s21 =	simm.s32 $0xE400;
	s22 =	simm.s32 $0xEC00  }
0x17: {  	s23 =	simm.s32 $0xF400;
	s5 =	sor.u32 s5, s4;
	[dreg:$0x11] =	wrdreg s24  }
0x18: {  	s4 =	sadd.s32 $0x84800, s0;
	s10 =	sshrl.u32 s30, $0x1;
	[dreg:$0x12] =	wrdreg s25  }
0x19: {  	s8 =	sadd.s32 s17, s8;
	s1 =	sadd.s32 s1, s9;
	[dreg:$0x13] =	wrdreg s26  }
0x1a: {  	[dreg:$0x15] =	wrdreg s31;
	s17 =	simm.s32 $0xC400;
	s24 =	simm.s32 $0xFC00  }
0x1b: {  	s25 =	simm.s32 $0x12400;
	s26 =	simm.s32 $0x1;
	s5 =	sshrl.u32 s5, $0x3  }
0x1c: {  	s7 =	ssub.s32 s30, s10;
	s8 =	sadd.s32 $0x2A4800, s8;
	s30 =	simm.s32 $0xA400  }
0x1d: {  	v2 =	vlaneseq.u32;
	s5 =	sadd.s32 s5, s0;
	s15 =	smax.u32 s7, $0x1;
	[dreg:$0x14] =	wrdreg s30  }
0x1e: {  	vm0 =	vmmov $0xffff;
	v1 =	vshrl.u32 v2, $0x3;
	s9 =	sadd.s32 $0xA4800, s1;
	s5 =	sadd.s32 $0x3800, s5;
	[dreg:$0x17] =	wrdreg s15  }
0x1f: {  	v0 =	vand.u32 $0x7, v2;
	v2 =	vor.u32 $0x8, v2;
	v1 =	vmul.u32 $0x8, v1;
	s10 =	simm.s32 $0x3;
	s15 =	simm.s32 $0xB400;
	[dreg:$0x16] =	wrdreg s5  }
.LBB2_1:
0x20: {  	s0 =	rddreg [dreg:$0x16]  }
0x21: {  	[tilespmem:s2], [sflag:$0x3] =	stream.linear.gather [hbm4b:s0+s2], $0x400, $0x38;
	[tilespmem:$0x14400] =	vst v63  }
0x22: {  	_ =	swait.ge [sflag:s10], $0x400  }
0x23: {  	s30 =	smov.u32 s9;
	[sflag:s10] =	ssyncset.done $0x0  }
0x24: {  	s31 =	smov.u32 s8;
	s0 =	simm.s32 $0x0;
	[sflag:s10] =	ssyncadd.s32 $0xFFFFFC00  }
.LBB2_2:
0x25: {  	s1 =	sshra.s32 s0, $0x2  }
0x26: {  	v3 =	vld [tilespmem:s1+$0x0];
	_ =	sdelay $0x4  }
0x27: {  	v4 =	vshll.u32 v3, $0x2  }
0x28: {  	v3 =	vand.u32 $0x7, v3;
	v4 =	vand.u32 $0xFFFFFFE0, v4  }
0x29: {  	v3 =	vor.u32 v3, v4  }
0x2a: {  	v4 =	vperm.xlane v3, v0;
	_ =	sdelay $0x1  }
0x2b: {  	v4 =	vadd.s32 v1, v4;
	_ =	sdelay $0x1  }
0x2c: {  	v3 =	vperm.xlane v3, v2;
	_ =	sdelay $0x1  }
0x2d: {  	v3 =	vadd.s32 v1, v3  }
0x2e: {  	[tilespmem:s11], [sflag:$0x1] =	stream.indirect_vreg.gather [hbm4b:s3+s2], $0x80, v4, vm0, $0xb8;
	[tilespmem:$0x14400] =	vst v63  }
0x2f: {  	s5 =	rddreg [dreg:$0x2]  }
0x30: {  	[tilespmem:s5], [sflag:$0x1] =	stream.indirect_vreg.gather [hbm4b:s6+s2], $0x80, v4, vm0, $0xb8;
	[tilespmem:$0x14400] =	vst v63  }
0x31: {  	s7 =	rddreg [dreg:$0x3]  }
0x32: {  	[tilespmem:s7], [sflag:$0x1] =	stream.indirect_vreg.gather [hbm4b:s3+s2], $0x80, v3, vm0, $0xb8;
	[tilespmem:$0x14400] =	vst v63  }
0x33: {  	s5 =	rddreg [dreg:$0x4]  }
0x34: {  	[tilespmem:s5], [sflag:$0x1] =	stream.indirect_vreg.gather [hbm4b:s6+s2], $0x80, v3, vm0, $0xb8;
	[tilespmem:$0x14400] =	vst v63  }
0x35: {  	v3 =	vld [tilespmem:s1+$0x10];
	_ =	sdelay $0x4  }
0x36: {  	v57 =	vshll.u32 v3, $0x2  }
0x37: {  	v3 =	vand.u32 $0x7, v3;
	v4 =	vand.u32 $0xFFFFFFE0, v57  }
0x38: {  	v3 =	vor.u32 v3, v4  }
0x39: {  	v4 =	vperm.xlane v3, v0;
	_ =	sdelay $0x1  }
0x3a: {  	v4 =	vadd.s32 v1, v4;
	_ =	sdelay $0x1  }
0x3b: {  	v3 =	vperm.xlane v3, v2;
	_ =	sdelay $0x1  }
0x3c: {  	s5 =	rddreg [dreg:$0x5];
	v3 =	vadd.s32 v1, v3  }
0x3d: {  	[tilespmem:s5], [sflag:$0x1] =	stream.indirect_vreg.gather [hbm4b:s3+s2], $0x80, v4, vm0, $0xb8;
	[tilespmem:$0x14400] =	vst v63  }
0x3e: {  	s7 =	rddreg [dreg:$0x6]  }
0x3f: {  	[tilespmem:s7], [sflag:$0x1] =	stream.indirect_vreg.gather [hbm4b:s6+s2], $0x80, v4, vm0, $0xb8;
	[tilespmem:$0x14400] =	vst v63  }
0x40: {  	s5 =	rddreg [dreg:$0x7]  }
0x41: {  	[tilespmem:s5], [sflag:$0x1] =	stream.indirect_vreg.gather [hbm4b:s3+s2], $0x80, v3, vm0, $0xb8;
	[tilespmem:$0x14400] =	vst v63  }
0x42: {  	s7 =	rddreg [dreg:$0x8]  }
0x43: {  	[tilespmem:s7], [sflag:$0x1] =	stream.indirect_vreg.gather [hbm4b:s6+s2], $0x80, v3, vm0, $0xb8;
	[tilespmem:$0x14400] =	vst v63  }
0x44: {  	v3 =	vld [tilespmem:s1+$0x20];
	_ =	sdelay $0x4  }
0x45: {  	v58 =	vshll.u32 v3, $0x2  }
0x46: {  	v3 =	vand.u32 $0x7, v3;
	v4 =	vand.u32 $0xFFFFFFE0, v58  }
0x47: {  	v3 =	vor.u32 v3, v4  }
0x48: {  	v4 =	vperm.xlane v3, v0;
	_ =	sdelay $0x1  }
0x49: {  	v4 =	vadd.s32 v1, v4;
	_ =	sdelay $0x1  }
0x4a: {  	v3 =	vperm.xlane v3, v2;
	_ =	sdelay $0x1  }
0x4b: {  	s5 =	rddreg [dreg:$0x9];
	v3 =	vadd.s32 v1, v3  }
0x4c: {  	[tilespmem:s5], [sflag:$0x1] =	stream.indirect_vreg.gather [hbm4b:s3+s2], $0x80, v4, vm0, $0xb8;
	[tilespmem:$0x14400] =	vst v63  }
0x4d: {  	s7 =	rddreg [dreg:$0xa]  }
0x4e: {  	[tilespmem:s7], [sflag:$0x1] =	stream.indirect_vreg.gather [hbm4b:s6+s2], $0x80, v4, vm0, $0xb8;
	[tilespmem:$0x14400] =	vst v63  }
0x4f: {  	s5 =	rddreg [dreg:$0xb]  }
0x50: {  	[tilespmem:s5], [sflag:$0x1] =	stream.indirect_vreg.gather [hbm4b:s3+s2], $0x80, v3, vm0, $0xb8;
	[tilespmem:$0x14400] =	vst v63  }
0x51: {  	s7 =	rddreg [dreg:$0xc]  }
0x52: {  	[tilespmem:s7], [sflag:$0x1] =	stream.indirect_vreg.gather [hbm4b:s6+s2], $0x80, v3, vm0, $0xb8;
	[tilespmem:$0x14400] =	vst v63  }
0x53: {  	v3 =	vld [tilespmem:s1+$0x30];
	_ =	sdelay $0x4  }
0x54: {  	v59 =	vshll.u32 v3, $0x2  }
0x55: {  	v3 =	vand.u32 $0x7, v3;
	v4 =	vand.u32 $0xFFFFFFE0, v59  }
0x56: {  	v3 =	vor.u32 v3, v4  }
0x57: {  	v4 =	vperm.xlane v3, v0;
	_ =	sdelay $0x1  }
0x58: {  	v4 =	vadd.s32 v1, v4;
	_ =	sdelay $0x1  }
0x59: {  	v3 =	vperm.xlane v3, v2;
	_ =	sdelay $0x1  }
0x5a: {  	s5 =	rddreg [dreg:$0xd];
	v3 =	vadd.s32 v1, v3  }
0x5b: {  	[tilespmem:s5], [sflag:$0x1] =	stream.indirect_vreg.gather [hbm4b:s3+s2], $0x80, v4, vm0, $0xb8;
	[tilespmem:$0x14400] =	vst v63  }
0x5c: {  	s7 =	rddreg [dreg:$0xe]  }
0x5d: {  	[tilespmem:s7], [sflag:$0x1] =	stream.indirect_vreg.gather [hbm4b:s6+s2], $0x80, v4, vm0, $0xb8;
	[tilespmem:$0x14400] =	vst v63  }
0x5e: {  	s5 =	rddreg [dreg:$0xf]  }
0x5f: {  	[tilespmem:s5], [sflag:$0x1] =	stream.indirect_vreg.gather [hbm4b:s3+s2], $0x80, v3, vm0, $0xb8;
	[tilespmem:$0x14400] =	vst v63  }
0x60: {  	s7 =	rddreg [dreg:$0x10]  }
0x61: {  	[tilespmem:s7], [sflag:$0x1] =	stream.indirect_vreg.gather [hbm4b:s6+s2], $0x80, v3, vm0, $0xb8;
	[tilespmem:$0x14400] =	vst v63  }
0x62: {  	_ = 	snop  }
0x63: {  	[tilespmem:s13], [sflag:$0x1] =	stream.indirect.gather [hbm4b:s4+s12], $0x80, s1, s12, $0xb8;
	[tilespmem:$0x14400] =	vst v63  }
0x64: {  	v3 =	vld [tilespmem:s1+$0x40];
	_ =	sdelay $0x4  }
0x65: {  	v60 =	vshll.u32 v3, $0x2  }
0x66: {  	v3 =	vand.u32 $0x7, v3;
	v4 =	vand.u32 $0xFFFFFFE0, v60  }
0x67: {  	v3 =	vor.u32 v3, v4  }
0x68: {  	v4 =	vperm.xlane v3, v0;
	_ =	sdelay $0x1  }
0x69: {  	v4 =	vadd.s32 v1, v4;
	_ =	sdelay $0x1  }
0x6a: {  	v3 =	vperm.xlane v3, v2;
	_ =	sdelay $0x1  }
0x6b: {  	v3 =	vadd.s32 v1, v3  }
0x6c: {  	[tilespmem:s14], [sflag:$0x2] =	stream.indirect_vreg.gather [hbm4b:s3+s2], $0x80, v4, vm0, $0xb8;
	[tilespmem:$0x14400] =	vst v63  }
0x6d: {  	s5 =	rddreg [dreg:$0x11]  }
0x6e: {  	[tilespmem:s5], [sflag:$0x2] =	stream.indirect_vreg.gather [hbm4b:s6+s2], $0x80, v4, vm0, $0xb8;
	[tilespmem:$0x14400] =	vst v63  }
0x6f: {  	s7 =	rddreg [dreg:$0x12]  }
0x70: {  	[tilespmem:s7], [sflag:$0x2] =	stream.indirect_vreg.gather [hbm4b:s3+s2], $0x80, v3, vm0, $0xb8;
	[tilespmem:$0x14400] =	vst v63  }
0x71: {  	s5 =	rddreg [dreg:$0x13]  }
0x72: {  	[tilespmem:s5], [sflag:$0x2] =	stream.indirect_vreg.gather [hbm4b:s6+s2], $0x80, v3, vm0, $0xb8;
	[tilespmem:$0x14400] =	vst v63  }
0x73: {  	v3 =	vld [tilespmem:s1+$0x50];
	_ =	sdelay $0x4  }
0x74: {  	v61 =	vshll.u32 v3, $0x2  }
0x75: {  	v3 =	vand.u32 $0x7, v3;
	v4 =	vand.u32 $0xFFFFFFE0, v61  }
0x76: {  	v3 =	vor.u32 v3, v4  }
0x77: {  	v4 =	vperm.xlane v3, v0;
	_ =	sdelay $0x1  }
0x78: {  	v4 =	vadd.s32 v1, v4;
	_ =	sdelay $0x1  }
0x79: {  	v3 =	vperm.xlane v3, v2;
	_ =	sdelay $0x1  }
0x7a: {  	s5 =	rddreg [dreg:$0x14];
	v3 =	vadd.s32 v1, v3  }
0x7b: {  	[tilespmem:s5], [sflag:$0x2] =	stream.indirect_vreg.gather [hbm4b:s3+s2], $0x80, v4, vm0, $0xb8;
	[tilespmem:$0x14400] =	vst v63  }
0x7c: {  	s7 =	rddreg [dreg:$0x15]  }
0x7d: {  	[tilespmem:s7], [sflag:$0x2] =	stream.indirect_vreg.gather [hbm4b:s6+s2], $0x80, v4, vm0, $0xb8;
	[tilespmem:$0x14400] =	vst v63  }
0x7e: {  	_ = 	snop  }
0x7f: {  	[tilespmem:s15], [sflag:$0x2] =	stream.indirect_vreg.gather [hbm4b:s3+s2], $0x80, v3, vm0, $0xb8;
	[tilespmem:$0x14400] =	vst v63  }
0x80: {  	_ = 	snop  }
0x81: {  	[tilespmem:s16], [sflag:$0x2] =	stream.indirect_vreg.gather [hbm4b:s6+s2], $0x80, v3, vm0, $0xb8;
	[tilespmem:$0x14400] =	vst v63  }
0x82: {  	v3 =	vld [tilespmem:s1+$0x60];
	_ =	sdelay $0x4  }
0x83: {  	v62 =	vshll.u32 v3, $0x2  }
0x84: {  	v3 =	vand.u32 $0x7, v3;
	v4 =	vand.u32 $0xFFFFFFE0, v62  }
0x85: {  	v3 =	vor.u32 v3, v4  }
0x86: {  	v4 =	vperm.xlane v3, v0;
	_ =	sdelay $0x1  }
0x87: {  	v4 =	vadd.s32 v1, v4;
	_ =	sdelay $0x1  }
0x88: {  	v3 =	vperm.xlane v3, v2;
	_ =	sdelay $0x1  }
0x89: {  	v3 =	vadd.s32 v1, v3  }
0x8a: {  	[tilespmem:s17], [sflag:$0x2] =	stream.indirect_vreg.gather [hbm4b:s3+s2], $0x80, v4, vm0, $0xb8;
	[tilespmem:$0x14400] =	vst v63  }
0x8b: {  	_ = 	snop  }
0x8c: {  	[tilespmem:s18], [sflag:$0x2] =	stream.indirect_vreg.gather [hbm4b:s6+s2], $0x80, v4, vm0, $0xb8;
	[tilespmem:$0x14400] =	vst v63  }
0x8d: {  	_ = 	snop  }
0x8e: {  	[tilespmem:s19], [sflag:$0x2] =	stream.indirect_vreg.gather [hbm4b:s3+s2], $0x80, v3, vm0, $0xb8;
	[tilespmem:$0x14400] =	vst v63  }
0x8f: {  	_ = 	snop  }
0x90: {  	[tilespmem:s20], [sflag:$0x2] =	stream.indirect_vreg.gather [hbm4b:s6+s2], $0x80, v3, vm0, $0xb8;
	[tilespmem:$0x14400] =	vst v63  }
0x91: {  	v3 =	vld [tilespmem:s1+$0x70];
	_ =	sdelay $0x4  }
0x92: {  	v63 =	vshll.u32 v3, $0x2  }
0x93: {  	v3 =	vand.u32 $0x7, v3;
	v4 =	vand.u32 $0xFFFFFFE0, v63  }
0x94: {  	v3 =	vor.u32 v3, v4  }
0x95: {  	v4 =	vperm.xlane v3, v0;
	_ =	sdelay $0x1  }
0x96: {  	v4 =	vadd.s32 v1, v4;
	_ =	sdelay $0x1  }
0x97: {  	v3 =	vperm.xlane v3, v2;
	_ =	sdelay $0x1  }
0x98: {  	v3 =	vadd.s32 v1, v3  }
0x99: {  	[tilespmem:s21], [sflag:$0x2] =	stream.indirect_vreg.gather [hbm4b:s3+s2], $0x80, v4, vm0, $0xb8;
	[tilespmem:$0x14400] =	vst v63  }
0x9a: {  	_ = 	snop  }
0x9b: {  	[tilespmem:s22], [sflag:$0x2] =	stream.indirect_vreg.gather [hbm4b:s6+s2], $0x80, v4, vm0, $0xb8;
	[tilespmem:$0x14400] =	vst v63  }
0x9c: {  	_ = 	snop  }
0x9d: {  	[tilespmem:s23], [sflag:$0x2] =	stream.indirect_vreg.gather [hbm4b:s3+s2], $0x80, v3, vm0, $0xb8;
	[tilespmem:$0x14400] =	vst v63  }
0x9e: {  	_ = 	snop  }
0x9f: {  	[tilespmem:s24], [sflag:$0x2] =	stream.indirect_vreg.gather [hbm4b:s6+s2], $0x80, v3, vm0, $0xb8;
	[tilespmem:$0x14400] =	vst v63  }
0xa0: {  	s1 =	sadd.s32 $0x40, s1  }
0xa1: {  	[tilespmem:s25], [sflag:$0x2] =	stream.indirect.gather [hbm4b:s4+s12], $0x80, s1, s12, $0xb8;
	[tilespmem:$0x14400] =	vst v63  }
0xa2: {  	_ =	swait.ge [sflag:s26], $0x8000  }
0xa3: {  	[sflag:s26] =	ssyncset.done $0x0  }
0xa4: {  	[sflag:s26] =	ssyncadd.s32 $0xFFFF8000  }
0xa5: {  	_ =	swait.ge [sflag:s26], $0x2000  }
0xa6: {  	[sflag:s26] =	ssyncset.done $0x0  }
0xa7: {  	[sflag:s26] =	ssyncadd.s32 $0xFFFFE000  }
0xa8: {  	[hbm4b:s30+s2] =	stream.linear.scatter [tilespmem:s11], [sflag:$0x3], $0x8000, $0x38;
	[tilespmem:$0x14400] =	vst v63  }
0xa9: {  	_ =	swait.ge [sflag:s10], $0x8000  }
0xaa: {  	[sflag:s10] =	ssyncset.done $0x0  }
0xab: {  	[sflag:s10] =	ssyncadd.s32 $0xFFFF8000  }
0xac: {  	[hbm4b:s31+s2] =	stream.linear.scatter [tilespmem:s13], [sflag:$0x3], $0x2000, $0x38;
	[tilespmem:$0x14400] =	vst v63  }
0xad: {  	_ =	swait.ge [sflag:s10], $0x2000  }
0xae: {  	[sflag:s10] =	ssyncset.done $0x0  }
0xaf: {  	[sflag:s10] =	ssyncadd.s32 $0xFFFFE000  }
0xb0: {  	_ =	swait.ge [sflag:s28], $0x8000  }
0xb1: {  	[sflag:s28] =	ssyncset.done $0x0  }
0xb2: {  	[sflag:s28] =	ssyncadd.s32 $0xFFFF8000  }
0xb3: {  	_ =	swait.ge [sflag:s28], $0x2000  }
0xb4: {  	[sflag:s28] =	ssyncset.done $0x0  }
0xb5: {  	s5 =	sadd.s32 $0x1000, s30;
	[sflag:s28] =	ssyncadd.s32 $0xFFFFE000  }
0xb6: {  	[hbm4b:s5+s2] =	stream.linear.scatter [tilespmem:s14], [sflag:$0x3], $0x8000, $0x38;
	[tilespmem:$0x14400] =	vst v63  }
0xb7: {  	_ =	swait.ge [sflag:s10], $0x8000  }
0xb8: {  	p0 =	sne.s32 s0, $0xE00;
	[sflag:s10] =	ssyncset.done $0x0  }
.Ltmp0:
0xb9: {  	s7 =	sadd.s32 $0x400, s31;
	[sflag:s10] =	ssyncadd.s32 $0xFFFF8000;
	(pc) =	sbr.rel @p0 .LBB2_2-.Ltmp0, $4  }
0xba: {  	[hbm4b:s7+s2] =	stream.linear.scatter [tilespmem:s25], [sflag:$0x3], $0x2000, $0x38;
	[tilespmem:$0x14400] =	vst v63  }
0xbb: {  	_ =	swait.ge [sflag:s10], $0x2000  }
0xbc: {  	s0 =	sadd.s32 $0x200, s0;
	[sflag:s10] =	ssyncset.done $0x0  }
0xbd: {  	s30 =	sadd.s32 $0x2000, s30;
	s31 =	sadd.s32 $0x800, s31;
	[sflag:s10] =	ssyncadd.s32 $0xFFFFE000  }
0xbe: {  	s29 =	sadd.s32 $0x1, s29;
	s0 =	rddreg [dreg:$0x17]  }
0xbf: {  	p0 =	sne.s32 s29, s0  }
.Ltmp1:
0xc0: {  	_ = 	snop;
	(pc) =	sbr.rel @p0 .LBB2_1-.Ltmp1, $1  }
0xc1: {  	_ =	sdelay $0x3  }
0xc2: {  	_ =	sfence.sel $0x180000  }
0xc3: {  	[bflag:$0x0] =	sbarrier.arrive $0xFFFF  }
0xc4: {  	_ =	strace $0x90000047  }
0xc5: {  	s0 =	stileid.u32;
	[bflag:$0x2] =	sbarrier.arrive $0xFFFF  }
0xc6: {  	p0 =	sne.s32 s0, $0x0;
	s0 =	rddreg [dreg:$0x1]  }
0xc7: {  	s0 =	sadd.s32 @!p0 $0x100000, s0  }
0xc8: {  	[sflag:s0] =	ssyncadd.tile.s32 @!p0 $0x1;
	_ =	shalt  }
.Lfunc_end2:
_tile_overlayer_lowered:
.L_overlay_start_2:
0xc9: {  	(tag) =	ssettag $0x2  }
0xca: {  	s0 =	rddreg [dreg:$0x0];
	s2 =	stileid.u32  }
0xcb: {  	s1 =	rddreg [dreg:$0x1];
	p0 =	sne.s32 s2, $0x0  }
0xcc: {  	s3 =	rddreg [dreg:$0x2];
	[bflag:$0x3] =	sbarrier.arrive $0xFFFF;
	s2 =	simm.s32 @!p0 $0x1C03  }
0xcd: {  	[timem:s3], [sflag:s2] =	dma.local @!p0 [hbm:s0], s1  }
0xce: {  	s0 =	simm.s32 @!p0 $0x3  }
0xcf: {  	_ =	swait.ge @!p0 [sflag:s0], s1  }
0xd0: {  	s1 =	ssub.s32 @!p0 $0x0, s1;
	[sflag:s0] =	ssyncset.done @!p0 $0x0  }
0xd1: {  	[sflag:s0] =	ssyncadd.s32 @!p0 s1  }
0xd2: {  	[bflag:$0x3] =	sbarrier.arrive $0xFFFF  }
0xd3: {  	_ =	shalt  }

</sc_bundles>
